<compile_context>
chip_gen: v7x
topology: tpu7x:2x2x1
jax: 0.10.2.dev20260603
libtpu: 0.0.44.dev20260713+nightly
codegen_flags: <defaults>
</compile_context>

<pallas_src>
import functools

import jax
import jax.numpy as jnp
from jax import lax
from jax.experimental import pallas as pl
from jax.experimental.pallas import tpu as pltpu
from jax.experimental.pallas import tpu_sc as plsc

_NW = 32
_RPW = 16384 // _NW
_DR = 32
_YC = 128


def _body(x_hbm, y_hbm, z_hbm, xo_hbm, yo_hbm, zo_hbm,
          dbuf, ybuf, out_v, dsem, ysem, osem, yosem):
    c = lax.axis_index("c")
    s = lax.axis_index("s")
    w = s * 2 + c

    y0 = w * _RPW
    y_in = [None] * 4

    def start_y(k):
        y_in[k] = pltpu.async_copy(
            y_hbm.at[pl.ds(y0 + k * _YC, _YC), pl.ds(0, 128)],
            ybuf.at[k % 2],
            ysem.at[k % 2],
        )

    start_y(0)
    start_y(1)

    p = w // 16
    q = w % 16
    src_row = jnp.where(p == 0, 8, 5)
    pairs = []
    for i in range(4):
        r = pl.ds(q * 128 + i * _DR, _DR)
        pairs.append((x_hbm.at[src_row, r], xo_hbm.at[p, r]))
    for i in range(2):
        r = pl.ds(w * 64 + i * _DR, _DR)
        pairs.append((z_hbm.at[2, r], zo_hbm.at[0, r]))

    d_in = [None] * 6
    d_out = [None] * 6

    def start_d(i):
        d_in[i] = pltpu.async_copy(pairs[i][0], dbuf.at[i % 2], dsem.at[i % 2])

    start_d(0)
    for i in range(6):
        if i + 1 < 6:
            if i >= 1:
                d_out[i - 1].wait()
            start_d(i + 1)
        d_in[i].wait()
        d_out[i] = pltpu.async_copy(dbuf.at[i % 2], pairs[i][1], osem)

    lanes = lax.iota(jnp.int32, 16)
    for k in range(4):
        y_in[k].wait()
        for j in range(16):
            k16 = j * 16 + lanes
            out_v[k * 16 + j] = plsc.load_gather(
                ybuf.at[k % 2], [k16 >> 1, 1 - (k16 & 1)]
            )
        if k + 2 < 4:
            start_y(k + 2)
    yo_dma = pltpu.async_copy(out_v, yo_hbm.at[w], yosem)

    d_out[4].wait()
    d_out[5].wait()
    yo_dma.wait()


def kernel(x, y, z):
    x2 = x.reshape(16, 2048, 1024)
    y2 = y.reshape(16384, 2048)
    z2 = z.reshape(8, 2048, 1024)

    mesh = plsc.VectorSubcoreMesh(core_axis_name="c", subcore_axis_name="s")
    run = functools.partial(
        pl.kernel,
        mesh=mesh,
        out_type=(
            jax.ShapeDtypeStruct((2, 2048, 1024), jnp.float32),
            jax.ShapeDtypeStruct((_NW, _RPW * 2 // 16, 16), jnp.float32),
            jax.ShapeDtypeStruct((1, 2048, 1024), jnp.float32),
        ),
        scratch_types=[
            pltpu.VMEM((2, _DR, 1024), jnp.float32),
            pltpu.VMEM((2, _YC, 128), jnp.float32),
            pltpu.VMEM((_RPW * 2 // 16, 16), jnp.float32),
            pltpu.SemaphoreType.DMA((2,)),
            pltpu.SemaphoreType.DMA((2,)),
            pltpu.SemaphoreType.DMA,
            pltpu.SemaphoreType.DMA,
        ],
        compiler_params=pltpu.CompilerParams(needs_layout_passes=False),
    )(_body)
    x_out, y_out, z_out = run(x2, y2, z2)
    return (x_out, y_out.reshape(4, 4096, 2), z_out)

# --- scband reference (transcript-rebuilt; emitter-appended) ---
"""Pipeline reference for scband-model-47605417509074 (READ-ONLY COPY).

The authoritative reference and input builder live on the scoring server;
editing this copy changes nothing except your own understanding.
"""

import jax, jax.numpy as jnp
import numpy as np


def setup_inputs(seed: int = 0) -> dict:
    key = jax.random.key(seed)
    k1, k2, k3 = jax.random.split(key, 3)
    x = jax.random.normal(k1, (4, 4, 2048, 1024), dtype=jnp.float32)
    y = jax.random.normal(k2, (4, 4096, 2048), dtype=jnp.float32)
    z = jax.random.normal(k3, (2, 4, 2048, 1024), dtype=jnp.float32)
    return {"x": x, "y": y, "z": z}


def reference(x, y, z):
    # x[[2, 1], [0, 1]] : paired advanced indexing on dims 0 and 1 -> shape (2, 2048, 1024)
    ix0 = jnp.array([2, 1], dtype=jnp.int32)
    ix1 = jnp.array([0, 1], dtype=jnp.int32)
    x_out = x[ix0, ix1]
    # y[..., [1, 0]] : gather on last dim -> shape (4, 4096, 2)
    y_out = jnp.take(y, jnp.array([1, 0], dtype=jnp.int32), axis=-1)
    # z[[True, False], [False, False, True, False]] : boolean masks on dims 0 and 1.
    # torch converts each mask to its nonzero indices ([0] and [2]) and pairs them,
    # giving shape (1, 2048, 1024). Use equivalent integer indexing for determinism.
    iz0 = jnp.array([0], dtype=jnp.int32)
    iz1 = jnp.array([2], dtype=jnp.int32)
    z_out = z[iz0, iz1]
    return (x_out, y_out, z_out)

if __name__ == "__main__":
    import jax
    _d = setup_inputs()
    print(jax.jit(kernel)(*tuple(_d.values())))

</pallas_src>

<mosaic_0001>
#map = affine_map<(d0, d1) -> (0, 0, 0)>
#map1 = affine_map<(d0, d1) -> (0, 0)>
module attributes {stable_mosaic.version = 14 : i64} {
  func.func @_body(%arg0: i32, %arg1: i32, %arg2: memref<16x2048x1024xf32, #tpu.memory_space<hbm>>, %arg3: memref<16384x2048xf32, #tpu.memory_space<hbm>>, %arg4: memref<8x2048x1024xf32, #tpu.memory_space<hbm>>, %arg5: memref<2x2048x1024xf32, #tpu.memory_space<hbm>>, %arg6: memref<32x64x16xf32, #tpu.memory_space<hbm>>, %arg7: memref<1x2048x1024xf32, #tpu.memory_space<hbm>>, %arg8: memref<2x32x1024xf32, #tpu.memory_space<vmem>>, %arg9: memref<2x128x128xf32, #tpu.memory_space<vmem>>, %arg10: memref<64x16xf32, #tpu.memory_space<vmem>>, %arg11: memref<2x!tpu.dma_semaphore, #tpu.memory_space<semaphore_mem>>, %arg12: memref<2x!tpu.dma_semaphore, #tpu.memory_space<semaphore_mem>>, %arg13: memref<!tpu.dma_semaphore, #tpu.memory_space<semaphore_mem>>, %arg14: memref<!tpu.dma_semaphore, #tpu.memory_space<semaphore_mem>>) attributes {dimension_semantics = [#tpu.dimension_semantics<core_parallel>, #tpu.dimension_semantics<subcore_parallel>], iteration_bounds = array<i64: 2, 16>, scalar_prefetch = 0 : i64, scratch_operands = 7 : i64, tpu.core_type = #tpu.core_type<sc_vector_subcore>, window_params = [{transform_indices = #map}, {transform_indices = #map1}, {transform_indices = #map}, {transform_indices = #map}, {transform_indices = #map}, {transform_indices = #map}]} {
    %mul3A = arith.constant 2 : i32
    %mul3A_0 = arith.muli %arg1, %mul3A : i32
    %add3A = arith.addi %mul3A_0, %arg0 : i32
    %mul3A_1 = arith.constant 512 : i32
    %mul3A_2 = arith.muli %add3A, %mul3A_1 : i32
    %add3A_3 = arith.constant 0 : i32
    %add3A_4 = arith.addi %mul3A_2, %add3A_3 : i32
    %dma_start3A = arith.constant 0 : i32
    %dma_start3A_5 = arith.constant 0 : i32
    %dma_start3A_6 = arith.constant 0 : i32
    %dma_start3A_7 = arith.constant 0 : i32
    %dma_start3A_8 = tpu.memref_slice %arg9[%dma_start3A, %dma_start3A_6, %dma_start3A_7] : memref<2x128x128xf32, #tpu.memory_space<vmem>> -> memref<1x128x128xf32, #tpu.memory_space<vmem>>
    %dma_start3A_9 = tpu.memref_squeeze %dma_start3A_8 : memref<1x128x128xf32, #tpu.memory_space<vmem>> -> memref<128x128xf32, #tpu.memory_space<vmem>>
    %dma_start3A_10 = arith.constant 0 : i32
    %dma_start3A_11 = tpu.memref_slice %arg3[%add3A_4, %dma_start3A_10] : memref<16384x2048xf32, #tpu.memory_space<hbm>> -> memref<128x128xf32, #tpu.memory_space<hbm>>
    %dma_start3A_12 = tpu.memref_slice %arg12[%dma_start3A_5] : memref<2x!tpu.dma_semaphore, #tpu.memory_space<semaphore_mem>> -> memref<1x!tpu.dma_semaphore, #tpu.memory_space<semaphore_mem>>
    %dma_start3A_13 = tpu.memref_squeeze %dma_start3A_12 : memref<1x!tpu.dma_semaphore, #tpu.memory_space<semaphore_mem>> -> memref<!tpu.dma_semaphore, #tpu.memory_space<semaphore_mem>>
    %dma_start3A_14 = arith.constant 0 : i32
    %dma_start3A_15 = arith.constant 0 : i32
    %dma_start3A_16 = tpu.memref_slice %arg9[%dma_start3A, %dma_start3A_14, %dma_start3A_15] : memref<2x128x128xf32, #tpu.memory_space<vmem>> -> memref<1x128x128xf32, #tpu.memory_space<vmem>>
    %dma_start3A_17 = tpu.memref_squeeze %dma_start3A_16 : memref<1x128x128xf32, #tpu.memory_space<vmem>> -> memref<128x128xf32, #tpu.memory_space<vmem>>
    %dma_start3A_18 = arith.constant 0 : i32
    %dma_start3A_19 = tpu.memref_slice %arg3[%add3A_4, %dma_start3A_18] : memref<16384x2048xf32, #tpu.memory_space<hbm>> -> memref<128x128xf32, #tpu.memory_space<hbm>>
    tpu.enqueue_dma source(%dma_start3A_19 : memref<128x128xf32, #tpu.memory_space<hbm>>) target(%dma_start3A_17 : memref<128x128xf32, #tpu.memory_space<vmem>>) target_semaphore(%dma_start3A_13 : memref<!tpu.dma_semaphore, #tpu.memory_space<semaphore_mem>>)
    %add3A_20 = arith.constant 128 : i32
    %add3A_21 = arith.addi %mul3A_2, %add3A_20 : i32
    %dma_start3A_22 = arith.constant 1 : i32
    %dma_start3A_23 = arith.constant 1 : i32
    %dma_start3A_24 = arith.constant 0 : i32
    %dma_start3A_25 = arith.constant 0 : i32
    %dma_start3A_26 = tpu.memref_slice %arg9[%dma_start3A_22, %dma_start3A_24, %dma_start3A_25] : memref<2x128x128xf32, #tpu.memory_space<vmem>> -> memref<1x128x128xf32, #tpu.memory_space<vmem>>
    %dma_start3A_27 = tpu.memref_squeeze %dma_start3A_26 : memref<1x128x128xf32, #tpu.memory_space<vmem>> -> memref<128x128xf32, #tpu.memory_space<vmem>>
    %dma_start3A_28 = arith.constant 0 : i32
    %dma_start3A_29 = tpu.memref_slice %arg3[%add3A_21, %dma_start3A_28] : memref<16384x2048xf32, #tpu.memory_space<hbm>> -> memref<128x128xf32, #tpu.memory_space<hbm>>
    %dma_start3A_30 = tpu.memref_slice %arg12[%dma_start3A_23] : memref<2x!tpu.dma_semaphore, #tpu.memory_space<semaphore_mem>> -> memref<1x!tpu.dma_semaphore, #tpu.memory_space<semaphore_mem>>
    %dma_start3A_31 = tpu.memref_squeeze %dma_start3A_30 : memref<1x!tpu.dma_semaphore, #tpu.memory_space<semaphore_mem>> -> memref<!tpu.dma_semaphore, #tpu.memory_space<semaphore_mem>>
    %dma_start3A_32 = arith.constant 0 : i32
    %dma_start3A_33 = arith.constant 0 : i32
    %dma_start3A_34 = tpu.memref_slice %arg9[%dma_start3A_22, %dma_start3A_32, %dma_start3A_33] : memref<2x128x128xf32, #tpu.memory_space<vmem>> -> memref<1x128x128xf32, #tpu.memory_space<vmem>>
    %dma_start3A_35 = tpu.memref_squeeze %dma_start3A_34 : memref<1x128x128xf32, #tpu.memory_space<vmem>> -> memref<128x128xf32, #tpu.memory_space<vmem>>
    %dma_start3A_36 = arith.constant 0 : i32
    %dma_start3A_37 = tpu.memref_slice %arg3[%add3A_21, %dma_start3A_36] : memref<16384x2048xf32, #tpu.memory_space<hbm>> -> memref<128x128xf32, #tpu.memory_space<hbm>>
    tpu.enqueue_dma source(%dma_start3A_37 : memref<128x128xf32, #tpu.memory_space<hbm>>) target(%dma_start3A_35 : memref<128x128xf32, #tpu.memory_space<vmem>>) target_semaphore(%dma_start3A_31 : memref<!tpu.dma_semaphore, #tpu.memory_space<semaphore_mem>>)
    %jit3A = arith.constant 16 : i32
    %div3A = arith.divsi %add3A, %jit3A : i32
    %sign3A = arith.constant 0 : i32
    %sign3A_38 = arith.cmpi sgt, %add3A, %sign3A : i32
    %sign3A_39 = arith.extui %sign3A_38 : i1 to i32
    %sign3A_40 = arith.constant 0 : i32
    %sign3A_41 = arith.cmpi slt, %add3A, %sign3A_40 : i32
    %sign3A_42 = arith.extui %sign3A_41 : i1 to i32
    %sign3A_43 = arith.subi %sign3A_39, %sign3A_42 : i32
    %sign3A_44 = arith.constant 0 : i32
    %sign3A_45 = arith.cmpi sgt, %jit3A, %sign3A_44 : i32
    %sign3A_46 = arith.extui %sign3A_45 : i1 to i32
    %sign3A_47 = arith.constant 0 : i32
    %sign3A_48 = arith.cmpi slt, %jit3A, %sign3A_47 : i32
    %sign3A_49 = arith.extui %sign3A_48 : i1 to i32
    %sign3A_50 = arith.subi %sign3A_46, %sign3A_49 : i32
    %ne3A = arith.cmpi ne, %sign3A_43, %sign3A_50 : i32
    %rem3A = arith.remsi %add3A, %jit3A : i32
    %ne3A_51 = arith.constant 0 : i32
    %ne3A_52 = arith.cmpi ne, %rem3A, %ne3A_51 : i32
    %and3A = arith.andi %ne3A, %ne3A_52 : i1
    %sub3A = arith.constant 1 : i32
    %sub3A_53 = arith.subi %div3A, %sub3A : i32
    %select_n3A = arith.select %and3A, %sub3A_53, %div3A : i32
    %jit3A_54 = arith.constant 16 : i32
    %eq3A = arith.constant 0 : i32
    %eq3A_55 = arith.cmpi eq, %jit3A_54, %eq3A : i32
    %jit3A_56 = arith.constant 1 : i32
    %select_n3A_57 = arith.select %eq3A_55, %jit3A_56, %jit3A_54 : i32
    %rem3A_58 = arith.remsi %add3A, %select_n3A_57 : i32
    %ne3A_59 = arith.constant 0 : i32
    %ne3A_60 = arith.cmpi ne, %rem3A_58, %ne3A_59 : i32
    %lt3A = arith.constant 0 : i32
    %lt3A_61 = arith.cmpi slt, %rem3A_58, %lt3A : i32
    %lt3A_62 = arith.constant 0 : i32
    %lt3A_63 = arith.cmpi slt, %select_n3A_57, %lt3A_62 : i32
    %ne3A_64 = arith.xori %lt3A_61, %lt3A_63 : i1
    %and3A_65 = arith.andi %ne3A_64, %ne3A_60 : i1
    %add3A_66 = arith.addi %rem3A_58, %select_n3A_57 : i32
    %select_n3A_67 = arith.select %and3A_65, %add3A_66, %rem3A_58 : i32
    %eq3A_68 = arith.constant 0 : i32
    %eq3A_69 = arith.cmpi eq, %select_n3A, %eq3A_68 : i32
    %jit3A_70 = arith.constant 8 : i32
    %jit3A_71 = arith.constant 5 : i32
    %select_n3A_72 = arith.select %eq3A_69, %jit3A_70, %jit3A_71 : i32
    %mul3A_73 = arith.constant 128 : i32
    %mul3A_74 = arith.muli %select_n3A_67, %mul3A_73 : i32
    %add3A_75 = arith.constant 0 : i32
    %add3A_76 = arith.addi %mul3A_74, %add3A_75 : i32
    %mul3A_77 = arith.constant 128 : i32
    %mul3A_78 = arith.muli %select_n3A_67, %mul3A_77 : i32
    %add3A_79 = arith.constant 32 : i32
    %add3A_80 = arith.addi %mul3A_78, %add3A_79 : i32
    %mul3A_81 = arith.constant 128 : i32
    %mul3A_82 = arith.muli %select_n3A_67, %mul3A_81 : i32
    %add3A_83 = arith.constant 64 : i32
    %add3A_84 = arith.addi %mul3A_82, %add3A_83 : i32
    %mul3A_85 = arith.constant 128 : i32
    %mul3A_86 = arith.muli %select_n3A_67, %mul3A_85 : i32
    %add3A_87 = arith.constant 96 : i32
    %add3A_88 = arith.addi %mul3A_86, %add3A_87 : i32
    %mul3A_89 = arith.constant 64 : i32
    %mul3A_90 = arith.muli %add3A, %mul3A_89 : i32
    %add3A_91 = arith.constant 0 : i32
    %add3A_92 = arith.addi %mul3A_90, %add3A_91 : i32
    %mul3A_93 = arith.constant 64 : i32
    %mul3A_94 = arith.muli %add3A, %mul3A_93 : i32
    %add3A_95 = arith.constant 32 : i32
    %add3A_96 = arith.addi %mul3A_94, %add3A_95 : i32
    %dma_start3A_97 = arith.constant 0 : i32
    %dma_start3A_98 = arith.constant 0 : i32
    %dma_start3A_99 = arith.constant 0 : i32
    %dma_start3A_100 = arith.constant 0 : i32
    %dma_start3A_101 = tpu.memref_slice %arg8[%dma_start3A_97, %dma_start3A_99, %dma_start3A_100] : memref<2x32x1024xf32, #tpu.memory_space<vmem>> -> memref<1x32x1024xf32, #tpu.memory_space<vmem>>
    %dma_start3A_102 = tpu.memref_squeeze %dma_start3A_101 : memref<1x32x1024xf32, #tpu.memory_space<vmem>> -> memref<32x1024xf32, #tpu.memory_space<vmem>>
    %dma_start3A_103 = arith.constant 0 : i32
    %dma_start3A_104 = tpu.memref_slice %arg2[%select_n3A_72, %add3A_76, %dma_start3A_103] : memref<16x2048x1024xf32, #tpu.memory_space<hbm>> -> memref<1x32x1024xf32, #tpu.memory_space<hbm>>
    %dma_start3A_105 = tpu.memref_squeeze %dma_start3A_104 : memref<1x32x1024xf32, #tpu.memory_space<hbm>> -> memref<32x1024xf32, #tpu.memory_space<hbm>>
    %dma_start3A_106 = tpu.memref_slice %arg11[%dma_start3A_98] : memref<2x!tpu.dma_semaphore, #tpu.memory_space<semaphore_mem>> -> memref<1x!tpu.dma_semaphore, #tpu.memory_space<semaphore_mem>>
    %dma_start3A_107 = tpu.memref_squeeze %dma_start3A_106 : memref<1x!tpu.dma_semaphore, #tpu.memory_space<semaphore_mem>> -> memref<!tpu.dma_semaphore, #tpu.memory_space<semaphore_mem>>
    %dma_start3A_108 = arith.constant 0 : i32
    %dma_start3A_109 = arith.constant 0 : i32
    %dma_start3A_110 = tpu.memref_slice %arg8[%dma_start3A_97, %dma_start3A_108, %dma_start3A_109] : memref<2x32x1024xf32, #tpu.memory_space<vmem>> -> memref<1x32x1024xf32, #tpu.memory_space<vmem>>
    %dma_start3A_111 = tpu.memref_squeeze %dma_start3A_110 : memref<1x32x1024xf32, #tpu.memory_space<vmem>> -> memref<32x1024xf32, #tpu.memory_space<vmem>>
    %dma_start3A_112 = arith.constant 0 : i32
    %dma_start3A_113 = tpu.memref_slice %arg2[%select_n3A_72, %add3A_76, %dma_start3A_112] : memref<16x2048x1024xf32, #tpu.memory_space<hbm>> -> memref<1x32x1024xf32, #tpu.memory_space<hbm>>
    %dma_start3A_114 = tpu.memref_squeeze %dma_start3A_113 : memref<1x32x1024xf32, #tpu.memory_space<hbm>> -> memref<32x1024xf32, #tpu.memory_space<hbm>>
    tpu.enqueue_dma source(%dma_start3A_114 : memref<32x1024xf32, #tpu.memory_space<hbm>>) target(%dma_start3A_111 : memref<32x1024xf32, #tpu.memory_space<vmem>>) target_semaphore(%dma_start3A_107 : memref<!tpu.dma_semaphore, #tpu.memory_space<semaphore_mem>>)
    %dma_start3A_115 = arith.constant 1 : i32
    %dma_start3A_116 = arith.constant 1 : i32
    %dma_start3A_117 = arith.constant 0 : i32
    %dma_start3A_118 = arith.constant 0 : i32
    %dma_start3A_119 = tpu.memref_slice %arg8[%dma_start3A_115, %dma_start3A_117, %dma_start3A_118] : memref<2x32x1024xf32, #tpu.memory_space<vmem>> -> memref<1x32x1024xf32, #tpu.memory_space<vmem>>
    %dma_start3A_120 = tpu.memref_squeeze %dma_start3A_119 : memref<1x32x1024xf32, #tpu.memory_space<vmem>> -> memref<32x1024xf32, #tpu.memory_space<vmem>>
    %dma_start3A_121 = arith.constant 0 : i32
    %dma_start3A_122 = tpu.memref_slice %arg2[%select_n3A_72, %add3A_80, %dma_start3A_121] : memref<16x2048x1024xf32, #tpu.memory_space<hbm>> -> memref<1x32x1024xf32, #tpu.memory_space<hbm>>
    %dma_start3A_123 = tpu.memref_squeeze %dma_start3A_122 : memref<1x32x1024xf32, #tpu.memory_space<hbm>> -> memref<32x1024xf32, #tpu.memory_space<hbm>>
    %dma_start3A_124 = tpu.memref_slice %arg11[%dma_start3A_116] : memref<2x!tpu.dma_semaphore, #tpu.memory_space<semaphore_mem>> -> memref<1x!tpu.dma_semaphore, #tpu.memory_space<semaphore_mem>>
    %dma_start3A_125 = tpu.memref_squeeze %dma_start3A_124 : memref<1x!tpu.dma_semaphore, #tpu.memory_space<semaphore_mem>> -> memref<!tpu.dma_semaphore, #tpu.memory_space<semaphore_mem>>
    %dma_start3A_126 = arith.constant 0 : i32
    %dma_start3A_127 = arith.constant 0 : i32
    %dma_start3A_128 = tpu.memref_slice %arg8[%dma_start3A_115, %dma_start3A_126, %dma_start3A_127] : memref<2x32x1024xf32, #tpu.memory_space<vmem>> -> memref<1x32x1024xf32, #tpu.memory_space<vmem>>
    %dma_start3A_129 = tpu.memref_squeeze %dma_start3A_128 : memref<1x32x1024xf32, #tpu.memory_space<vmem>> -> memref<32x1024xf32, #tpu.memory_space<vmem>>
    %dma_start3A_130 = arith.constant 0 : i32
    %dma_start3A_131 = tpu.memref_slice %arg2[%select_n3A_72, %add3A_80, %dma_start3A_130] : memref<16x2048x1024xf32, #tpu.memory_space<hbm>> -> memref<1x32x1024xf32, #tpu.memory_space<hbm>>
    %dma_start3A_132 = tpu.memref_squeeze %dma_start3A_131 : memref<1x32x1024xf32, #tpu.memory_space<hbm>> -> memref<32x1024xf32, #tpu.memory_space<hbm>>
    tpu.enqueue_dma source(%dma_start3A_132 : memref<32x1024xf32, #tpu.memory_space<hbm>>) target(%dma_start3A_129 : memref<32x1024xf32, #tpu.memory_space<vmem>>) target_semaphore(%dma_start3A_125 : memref<!tpu.dma_semaphore, #tpu.memory_space<semaphore_mem>>)
    %dma_wait3A = arith.constant 0 : i32
    %dma_wait3A_133 = arith.constant 0 : i32
    %dma_wait3A_134 = arith.constant 0 : i32
    %dma_wait3A_135 = arith.constant 0 : i32
    %dma_wait3A_136 = tpu.memref_slice %arg8[%dma_wait3A, %dma_wait3A_134, %dma_wait3A_135] : memref<2x32x1024xf32, #tpu.memory_space<vmem>> -> memref<1x32x1024xf32, #tpu.memory_space<vmem>>
    %dma_wait3A_137 = tpu.memref_squeeze %dma_wait3A_136 : memref<1x32x1024xf32, #tpu.memory_space<vmem>> -> memref<32x1024xf32, #tpu.memory_space<vmem>>
    %dma_wait3A_138 = arith.constant 0 : i32
    %dma_wait3A_139 = tpu.memref_slice %arg2[%select_n3A_72, %add3A_76, %dma_wait3A_138] : memref<16x2048x1024xf32, #tpu.memory_space<hbm>> -> memref<1x32x1024xf32, #tpu.memory_space<hbm>>
    %dma_wait3A_140 = tpu.memref_squeeze %dma_wait3A_139 : memref<1x32x1024xf32, #tpu.memory_space<hbm>> -> memref<32x1024xf32, #tpu.memory_space<hbm>>
    %dma_wait3A_141 = tpu.memref_slice %arg11[%dma_wait3A_133] : memref<2x!tpu.dma_semaphore, #tpu.memory_space<semaphore_mem>> -> memref<1x!tpu.dma_semaphore, #tpu.memory_space<semaphore_mem>>
    %dma_wait3A_142 = tpu.memref_squeeze %dma_wait3A_141 : memref<1x!tpu.dma_semaphore, #tpu.memory_space<semaphore_mem>> -> memref<!tpu.dma_semaphore, #tpu.memory_space<semaphore_mem>>
    %dma_wait3A_143 = arith.constant 0 : i32
    %dma_wait3A_144 = arith.constant 0 : i32
    %dma_wait3A_145 = tpu.memref_slice %arg8[%dma_wait3A, %dma_wait3A_143, %dma_wait3A_144] : memref<2x32x1024xf32, #tpu.memory_space<vmem>> -> memref<1x32x1024xf32, #tpu.memory_space<vmem>>
    %dma_wait3A_146 = tpu.memref_squeeze %dma_wait3A_145 : memref<1x32x1024xf32, #tpu.memory_space<vmem>> -> memref<32x1024xf32, #tpu.memory_space<vmem>>
    %dma_wait3A_147 = arith.constant 0 : i32
    %dma_wait3A_148 = tpu.memref_slice %arg2[%select_n3A_72, %add3A_76, %dma_wait3A_147] : memref<16x2048x1024xf32, #tpu.memory_space<hbm>> -> memref<1x32x1024xf32, #tpu.memory_space<hbm>>
    %dma_wait3A_149 = tpu.memref_squeeze %dma_wait3A_148 : memref<1x32x1024xf32, #tpu.memory_space<hbm>> -> memref<32x1024xf32, #tpu.memory_space<hbm>>
    tpu.wait_dma2 semaphore(%dma_wait3A_142 : memref<!tpu.dma_semaphore, #tpu.memory_space<semaphore_mem>>) src(%dma_wait3A_149 : memref<32x1024xf32, #tpu.memory_space<hbm>>) dst(%dma_wait3A_146 : memref<32x1024xf32, #tpu.memory_space<vmem>>)
    %dma_start3A_150 = arith.constant 0 : i32
    %dma_start3A_151 = arith.constant 0 : i32
    %dma_start3A_152 = arith.constant 0 : i32
    %dma_start3A_153 = tpu.memref_slice %arg8[%dma_start3A_150, %dma_start3A_151, %dma_start3A_152] : memref<2x32x1024xf32, #tpu.memory_space<vmem>> -> memref<1x32x1024xf32, #tpu.memory_space<vmem>>
    %dma_start3A_154 = tpu.memref_squeeze %dma_start3A_153 : memref<1x32x1024xf32, #tpu.memory_space<vmem>> -> memref<32x1024xf32, #tpu.memory_space<vmem>>
    %dma_start3A_155 = arith.constant 0 : i32
    %dma_start3A_156 = tpu.memref_slice %arg5[%select_n3A, %add3A_76, %dma_start3A_155] : memref<2x2048x1024xf32, #tpu.memory_space<hbm>> -> memref<1x32x1024xf32, #tpu.memory_space<hbm>>
    %dma_start3A_157 = tpu.memref_squeeze %dma_start3A_156 : memref<1x32x1024xf32, #tpu.memory_space<hbm>> -> memref<32x1024xf32, #tpu.memory_space<hbm>>
    %dma_start3A_158 = arith.constant 0 : i32
    %dma_start3A_159 = tpu.memref_slice %arg5[%select_n3A, %add3A_76, %dma_start3A_158] : memref<2x2048x1024xf32, #tpu.memory_space<hbm>> -> memref<1x32x1024xf32, #tpu.memory_space<hbm>>
    %dma_start3A_160 = tpu.memref_squeeze %dma_start3A_159 : memref<1x32x1024xf32, #tpu.memory_space<hbm>> -> memref<32x1024xf32, #tpu.memory_space<hbm>>
    %dma_start3A_161 = arith.constant 0 : i32
    %dma_start3A_162 = arith.constant 0 : i32
    %dma_start3A_163 = tpu.memref_slice %arg8[%dma_start3A_150, %dma_start3A_161, %dma_start3A_162] : memref<2x32x1024xf32, #tpu.memory_space<vmem>> -> memref<1x32x1024xf32, #tpu.memory_space<vmem>>
    %dma_start3A_164 = tpu.memref_squeeze %dma_start3A_163 : memref<1x32x1024xf32, #tpu.memory_space<vmem>> -> memref<32x1024xf32, #tpu.memory_space<vmem>>
    tpu.enqueue_dma source(%dma_start3A_164 : memref<32x1024xf32, #tpu.memory_space<vmem>>) target(%dma_start3A_160 : memref<32x1024xf32, #tpu.memory_space<hbm>>) target_semaphore(%arg13 : memref<!tpu.dma_semaphore, #tpu.memory_space<semaphore_mem>>)
    %dma_wait3A_165 = arith.constant 0 : i32
    %dma_wait3A_166 = arith.constant 0 : i32
    %dma_wait3A_167 = arith.constant 0 : i32
    %dma_wait3A_168 = tpu.memref_slice %arg8[%dma_wait3A_165, %dma_wait3A_166, %dma_wait3A_167] : memref<2x32x1024xf32, #tpu.memory_space<vmem>> -> memref<1x32x1024xf32, #tpu.memory_space<vmem>>
    %dma_wait3A_169 = tpu.memref_squeeze %dma_wait3A_168 : memref<1x32x1024xf32, #tpu.memory_space<vmem>> -> memref<32x1024xf32, #tpu.memory_space<vmem>>
    %dma_wait3A_170 = arith.constant 0 : i32
    %dma_wait3A_171 = tpu.memref_slice %arg5[%select_n3A, %add3A_76, %dma_wait3A_170] : memref<2x2048x1024xf32, #tpu.memory_space<hbm>> -> memref<1x32x1024xf32, #tpu.memory_space<hbm>>
    %dma_wait3A_172 = tpu.memref_squeeze %dma_wait3A_171 : memref<1x32x1024xf32, #tpu.memory_space<hbm>> -> memref<32x1024xf32, #tpu.memory_space<hbm>>
    %dma_wait3A_173 = arith.constant 0 : i32
    %dma_wait3A_174 = tpu.memref_slice %arg5[%select_n3A, %add3A_76, %dma_wait3A_173] : memref<2x2048x1024xf32, #tpu.memory_space<hbm>> -> memref<1x32x1024xf32, #tpu.memory_space<hbm>>
    %dma_wait3A_175 = tpu.memref_squeeze %dma_wait3A_174 : memref<1x32x1024xf32, #tpu.memory_space<hbm>> -> memref<32x1024xf32, #tpu.memory_space<hbm>>
    %dma_wait3A_176 = arith.constant 0 : i32
    %dma_wait3A_177 = arith.constant 0 : i32
    %dma_wait3A_178 = tpu.memref_slice %arg8[%dma_wait3A_165, %dma_wait3A_176, %dma_wait3A_177] : memref<2x32x1024xf32, #tpu.memory_space<vmem>> -> memref<1x32x1024xf32, #tpu.memory_space<vmem>>
    %dma_wait3A_179 = tpu.memref_squeeze %dma_wait3A_178 : memref<1x32x1024xf32, #tpu.memory_space<vmem>> -> memref<32x1024xf32, #tpu.memory_space<vmem>>
    tpu.wait_dma2 semaphore(%arg13 : memref<!tpu.dma_semaphore, #tpu.memory_space<semaphore_mem>>) src(%dma_wait3A_179 : memref<32x1024xf32, #tpu.memory_space<vmem>>) dst(%dma_wait3A_175 : memref<32x1024xf32, #tpu.memory_space<hbm>>)
    %dma_start3A_180 = arith.constant 0 : i32
    %dma_start3A_181 = arith.constant 0 : i32
    %dma_start3A_182 = arith.constant 0 : i32
    %dma_start3A_183 = arith.constant 0 : i32
    %dma_start3A_184 = tpu.memref_slice %arg8[%dma_start3A_180, %dma_start3A_182, %dma_start3A_183] : memref<2x32x1024xf32, #tpu.memory_space<vmem>> -> memref<1x32x1024xf32, #tpu.memory_space<vmem>>
    %dma_start3A_185 = tpu.memref_squeeze %dma_start3A_184 : memref<1x32x1024xf32, #tpu.memory_space<vmem>> -> memref<32x1024xf32, #tpu.memory_space<vmem>>
    %dma_start3A_186 = arith.constant 0 : i32
    %dma_start3A_187 = tpu.memref_slice %arg2[%select_n3A_72, %add3A_84, %dma_start3A_186] : memref<16x2048x1024xf32, #tpu.memory_space<hbm>> -> memref<1x32x1024xf32, #tpu.memory_space<hbm>>
    %dma_start3A_188 = tpu.memref_squeeze %dma_start3A_187 : memref<1x32x1024xf32, #tpu.memory_space<hbm>> -> memref<32x1024xf32, #tpu.memory_space<hbm>>
    %dma_start3A_189 = tpu.memref_slice %arg11[%dma_start3A_181] : memref<2x!tpu.dma_semaphore, #tpu.memory_space<semaphore_mem>> -> memref<1x!tpu.dma_semaphore, #tpu.memory_space<semaphore_mem>>
    %dma_start3A_190 = tpu.memref_squeeze %dma_start3A_189 : memref<1x!tpu.dma_semaphore, #tpu.memory_space<semaphore_mem>> -> memref<!tpu.dma_semaphore, #tpu.memory_space<semaphore_mem>>
    %dma_start3A_191 = arith.constant 0 : i32
    %dma_start3A_192 = arith.constant 0 : i32
    %dma_start3A_193 = tpu.memref_slice %arg8[%dma_start3A_180, %dma_start3A_191, %dma_start3A_192] : memref<2x32x1024xf32, #tpu.memory_space<vmem>> -> memref<1x32x1024xf32, #tpu.memory_space<vmem>>
    %dma_start3A_194 = tpu.memref_squeeze %dma_start3A_193 : memref<1x32x1024xf32, #tpu.memory_space<vmem>> -> memref<32x1024xf32, #tpu.memory_space<vmem>>
    %dma_start3A_195 = arith.constant 0 : i32
    %dma_start3A_196 = tpu.memref_slice %arg2[%select_n3A_72, %add3A_84, %dma_start3A_195] : memref<16x2048x1024xf32, #tpu.memory_space<hbm>> -> memref<1x32x1024xf32, #tpu.memory_space<hbm>>
    %dma_start3A_197 = tpu.memref_squeeze %dma_start3A_196 : memref<1x32x1024xf32, #tpu.memory_space<hbm>> -> memref<32x1024xf32, #tpu.memory_space<hbm>>
    tpu.enqueue_dma source(%dma_start3A_197 : memref<32x1024xf32, #tpu.memory_space<hbm>>) target(%dma_start3A_194 : memref<32x1024xf32, #tpu.memory_space<vmem>>) target_semaphore(%dma_start3A_190 : memref<!tpu.dma_semaphore, #tpu.memory_space<semaphore_mem>>)
    %dma_wait3A_198 = arith.constant 1 : i32
    %dma_wait3A_199 = arith.constant 1 : i32
    %dma_wait3A_200 = arith.constant 0 : i32
    %dma_wait3A_201 = arith.constant 0 : i32
    %dma_wait3A_202 = tpu.memref_slice %arg8[%dma_wait3A_198, %dma_wait3A_200, %dma_wait3A_201] : memref<2x32x1024xf32, #tpu.memory_space<vmem>> -> memref<1x32x1024xf32, #tpu.memory_space<vmem>>
    %dma_wait3A_203 = tpu.memref_squeeze %dma_wait3A_202 : memref<1x32x1024xf32, #tpu.memory_space<vmem>> -> memref<32x1024xf32, #tpu.memory_space<vmem>>
    %dma_wait3A_204 = arith.constant 0 : i32
    %dma_wait3A_205 = tpu.memref_slice %arg2[%select_n3A_72, %add3A_80, %dma_wait3A_204] : memref<16x2048x1024xf32, #tpu.memory_space<hbm>> -> memref<1x32x1024xf32, #tpu.memory_space<hbm>>
    %dma_wait3A_206 = tpu.memref_squeeze %dma_wait3A_205 : memref<1x32x1024xf32, #tpu.memory_space<hbm>> -> memref<32x1024xf32, #tpu.memory_space<hbm>>
    %dma_wait3A_207 = tpu.memref_slice %arg11[%dma_wait3A_199] : memref<2x!tpu.dma_semaphore, #tpu.memory_space<semaphore_mem>> -> memref<1x!tpu.dma_semaphore, #tpu.memory_space<semaphore_mem>>
    %dma_wait3A_208 = tpu.memref_squeeze %dma_wait3A_207 : memref<1x!tpu.dma_semaphore, #tpu.memory_space<semaphore_mem>> -> memref<!tpu.dma_semaphore, #tpu.memory_space<semaphore_mem>>
    %dma_wait3A_209 = arith.constant 0 : i32
    %dma_wait3A_210 = arith.constant 0 : i32
    %dma_wait3A_211 = tpu.memref_slice %arg8[%dma_wait3A_198, %dma_wait3A_209, %dma_wait3A_210] : memref<2x32x1024xf32, #tpu.memory_space<vmem>> -> memref<1x32x1024xf32, #tpu.memory_space<vmem>>
    %dma_wait3A_212 = tpu.memref_squeeze %dma_wait3A_211 : memref<1x32x1024xf32, #tpu.memory_space<vmem>> -> memref<32x1024xf32, #tpu.memory_space<vmem>>
    %dma_wait3A_213 = arith.constant 0 : i32
    %dma_wait3A_214 = tpu.memref_slice %arg2[%select_n3A_72, %add3A_80, %dma_wait3A_213] : memref<16x2048x1024xf32, #tpu.memory_space<hbm>> -> memref<1x32x1024xf32, #tpu.memory_space<hbm>>
    %dma_wait3A_215 = tpu.memref_squeeze %dma_wait3A_214 : memref<1x32x1024xf32, #tpu.memory_space<hbm>> -> memref<32x1024xf32, #tpu.memory_space<hbm>>
    tpu.wait_dma2 semaphore(%dma_wait3A_208 : memref<!tpu.dma_semaphore, #tpu.memory_space<semaphore_mem>>) src(%dma_wait3A_215 : memref<32x1024xf32, #tpu.memory_space<hbm>>) dst(%dma_wait3A_212 : memref<32x1024xf32, #tpu.memory_space<vmem>>)
    %dma_start3A_216 = arith.constant 1 : i32
    %dma_start3A_217 = arith.constant 0 : i32
    %dma_start3A_218 = arith.constant 0 : i32
    %dma_start3A_219 = tpu.memref_slice %arg8[%dma_start3A_216, %dma_start3A_217, %dma_start3A_218] : memref<2x32x1024xf32, #tpu.memory_space<vmem>> -> memref<1x32x1024xf32, #tpu.memory_space<vmem>>
    %dma_start3A_220 = tpu.memref_squeeze %dma_start3A_219 : memref<1x32x1024xf32, #tpu.memory_space<vmem>> -> memref<32x1024xf32, #tpu.memory_space<vmem>>
    %dma_start3A_221 = arith.constant 0 : i32
    %dma_start3A_222 = tpu.memref_slice %arg5[%select_n3A, %add3A_80, %dma_start3A_221] : memref<2x2048x1024xf32, #tpu.memory_space<hbm>> -> memref<1x32x1024xf32, #tpu.memory_space<hbm>>
    %dma_start3A_223 = tpu.memref_squeeze %dma_start3A_222 : memref<1x32x1024xf32, #tpu.memory_space<hbm>> -> memref<32x1024xf32, #tpu.memory_space<hbm>>
    %dma_start3A_224 = arith.constant 0 : i32
    %dma_start3A_225 = tpu.memref_slice %arg5[%select_n3A, %add3A_80, %dma_start3A_224] : memref<2x2048x1024xf32, #tpu.memory_space<hbm>> -> memref<1x32x1024xf32, #tpu.memory_space<hbm>>
    %dma_start3A_226 = tpu.memref_squeeze %dma_start3A_225 : memref<1x32x1024xf32, #tpu.memory_space<hbm>> -> memref<32x1024xf32, #tpu.memory_space<hbm>>
    %dma_start3A_227 = arith.constant 0 : i32
    %dma_start3A_228 = arith.constant 0 : i32
    %dma_start3A_229 = tpu.memref_slice %arg8[%dma_start3A_216, %dma_start3A_227, %dma_start3A_228] : memref<2x32x1024xf32, #tpu.memory_space<vmem>> -> memref<1x32x1024xf32, #tpu.memory_space<vmem>>
    %dma_start3A_230 = tpu.memref_squeeze %dma_start3A_229 : memref<1x32x1024xf32, #tpu.memory_space<vmem>> -> memref<32x1024xf32, #tpu.memory_space<vmem>>
    tpu.enqueue_dma source(%dma_start3A_230 : memref<32x1024xf32, #tpu.memory_space<vmem>>) target(%dma_start3A_226 : memref<32x1024xf32, #tpu.memory_space<hbm>>) target_semaphore(%arg13 : memref<!tpu.dma_semaphore, #tpu.memory_space<semaphore_mem>>)
    %dma_wait3A_231 = arith.constant 1 : i32
    %dma_wait3A_232 = arith.constant 0 : i32
    %dma_wait3A_233 = arith.constant 0 : i32
    %dma_wait3A_234 = tpu.memref_slice %arg8[%dma_wait3A_231, %dma_wait3A_232, %dma_wait3A_233] : memref<2x32x1024xf32, #tpu.memory_space<vmem>> -> memref<1x32x1024xf32, #tpu.memory_space<vmem>>
    %dma_wait3A_235 = tpu.memref_squeeze %dma_wait3A_234 : memref<1x32x1024xf32, #tpu.memory_space<vmem>> -> memref<32x1024xf32, #tpu.memory_space<vmem>>
    %dma_wait3A_236 = arith.constant 0 : i32
    %dma_wait3A_237 = tpu.memref_slice %arg5[%select_n3A, %add3A_80, %dma_wait3A_236] : memref<2x2048x1024xf32, #tpu.memory_space<hbm>> -> memref<1x32x1024xf32, #tpu.memory_space<hbm>>
    %dma_wait3A_238 = tpu.memref_squeeze %dma_wait3A_237 : memref<1x32x1024xf32, #tpu.memory_space<hbm>> -> memref<32x1024xf32, #tpu.memory_space<hbm>>
    %dma_wait3A_239 = arith.constant 0 : i32
    %dma_wait3A_240 = tpu.memref_slice %arg5[%select_n3A, %add3A_80, %dma_wait3A_239] : memref<2x2048x1024xf32, #tpu.memory_space<hbm>> -> memref<1x32x1024xf32, #tpu.memory_space<hbm>>
    %dma_wait3A_241 = tpu.memref_squeeze %dma_wait3A_240 : memref<1x32x1024xf32, #tpu.memory_space<hbm>> -> memref<32x1024xf32, #tpu.memory_space<hbm>>
    %dma_wait3A_242 = arith.constant 0 : i32
    %dma_wait3A_243 = arith.constant 0 : i32
    %dma_wait3A_244 = tpu.memref_slice %arg8[%dma_wait3A_231, %dma_wait3A_242, %dma_wait3A_243] : memref<2x32x1024xf32, #tpu.memory_space<vmem>> -> memref<1x32x1024xf32, #tpu.memory_space<vmem>>
    %dma_wait3A_245 = tpu.memref_squeeze %dma_wait3A_244 : memref<1x32x1024xf32, #tpu.memory_space<vmem>> -> memref<32x1024xf32, #tpu.memory_space<vmem>>
    tpu.wait_dma2 semaphore(%arg13 : memref<!tpu.dma_semaphore, #tpu.memory_space<semaphore_mem>>) src(%dma_wait3A_245 : memref<32x1024xf32, #tpu.memory_space<vmem>>) dst(%dma_wait3A_241 : memref<32x1024xf32, #tpu.memory_space<hbm>>)
    %dma_start3A_246 = arith.constant 1 : i32
    %dma_start3A_247 = arith.constant 1 : i32
    %dma_start3A_248 = arith.constant 0 : i32
    %dma_start3A_249 = arith.constant 0 : i32
    %dma_start3A_250 = tpu.memref_slice %arg8[%dma_start3A_246, %dma_start3A_248, %dma_start3A_249] : memref<2x32x1024xf32, #tpu.memory_space<vmem>> -> memref<1x32x1024xf32, #tpu.memory_space<vmem>>
    %dma_start3A_251 = tpu.memref_squeeze %dma_start3A_250 : memref<1x32x1024xf32, #tpu.memory_space<vmem>> -> memref<32x1024xf32, #tpu.memory_space<vmem>>
    %dma_start3A_252 = arith.constant 0 : i32
    %dma_start3A_253 = tpu.memref_slice %arg2[%select_n3A_72, %add3A_88, %dma_start3A_252] : memref<16x2048x1024xf32, #tpu.memory_space<hbm>> -> memref<1x32x1024xf32, #tpu.memory_space<hbm>>
    %dma_start3A_254 = tpu.memref_squeeze %dma_start3A_253 : memref<1x32x1024xf32, #tpu.memory_space<hbm>> -> memref<32x1024xf32, #tpu.memory_space<hbm>>
    %dma_start3A_255 = tpu.memref_slice %arg11[%dma_start3A_247] : memref<2x!tpu.dma_semaphore, #tpu.memory_space<semaphore_mem>> -> memref<1x!tpu.dma_semaphore, #tpu.memory_space<semaphore_mem>>
    %dma_start3A_256 = tpu.memref_squeeze %dma_start3A_255 : memref<1x!tpu.dma_semaphore, #tpu.memory_space<semaphore_mem>> -> memref<!tpu.dma_semaphore, #tpu.memory_space<semaphore_mem>>
    %dma_start3A_257 = arith.constant 0 : i32
    %dma_start3A_258 = arith.constant 0 : i32
    %dma_start3A_259 = tpu.memref_slice %arg8[%dma_start3A_246, %dma_start3A_257, %dma_start3A_258] : memref<2x32x1024xf32, #tpu.memory_space<vmem>> -> memref<1x32x1024xf32, #tpu.memory_space<vmem>>
    %dma_start3A_260 = tpu.memref_squeeze %dma_start3A_259 : memref<1x32x1024xf32, #tpu.memory_space<vmem>> -> memref<32x1024xf32, #tpu.memory_space<vmem>>
    %dma_start3A_261 = arith.constant 0 : i32
    %dma_start3A_262 = tpu.memref_slice %arg2[%select_n3A_72, %add3A_88, %dma_start3A_261] : memref<16x2048x1024xf32, #tpu.memory_space<hbm>> -> memref<1x32x1024xf32, #tpu.memory_space<hbm>>
    %dma_start3A_263 = tpu.memref_squeeze %dma_start3A_262 : memref<1x32x1024xf32, #tpu.memory_space<hbm>> -> memref<32x1024xf32, #tpu.memory_space<hbm>>
    tpu.enqueue_dma source(%dma_start3A_263 : memref<32x1024xf32, #tpu.memory_space<hbm>>) target(%dma_start3A_260 : memref<32x1024xf32, #tpu.memory_space<vmem>>) target_semaphore(%dma_start3A_256 : memref<!tpu.dma_semaphore, #tpu.memory_space<semaphore_mem>>)
    %dma_wait3A_264 = arith.constant 0 : i32
    %dma_wait3A_265 = arith.constant 0 : i32
    %dma_wait3A_266 = arith.constant 0 : i32
    %dma_wait3A_267 = arith.constant 0 : i32
    %dma_wait3A_268 = tpu.memref_slice %arg8[%dma_wait3A_264, %dma_wait3A_266, %dma_wait3A_267] : memref<2x32x1024xf32, #tpu.memory_space<vmem>> -> memref<1x32x1024xf32, #tpu.memory_space<vmem>>
    %dma_wait3A_269 = tpu.memref_squeeze %dma_wait3A_268 : memref<1x32x1024xf32, #tpu.memory_space<vmem>> -> memref<32x1024xf32, #tpu.memory_space<vmem>>
    %dma_wait3A_270 = arith.constant 0 : i32
    %dma_wait3A_271 = tpu.memref_slice %arg2[%select_n3A_72, %add3A_84, %dma_wait3A_270] : memref<16x2048x1024xf32, #tpu.memory_space<hbm>> -> memref<1x32x1024xf32, #tpu.memory_space<hbm>>
    %dma_wait3A_272 = tpu.memref_squeeze %dma_wait3A_271 : memref<1x32x1024xf32, #tpu.memory_space<hbm>> -> memref<32x1024xf32, #tpu.memory_space<hbm>>
    %dma_wait3A_273 = tpu.memref_slice %arg11[%dma_wait3A_265] : memref<2x!tpu.dma_semaphore, #tpu.memory_space<semaphore_mem>> -> memref<1x!tpu.dma_semaphore, #tpu.memory_space<semaphore_mem>>
    %dma_wait3A_274 = tpu.memref_squeeze %dma_wait3A_273 : memref<1x!tpu.dma_semaphore, #tpu.memory_space<semaphore_mem>> -> memref<!tpu.dma_semaphore, #tpu.memory_space<semaphore_mem>>
    %dma_wait3A_275 = arith.constant 0 : i32
    %dma_wait3A_276 = arith.constant 0 : i32
    %dma_wait3A_277 = tpu.memref_slice %arg8[%dma_wait3A_264, %dma_wait3A_275, %dma_wait3A_276] : memref<2x32x1024xf32, #tpu.memory_space<vmem>> -> memref<1x32x1024xf32, #tpu.memory_space<vmem>>
    %dma_wait3A_278 = tpu.memref_squeeze %dma_wait3A_277 : memref<1x32x1024xf32, #tpu.memory_space<vmem>> -> memref<32x1024xf32, #tpu.memory_space<vmem>>
    %dma_wait3A_279 = arith.constant 0 : i32
    %dma_wait3A_280 = tpu.memref_slice %arg2[%select_n3A_72, %add3A_84, %dma_wait3A_279] : memref<16x2048x1024xf32, #tpu.memory_space<hbm>> -> memref<1x32x1024xf32, #tpu.memory_space<hbm>>
    %dma_wait3A_281 = tpu.memref_squeeze %dma_wait3A_280 : memref<1x32x1024xf32, #tpu.memory_space<hbm>> -> memref<32x1024xf32, #tpu.memory_space<hbm>>
    tpu.wait_dma2 semaphore(%dma_wait3A_274 : memref<!tpu.dma_semaphore, #tpu.memory_space<semaphore_mem>>) src(%dma_wait3A_281 : memref<32x1024xf32, #tpu.memory_space<hbm>>) dst(%dma_wait3A_278 : memref<32x1024xf32, #tpu.memory_space<vmem>>)
    %dma_start3A_282 = arith.constant 0 : i32
    %dma_start3A_283 = arith.constant 0 : i32
    %dma_start3A_284 = arith.constant 0 : i32
    %dma_start3A_285 = tpu.memref_slice %arg8[%dma_start3A_282, %dma_start3A_283, %dma_start3A_284] : memref<2x32x1024xf32, #tpu.memory_space<vmem>> -> memref<1x32x1024xf32, #tpu.memory_space<vmem>>
    %dma_start3A_286 = tpu.memref_squeeze %dma_start3A_285 : memref<1x32x1024xf32, #tpu.memory_space<vmem>> -> memref<32x1024xf32, #tpu.memory_space<vmem>>
    %dma_start3A_287 = arith.constant 0 : i32
    %dma_start3A_288 = tpu.memref_slice %arg5[%select_n3A, %add3A_84, %dma_start3A_287] : memref<2x2048x1024xf32, #tpu.memory_space<hbm>> -> memref<1x32x1024xf32, #tpu.memory_space<hbm>>
    %dma_start3A_289 = tpu.memref_squeeze %dma_start3A_288 : memref<1x32x1024xf32, #tpu.memory_space<hbm>> -> memref<32x1024xf32, #tpu.memory_space<hbm>>
    %dma_start3A_290 = arith.constant 0 : i32
    %dma_start3A_291 = tpu.memref_slice %arg5[%select_n3A, %add3A_84, %dma_start3A_290] : memref<2x2048x1024xf32, #tpu.memory_space<hbm>> -> memref<1x32x1024xf32, #tpu.memory_space<hbm>>
    %dma_start3A_292 = tpu.memref_squeeze %dma_start3A_291 : memref<1x32x1024xf32, #tpu.memory_space<hbm>> -> memref<32x1024xf32, #tpu.memory_space<hbm>>
    %dma_start3A_293 = arith.constant 0 : i32
    %dma_start3A_294 = arith.constant 0 : i32
    %dma_start3A_295 = tpu.memref_slice %arg8[%dma_start3A_282, %dma_start3A_293, %dma_start3A_294] : memref<2x32x1024xf32, #tpu.memory_space<vmem>> -> memref<1x32x1024xf32, #tpu.memory_space<vmem>>
    %dma_start3A_296 = tpu.memref_squeeze %dma_start3A_295 : memref<1x32x1024xf32, #tpu.memory_space<vmem>> -> memref<32x1024xf32, #tpu.memory_space<vmem>>
    tpu.enqueue_dma source(%dma_start3A_296 : memref<32x1024xf32, #tpu.memory_space<vmem>>) target(%dma_start3A_292 : memref<32x1024xf32, #tpu.memory_space<hbm>>) target_semaphore(%arg13 : memref<!tpu.dma_semaphore, #tpu.memory_space<semaphore_mem>>)
    %dma_wait3A_297 = arith.constant 0 : i32
    %dma_wait3A_298 = arith.constant 0 : i32
    %dma_wait3A_299 = arith.constant 0 : i32
    %dma_wait3A_300 = tpu.memref_slice %arg8[%dma_wait3A_297, %dma_wait3A_298, %dma_wait3A_299] : memref<2x32x1024xf32, #tpu.memory_space<vmem>> -> memref<1x32x1024xf32, #tpu.memory_space<vmem>>
    %dma_wait3A_301 = tpu.memref_squeeze %dma_wait3A_300 : memref<1x32x1024xf32, #tpu.memory_space<vmem>> -> memref<32x1024xf32, #tpu.memory_space<vmem>>
    %dma_wait3A_302 = arith.constant 0 : i32
    %dma_wait3A_303 = tpu.memref_slice %arg5[%select_n3A, %add3A_84, %dma_wait3A_302] : memref<2x2048x1024xf32, #tpu.memory_space<hbm>> -> memref<1x32x1024xf32, #tpu.memory_space<hbm>>
    %dma_wait3A_304 = tpu.memref_squeeze %dma_wait3A_303 : memref<1x32x1024xf32, #tpu.memory_space<hbm>> -> memref<32x1024xf32, #tpu.memory_space<hbm>>
    %dma_wait3A_305 = arith.constant 0 : i32
    %dma_wait3A_306 = tpu.memref_slice %arg5[%select_n3A, %add3A_84, %dma_wait3A_305] : memref<2x2048x1024xf32, #tpu.memory_space<hbm>> -> memref<1x32x1024xf32, #tpu.memory_space<hbm>>
    %dma_wait3A_307 = tpu.memref_squeeze %dma_wait3A_306 : memref<1x32x1024xf32, #tpu.memory_space<hbm>> -> memref<32x1024xf32, #tpu.memory_space<hbm>>
    %dma_wait3A_308 = arith.constant 0 : i32
    %dma_wait3A_309 = arith.constant 0 : i32
    %dma_wait3A_310 = tpu.memref_slice %arg8[%dma_wait3A_297, %dma_wait3A_308, %dma_wait3A_309] : memref<2x32x1024xf32, #tpu.memory_space<vmem>> -> memref<1x32x1024xf32, #tpu.memory_space<vmem>>
    %dma_wait3A_311 = tpu.memref_squeeze %dma_wait3A_310 : memref<1x32x1024xf32, #tpu.memory_space<vmem>> -> memref<32x1024xf32, #tpu.memory_space<vmem>>
    tpu.wait_dma2 semaphore(%arg13 : memref<!tpu.dma_semaphore, #tpu.memory_space<semaphore_mem>>) src(%dma_wait3A_311 : memref<32x1024xf32, #tpu.memory_space<vmem>>) dst(%dma_wait3A_307 : memref<32x1024xf32, #tpu.memory_space<hbm>>)
    %dma_start3A_312 = arith.constant 2 : i32
    %dma_start3A_313 = arith.constant 0 : i32
    %dma_start3A_314 = arith.constant 0 : i32
    %dma_start3A_315 = arith.constant 0 : i32
    %dma_start3A_316 = arith.constant 0 : i32
    %dma_start3A_317 = tpu.memref_slice %arg8[%dma_start3A_313, %dma_start3A_315, %dma_start3A_316] : memref<2x32x1024xf32, #tpu.memory_space<vmem>> -> memref<1x32x1024xf32, #tpu.memory_space<vmem>>
    %dma_start3A_318 = tpu.memref_squeeze %dma_start3A_317 : memref<1x32x1024xf32, #tpu.memory_space<vmem>> -> memref<32x1024xf32, #tpu.memory_space<vmem>>
    %dma_start3A_319 = arith.constant 0 : i32
    %dma_start3A_320 = tpu.memref_slice %arg4[%dma_start3A_312, %add3A_92, %dma_start3A_319] : memref<8x2048x1024xf32, #tpu.memory_space<hbm>> -> memref<1x32x1024xf32, #tpu.memory_space<hbm>>
    %dma_start3A_321 = tpu.memref_squeeze %dma_start3A_320 : memref<1x32x1024xf32, #tpu.memory_space<hbm>> -> memref<32x1024xf32, #tpu.memory_space<hbm>>
    %dma_start3A_322 = tpu.memref_slice %arg11[%dma_start3A_314] : memref<2x!tpu.dma_semaphore, #tpu.memory_space<semaphore_mem>> -> memref<1x!tpu.dma_semaphore, #tpu.memory_space<semaphore_mem>>
    %dma_start3A_323 = tpu.memref_squeeze %dma_start3A_322 : memref<1x!tpu.dma_semaphore, #tpu.memory_space<semaphore_mem>> -> memref<!tpu.dma_semaphore, #tpu.memory_space<semaphore_mem>>
    %dma_start3A_324 = arith.constant 0 : i32
    %dma_start3A_325 = arith.constant 0 : i32
    %dma_start3A_326 = tpu.memref_slice %arg8[%dma_start3A_313, %dma_start3A_324, %dma_start3A_325] : memref<2x32x1024xf32, #tpu.memory_space<vmem>> -> memref<1x32x1024xf32, #tpu.memory_space<vmem>>
    %dma_start3A_327 = tpu.memref_squeeze %dma_start3A_326 : memref<1x32x1024xf32, #tpu.memory_space<vmem>> -> memref<32x1024xf32, #tpu.memory_space<vmem>>
    %dma_start3A_328 = arith.constant 0 : i32
    %dma_start3A_329 = tpu.memref_slice %arg4[%dma_start3A_312, %add3A_92, %dma_start3A_328] : memref<8x2048x1024xf32, #tpu.memory_space<hbm>> -> memref<1x32x1024xf32, #tpu.memory_space<hbm>>
    %dma_start3A_330 = tpu.memref_squeeze %dma_start3A_329 : memref<1x32x1024xf32, #tpu.memory_space<hbm>> -> memref<32x1024xf32, #tpu.memory_space<hbm>>
    tpu.enqueue_dma source(%dma_start3A_330 : memref<32x1024xf32, #tpu.memory_space<hbm>>) target(%dma_start3A_327 : memref<32x1024xf32, #tpu.memory_space<vmem>>) target_semaphore(%dma_start3A_323 : memref<!tpu.dma_semaphore, #tpu.memory_space<semaphore_mem>>)
    %dma_wait3A_331 = arith.constant 1 : i32
    %dma_wait3A_332 = arith.constant 1 : i32
    %dma_wait3A_333 = arith.constant 0 : i32
    %dma_wait3A_334 = arith.constant 0 : i32
    %dma_wait3A_335 = tpu.memref_slice %arg8[%dma_wait3A_331, %dma_wait3A_333, %dma_wait3A_334] : memref<2x32x1024xf32, #tpu.memory_space<vmem>> -> memref<1x32x1024xf32, #tpu.memory_space<vmem>>
    %dma_wait3A_336 = tpu.memref_squeeze %dma_wait3A_335 : memref<1x32x1024xf32, #tpu.memory_space<vmem>> -> memref<32x1024xf32, #tpu.memory_space<vmem>>
    %dma_wait3A_337 = arith.constant 0 : i32
    %dma_wait3A_338 = tpu.memref_slice %arg2[%select_n3A_72, %add3A_88, %dma_wait3A_337] : memref<16x2048x1024xf32, #tpu.memory_space<hbm>> -> memref<1x32x1024xf32, #tpu.memory_space<hbm>>
    %dma_wait3A_339 = tpu.memref_squeeze %dma_wait3A_338 : memref<1x32x1024xf32, #tpu.memory_space<hbm>> -> memref<32x1024xf32, #tpu.memory_space<hbm>>
    %dma_wait3A_340 = tpu.memref_slice %arg11[%dma_wait3A_332] : memref<2x!tpu.dma_semaphore, #tpu.memory_space<semaphore_mem>> -> memref<1x!tpu.dma_semaphore, #tpu.memory_space<semaphore_mem>>
    %dma_wait3A_341 = tpu.memref_squeeze %dma_wait3A_340 : memref<1x!tpu.dma_semaphore, #tpu.memory_space<semaphore_mem>> -> memref<!tpu.dma_semaphore, #tpu.memory_space<semaphore_mem>>
    %dma_wait3A_342 = arith.constant 0 : i32
    %dma_wait3A_343 = arith.constant 0 : i32
    %dma_wait3A_344 = tpu.memref_slice %arg8[%dma_wait3A_331, %dma_wait3A_342, %dma_wait3A_343] : memref<2x32x1024xf32, #tpu.memory_space<vmem>> -> memref<1x32x1024xf32, #tpu.memory_space<vmem>>
    %dma_wait3A_345 = tpu.memref_squeeze %dma_wait3A_344 : memref<1x32x1024xf32, #tpu.memory_space<vmem>> -> memref<32x1024xf32, #tpu.memory_space<vmem>>
    %dma_wait3A_346 = arith.constant 0 : i32
    %dma_wait3A_347 = tpu.memref_slice %arg2[%select_n3A_72, %add3A_88, %dma_wait3A_346] : memref<16x2048x1024xf32, #tpu.memory_space<hbm>> -> memref<1x32x1024xf32, #tpu.memory_space<hbm>>
    %dma_wait3A_348 = tpu.memref_squeeze %dma_wait3A_347 : memref<1x32x1024xf32, #tpu.memory_space<hbm>> -> memref<32x1024xf32, #tpu.memory_space<hbm>>
    tpu.wait_dma2 semaphore(%dma_wait3A_341 : memref<!tpu.dma_semaphore, #tpu.memory_space<semaphore_mem>>) src(%dma_wait3A_348 : memref<32x1024xf32, #tpu.memory_space<hbm>>) dst(%dma_wait3A_345 : memref<32x1024xf32, #tpu.memory_space<vmem>>)
    %dma_start3A_349 = arith.constant 1 : i32
    %dma_start3A_350 = arith.constant 0 : i32
    %dma_start3A_351 = arith.constant 0 : i32
    %dma_start3A_352 = tpu.memref_slice %arg8[%dma_start3A_349, %dma_start3A_350, %dma_start3A_351] : memref<2x32x1024xf32, #tpu.memory_space<vmem>> -> memref<1x32x1024xf32, #tpu.memory_space<vmem>>
    %dma_start3A_353 = tpu.memref_squeeze %dma_start3A_352 : memref<1x32x1024xf32, #tpu.memory_space<vmem>> -> memref<32x1024xf32, #tpu.memory_space<vmem>>
    %dma_start3A_354 = arith.constant 0 : i32
    %dma_start3A_355 = tpu.memref_slice %arg5[%select_n3A, %add3A_88, %dma_start3A_354] : memref<2x2048x1024xf32, #tpu.memory_space<hbm>> -> memref<1x32x1024xf32, #tpu.memory_space<hbm>>
    %dma_start3A_356 = tpu.memref_squeeze %dma_start3A_355 : memref<1x32x1024xf32, #tpu.memory_space<hbm>> -> memref<32x1024xf32, #tpu.memory_space<hbm>>
    %dma_start3A_357 = arith.constant 0 : i32
    %dma_start3A_358 = tpu.memref_slice %arg5[%select_n3A, %add3A_88, %dma_start3A_357] : memref<2x2048x1024xf32, #tpu.memory_space<hbm>> -> memref<1x32x1024xf32, #tpu.memory_space<hbm>>
    %dma_start3A_359 = tpu.memref_squeeze %dma_start3A_358 : memref<1x32x1024xf32, #tpu.memory_space<hbm>> -> memref<32x1024xf32, #tpu.memory_space<hbm>>
    %dma_start3A_360 = arith.constant 0 : i32
    %dma_start3A_361 = arith.constant 0 : i32
    %dma_start3A_362 = tpu.memref_slice %arg8[%dma_start3A_349, %dma_start3A_360, %dma_start3A_361] : memref<2x32x1024xf32, #tpu.memory_space<vmem>> -> memref<1x32x1024xf32, #tpu.memory_space<vmem>>
    %dma_start3A_363 = tpu.memref_squeeze %dma_start3A_362 : memref<1x32x1024xf32, #tpu.memory_space<vmem>> -> memref<32x1024xf32, #tpu.memory_space<vmem>>
    tpu.enqueue_dma source(%dma_start3A_363 : memref<32x1024xf32, #tpu.memory_space<vmem>>) target(%dma_start3A_359 : memref<32x1024xf32, #tpu.memory_space<hbm>>) target_semaphore(%arg13 : memref<!tpu.dma_semaphore, #tpu.memory_space<semaphore_mem>>)
    %dma_wait3A_364 = arith.constant 1 : i32
    %dma_wait3A_365 = arith.constant 0 : i32
    %dma_wait3A_366 = arith.constant 0 : i32
    %dma_wait3A_367 = tpu.memref_slice %arg8[%dma_wait3A_364, %dma_wait3A_365, %dma_wait3A_366] : memref<2x32x1024xf32, #tpu.memory_space<vmem>> -> memref<1x32x1024xf32, #tpu.memory_space<vmem>>
    %dma_wait3A_368 = tpu.memref_squeeze %dma_wait3A_367 : memref<1x32x1024xf32, #tpu.memory_space<vmem>> -> memref<32x1024xf32, #tpu.memory_space<vmem>>
    %dma_wait3A_369 = arith.constant 0 : i32
    %dma_wait3A_370 = tpu.memref_slice %arg5[%select_n3A, %add3A_88, %dma_wait3A_369] : memref<2x2048x1024xf32, #tpu.memory_space<hbm>> -> memref<1x32x1024xf32, #tpu.memory_space<hbm>>
    %dma_wait3A_371 = tpu.memref_squeeze %dma_wait3A_370 : memref<1x32x1024xf32, #tpu.memory_space<hbm>> -> memref<32x1024xf32, #tpu.memory_space<hbm>>
    %dma_wait3A_372 = arith.constant 0 : i32
    %dma_wait3A_373 = tpu.memref_slice %arg5[%select_n3A, %add3A_88, %dma_wait3A_372] : memref<2x2048x1024xf32, #tpu.memory_space<hbm>> -> memref<1x32x1024xf32, #tpu.memory_space<hbm>>
    %dma_wait3A_374 = tpu.memref_squeeze %dma_wait3A_373 : memref<1x32x1024xf32, #tpu.memory_space<hbm>> -> memref<32x1024xf32, #tpu.memory_space<hbm>>
    %dma_wait3A_375 = arith.constant 0 : i32
    %dma_wait3A_376 = arith.constant 0 : i32
    %dma_wait3A_377 = tpu.memref_slice %arg8[%dma_wait3A_364, %dma_wait3A_375, %dma_wait3A_376] : memref<2x32x1024xf32, #tpu.memory_space<vmem>> -> memref<1x32x1024xf32, #tpu.memory_space<vmem>>
    %dma_wait3A_378 = tpu.memref_squeeze %dma_wait3A_377 : memref<1x32x1024xf32, #tpu.memory_space<vmem>> -> memref<32x1024xf32, #tpu.memory_space<vmem>>
    tpu.wait_dma2 semaphore(%arg13 : memref<!tpu.dma_semaphore, #tpu.memory_space<semaphore_mem>>) src(%dma_wait3A_378 : memref<32x1024xf32, #tpu.memory_space<vmem>>) dst(%dma_wait3A_374 : memref<32x1024xf32, #tpu.memory_space<hbm>>)
    %dma_start3A_379 = arith.constant 2 : i32
    %dma_start3A_380 = arith.constant 1 : i32
    %dma_start3A_381 = arith.constant 1 : i32
    %dma_start3A_382 = arith.constant 0 : i32
    %dma_start3A_383 = arith.constant 0 : i32
    %dma_start3A_384 = tpu.memref_slice %arg8[%dma_start3A_380, %dma_start3A_382, %dma_start3A_383] : memref<2x32x1024xf32, #tpu.memory_space<vmem>> -> memref<1x32x1024xf32, #tpu.memory_space<vmem>>
    %dma_start3A_385 = tpu.memref_squeeze %dma_start3A_384 : memref<1x32x1024xf32, #tpu.memory_space<vmem>> -> memref<32x1024xf32, #tpu.memory_space<vmem>>
    %dma_start3A_386 = arith.constant 0 : i32
    %dma_start3A_387 = tpu.memref_slice %arg4[%dma_start3A_379, %add3A_96, %dma_start3A_386] : memref<8x2048x1024xf32, #tpu.memory_space<hbm>> -> memref<1x32x1024xf32, #tpu.memory_space<hbm>>
    %dma_start3A_388 = tpu.memref_squeeze %dma_start3A_387 : memref<1x32x1024xf32, #tpu.memory_space<hbm>> -> memref<32x1024xf32, #tpu.memory_space<hbm>>
    %dma_start3A_389 = tpu.memref_slice %arg11[%dma_start3A_381] : memref<2x!tpu.dma_semaphore, #tpu.memory_space<semaphore_mem>> -> memref<1x!tpu.dma_semaphore, #tpu.memory_space<semaphore_mem>>
    %dma_start3A_390 = tpu.memref_squeeze %dma_start3A_389 : memref<1x!tpu.dma_semaphore, #tpu.memory_space<semaphore_mem>> -> memref<!tpu.dma_semaphore, #tpu.memory_space<semaphore_mem>>
    %dma_start3A_391 = arith.constant 0 : i32
    %dma_start3A_392 = arith.constant 0 : i32
    %dma_start3A_393 = tpu.memref_slice %arg8[%dma_start3A_380, %dma_start3A_391, %dma_start3A_392] : memref<2x32x1024xf32, #tpu.memory_space<vmem>> -> memref<1x32x1024xf32, #tpu.memory_space<vmem>>
    %dma_start3A_394 = tpu.memref_squeeze %dma_start3A_393 : memref<1x32x1024xf32, #tpu.memory_space<vmem>> -> memref<32x1024xf32, #tpu.memory_space<vmem>>
    %dma_start3A_395 = arith.constant 0 : i32
    %dma_start3A_396 = tpu.memref_slice %arg4[%dma_start3A_379, %add3A_96, %dma_start3A_395] : memref<8x2048x1024xf32, #tpu.memory_space<hbm>> -> memref<1x32x1024xf32, #tpu.memory_space<hbm>>
    %dma_start3A_397 = tpu.memref_squeeze %dma_start3A_396 : memref<1x32x1024xf32, #tpu.memory_space<hbm>> -> memref<32x1024xf32, #tpu.memory_space<hbm>>
    tpu.enqueue_dma source(%dma_start3A_397 : memref<32x1024xf32, #tpu.memory_space<hbm>>) target(%dma_start3A_394 : memref<32x1024xf32, #tpu.memory_space<vmem>>) target_semaphore(%dma_start3A_390 : memref<!tpu.dma_semaphore, #tpu.memory_space<semaphore_mem>>)
    %dma_wait3A_398 = arith.constant 2 : i32
    %dma_wait3A_399 = arith.constant 0 : i32
    %dma_wait3A_400 = arith.constant 0 : i32
    %dma_wait3A_401 = arith.constant 0 : i32
    %dma_wait3A_402 = arith.constant 0 : i32
    %dma_wait3A_403 = tpu.memref_slice %arg8[%dma_wait3A_399, %dma_wait3A_401, %dma_wait3A_402] : memref<2x32x1024xf32, #tpu.memory_space<vmem>> -> memref<1x32x1024xf32, #tpu.memory_space<vmem>>
    %dma_wait3A_404 = tpu.memref_squeeze %dma_wait3A_403 : memref<1x32x1024xf32, #tpu.memory_space<vmem>> -> memref<32x1024xf32, #tpu.memory_space<vmem>>
    %dma_wait3A_405 = arith.constant 0 : i32
    %dma_wait3A_406 = tpu.memref_slice %arg4[%dma_wait3A_398, %add3A_92, %dma_wait3A_405] : memref<8x2048x1024xf32, #tpu.memory_space<hbm>> -> memref<1x32x1024xf32, #tpu.memory_space<hbm>>
    %dma_wait3A_407 = tpu.memref_squeeze %dma_wait3A_406 : memref<1x32x1024xf32, #tpu.memory_space<hbm>> -> memref<32x1024xf32, #tpu.memory_space<hbm>>
    %dma_wait3A_408 = tpu.memref_slice %arg11[%dma_wait3A_400] : memref<2x!tpu.dma_semaphore, #tpu.memory_space<semaphore_mem>> -> memref<1x!tpu.dma_semaphore, #tpu.memory_space<semaphore_mem>>
    %dma_wait3A_409 = tpu.memref_squeeze %dma_wait3A_408 : memref<1x!tpu.dma_semaphore, #tpu.memory_space<semaphore_mem>> -> memref<!tpu.dma_semaphore, #tpu.memory_space<semaphore_mem>>
    %dma_wait3A_410 = arith.constant 0 : i32
    %dma_wait3A_411 = arith.constant 0 : i32
    %dma_wait3A_412 = tpu.memref_slice %arg8[%dma_wait3A_399, %dma_wait3A_410, %dma_wait3A_411] : memref<2x32x1024xf32, #tpu.memory_space<vmem>> -> memref<1x32x1024xf32, #tpu.memory_space<vmem>>
    %dma_wait3A_413 = tpu.memref_squeeze %dma_wait3A_412 : memref<1x32x1024xf32, #tpu.memory_space<vmem>> -> memref<32x1024xf32, #tpu.memory_space<vmem>>
    %dma_wait3A_414 = arith.constant 0 : i32
    %dma_wait3A_415 = tpu.memref_slice %arg4[%dma_wait3A_398, %add3A_92, %dma_wait3A_414] : memref<8x2048x1024xf32, #tpu.memory_space<hbm>> -> memref<1x32x1024xf32, #tpu.memory_space<hbm>>
    %dma_wait3A_416 = tpu.memref_squeeze %dma_wait3A_415 : memref<1x32x1024xf32, #tpu.memory_space<hbm>> -> memref<32x1024xf32, #tpu.memory_space<hbm>>
    tpu.wait_dma2 semaphore(%dma_wait3A_409 : memref<!tpu.dma_semaphore, #tpu.memory_space<semaphore_mem>>) src(%dma_wait3A_416 : memref<32x1024xf32, #tpu.memory_space<hbm>>) dst(%dma_wait3A_413 : memref<32x1024xf32, #tpu.memory_space<vmem>>)
    %dma_start3A_417 = arith.constant 0 : i32
    %dma_start3A_418 = arith.constant 0 : i32
    %dma_start3A_419 = arith.constant 0 : i32
    %dma_start3A_420 = arith.constant 0 : i32
    %dma_start3A_421 = tpu.memref_slice %arg8[%dma_start3A_417, %dma_start3A_419, %dma_start3A_420] : memref<2x32x1024xf32, #tpu.memory_space<vmem>> -> memref<1x32x1024xf32, #tpu.memory_space<vmem>>
    %dma_start3A_422 = tpu.memref_squeeze %dma_start3A_421 : memref<1x32x1024xf32, #tpu.memory_space<vmem>> -> memref<32x1024xf32, #tpu.memory_space<vmem>>
    %dma_start3A_423 = arith.constant 0 : i32
    %dma_start3A_424 = tpu.memref_slice %arg7[%dma_start3A_418, %add3A_92, %dma_start3A_423] : memref<1x2048x1024xf32, #tpu.memory_space<hbm>> -> memref<1x32x1024xf32, #tpu.memory_space<hbm>>
    %dma_start3A_425 = tpu.memref_squeeze %dma_start3A_424 : memref<1x32x1024xf32, #tpu.memory_space<hbm>> -> memref<32x1024xf32, #tpu.memory_space<hbm>>
    %dma_start3A_426 = arith.constant 0 : i32
    %dma_start3A_427 = tpu.memref_slice %arg7[%dma_start3A_418, %add3A_92, %dma_start3A_426] : memref<1x2048x1024xf32, #tpu.memory_space<hbm>> -> memref<1x32x1024xf32, #tpu.memory_space<hbm>>
    %dma_start3A_428 = tpu.memref_squeeze %dma_start3A_427 : memref<1x32x1024xf32, #tpu.memory_space<hbm>> -> memref<32x1024xf32, #tpu.memory_space<hbm>>
    %dma_start3A_429 = arith.constant 0 : i32
    %dma_start3A_430 = arith.constant 0 : i32
    %dma_start3A_431 = tpu.memref_slice %arg8[%dma_start3A_417, %dma_start3A_429, %dma_start3A_430] : memref<2x32x1024xf32, #tpu.memory_space<vmem>> -> memref<1x32x1024xf32, #tpu.memory_space<vmem>>
    %dma_start3A_432 = tpu.memref_squeeze %dma_start3A_431 : memref<1x32x1024xf32, #tpu.memory_space<vmem>> -> memref<32x1024xf32, #tpu.memory_space<vmem>>
    tpu.enqueue_dma source(%dma_start3A_432 : memref<32x1024xf32, #tpu.memory_space<vmem>>) target(%dma_start3A_428 : memref<32x1024xf32, #tpu.memory_space<hbm>>) target_semaphore(%arg13 : memref<!tpu.dma_semaphore, #tpu.memory_space<semaphore_mem>>)
    %dma_wait3A_433 = arith.constant 2 : i32
    %dma_wait3A_434 = arith.constant 1 : i32
    %dma_wait3A_435 = arith.constant 1 : i32
    %dma_wait3A_436 = arith.constant 0 : i32
    %dma_wait3A_437 = arith.constant 0 : i32
    %dma_wait3A_438 = tpu.memref_slice %arg8[%dma_wait3A_434, %dma_wait3A_436, %dma_wait3A_437] : memref<2x32x1024xf32, #tpu.memory_space<vmem>> -> memref<1x32x1024xf32, #tpu.memory_space<vmem>>
    %dma_wait3A_439 = tpu.memref_squeeze %dma_wait3A_438 : memref<1x32x1024xf32, #tpu.memory_space<vmem>> -> memref<32x1024xf32, #tpu.memory_space<vmem>>
    %dma_wait3A_440 = arith.constant 0 : i32
    %dma_wait3A_441 = tpu.memref_slice %arg4[%dma_wait3A_433, %add3A_96, %dma_wait3A_440] : memref<8x2048x1024xf32, #tpu.memory_space<hbm>> -> memref<1x32x1024xf32, #tpu.memory_space<hbm>>
    %dma_wait3A_442 = tpu.memref_squeeze %dma_wait3A_441 : memref<1x32x1024xf32, #tpu.memory_space<hbm>> -> memref<32x1024xf32, #tpu.memory_space<hbm>>
    %dma_wait3A_443 = tpu.memref_slice %arg11[%dma_wait3A_435] : memref<2x!tpu.dma_semaphore, #tpu.memory_space<semaphore_mem>> -> memref<1x!tpu.dma_semaphore, #tpu.memory_space<semaphore_mem>>
    %dma_wait3A_444 = tpu.memref_squeeze %dma_wait3A_443 : memref<1x!tpu.dma_semaphore, #tpu.memory_space<semaphore_mem>> -> memref<!tpu.dma_semaphore, #tpu.memory_space<semaphore_mem>>
    %dma_wait3A_445 = arith.constant 0 : i32
    %dma_wait3A_446 = arith.constant 0 : i32
    %dma_wait3A_447 = tpu.memref_slice %arg8[%dma_wait3A_434, %dma_wait3A_445, %dma_wait3A_446] : memref<2x32x1024xf32, #tpu.memory_space<vmem>> -> memref<1x32x1024xf32, #tpu.memory_space<vmem>>
    %dma_wait3A_448 = tpu.memref_squeeze %dma_wait3A_447 : memref<1x32x1024xf32, #tpu.memory_space<vmem>> -> memref<32x1024xf32, #tpu.memory_space<vmem>>
    %dma_wait3A_449 = arith.constant 0 : i32
    %dma_wait3A_450 = tpu.memref_slice %arg4[%dma_wait3A_433, %add3A_96, %dma_wait3A_449] : memref<8x2048x1024xf32, #tpu.memory_space<hbm>> -> memref<1x32x1024xf32, #tpu.memory_space<hbm>>
    %dma_wait3A_451 = tpu.memref_squeeze %dma_wait3A_450 : memref<1x32x1024xf32, #tpu.memory_space<hbm>> -> memref<32x1024xf32, #tpu.memory_space<hbm>>
    tpu.wait_dma2 semaphore(%dma_wait3A_444 : memref<!tpu.dma_semaphore, #tpu.memory_space<semaphore_mem>>) src(%dma_wait3A_451 : memref<32x1024xf32, #tpu.memory_space<hbm>>) dst(%dma_wait3A_448 : memref<32x1024xf32, #tpu.memory_space<vmem>>)
    %dma_start3A_452 = arith.constant 1 : i32
    %dma_start3A_453 = arith.constant 0 : i32
    %dma_start3A_454 = arith.constant 0 : i32
    %dma_start3A_455 = arith.constant 0 : i32
    %dma_start3A_456 = tpu.memref_slice %arg8[%dma_start3A_452, %dma_start3A_454, %dma_start3A_455] : memref<2x32x1024xf32, #tpu.memory_space<vmem>> -> memref<1x32x1024xf32, #tpu.memory_space<vmem>>
    %dma_start3A_457 = tpu.memref_squeeze %dma_start3A_456 : memref<1x32x1024xf32, #tpu.memory_space<vmem>> -> memref<32x1024xf32, #tpu.memory_space<vmem>>
    %dma_start3A_458 = arith.constant 0 : i32
    %dma_start3A_459 = tpu.memref_slice %arg7[%dma_start3A_453, %add3A_96, %dma_start3A_458] : memref<1x2048x1024xf32, #tpu.memory_space<hbm>> -> memref<1x32x1024xf32, #tpu.memory_space<hbm>>
    %dma_start3A_460 = tpu.memref_squeeze %dma_start3A_459 : memref<1x32x1024xf32, #tpu.memory_space<hbm>> -> memref<32x1024xf32, #tpu.memory_space<hbm>>
    %dma_start3A_461 = arith.constant 0 : i32
    %dma_start3A_462 = tpu.memref_slice %arg7[%dma_start3A_453, %add3A_96, %dma_start3A_461] : memref<1x2048x1024xf32, #tpu.memory_space<hbm>> -> memref<1x32x1024xf32, #tpu.memory_space<hbm>>
    %dma_start3A_463 = tpu.memref_squeeze %dma_start3A_462 : memref<1x32x1024xf32, #tpu.memory_space<hbm>> -> memref<32x1024xf32, #tpu.memory_space<hbm>>
    %dma_start3A_464 = arith.constant 0 : i32
    %dma_start3A_465 = arith.constant 0 : i32
    %dma_start3A_466 = tpu.memref_slice %arg8[%dma_start3A_452, %dma_start3A_464, %dma_start3A_465] : memref<2x32x1024xf32, #tpu.memory_space<vmem>> -> memref<1x32x1024xf32, #tpu.memory_space<vmem>>
    %dma_start3A_467 = tpu.memref_squeeze %dma_start3A_466 : memref<1x32x1024xf32, #tpu.memory_space<vmem>> -> memref<32x1024xf32, #tpu.memory_space<vmem>>
    tpu.enqueue_dma source(%dma_start3A_467 : memref<32x1024xf32, #tpu.memory_space<vmem>>) target(%dma_start3A_463 : memref<32x1024xf32, #tpu.memory_space<hbm>>) target_semaphore(%arg13 : memref<!tpu.dma_semaphore, #tpu.memory_space<semaphore_mem>>)
    %iota3A = tpu.iota {dimensions = array<i32: 0>} : vector<16xi32>
    %dma_wait3A_468 = arith.constant 0 : i32
    %dma_wait3A_469 = arith.constant 0 : i32
    %dma_wait3A_470 = arith.constant 0 : i32
    %dma_wait3A_471 = arith.constant 0 : i32
    %dma_wait3A_472 = tpu.memref_slice %arg9[%dma_wait3A_468, %dma_wait3A_470, %dma_wait3A_471] : memref<2x128x128xf32, #tpu.memory_space<vmem>> -> memref<1x128x128xf32, #tpu.memory_space<vmem>>
    %dma_wait3A_473 = tpu.memref_squeeze %dma_wait3A_472 : memref<1x128x128xf32, #tpu.memory_space<vmem>> -> memref<128x128xf32, #tpu.memory_space<vmem>>
    %dma_wait3A_474 = arith.constant 0 : i32
    %dma_wait3A_475 = tpu.memref_slice %arg3[%add3A_4, %dma_wait3A_474] : memref<16384x2048xf32, #tpu.memory_space<hbm>> -> memref<128x128xf32, #tpu.memory_space<hbm>>
    %dma_wait3A_476 = tpu.memref_slice %arg12[%dma_wait3A_469] : memref<2x!tpu.dma_semaphore, #tpu.memory_space<semaphore_mem>> -> memref<1x!tpu.dma_semaphore, #tpu.memory_space<semaphore_mem>>
    %dma_wait3A_477 = tpu.memref_squeeze %dma_wait3A_476 : memref<1x!tpu.dma_semaphore, #tpu.memory_space<semaphore_mem>> -> memref<!tpu.dma_semaphore, #tpu.memory_space<semaphore_mem>>
    %dma_wait3A_478 = arith.constant 0 : i32
    %dma_wait3A_479 = arith.constant 0 : i32
    %dma_wait3A_480 = tpu.memref_slice %arg9[%dma_wait3A_468, %dma_wait3A_478, %dma_wait3A_479] : memref<2x128x128xf32, #tpu.memory_space<vmem>> -> memref<1x128x128xf32, #tpu.memory_space<vmem>>
    %dma_wait3A_481 = tpu.memref_squeeze %dma_wait3A_480 : memref<1x128x128xf32, #tpu.memory_space<vmem>> -> memref<128x128xf32, #tpu.memory_space<vmem>>
    %dma_wait3A_482 = arith.constant 0 : i32
    %dma_wait3A_483 = tpu.memref_slice %arg3[%add3A_4, %dma_wait3A_482] : memref<16384x2048xf32, #tpu.memory_space<hbm>> -> memref<128x128xf32, #tpu.memory_space<hbm>>
    tpu.wait_dma2 semaphore(%dma_wait3A_477 : memref<!tpu.dma_semaphore, #tpu.memory_space<semaphore_mem>>) src(%dma_wait3A_483 : memref<128x128xf32, #tpu.memory_space<hbm>>) dst(%dma_wait3A_481 : memref<128x128xf32, #tpu.memory_space<vmem>>)
    %add3A_484 = arith.constant 0 : i32
    %add3A_485 = vector.broadcast %add3A_484 : i32 to vector<16xi32>
    %add3A_486 = arith.addi %add3A_485, %iota3A : vector<16xi32>
    %shift_right_arithmetic3A = arith.constant 1 : i32
    %shift_right_arithmetic3A_487 = vector.broadcast %shift_right_arithmetic3A : i32 to vector<16xi32>
    %shift_right_arithmetic3A_488 = arith.shrsi %add3A_486, %shift_right_arithmetic3A_487 : vector<16xi32>
    %and3A_489 = arith.constant 1 : i32
    %and3A_490 = vector.broadcast %and3A_489 : i32 to vector<16xi32>
    %and3A_491 = arith.andi %add3A_486, %and3A_490 : vector<16xi32>
    %sub3A_492 = arith.constant 1 : i32
    %sub3A_493 = vector.broadcast %sub3A_492 : i32 to vector<16xi32>
    %sub3A_494 = arith.subi %sub3A_493, %and3A_491 : vector<16xi32>
    %gather3A = arith.constant 0 : i32
    %gather3A_495 = arith.constant 0 : i32
    %gather3A_496 = arith.constant 0 : i32
    %gather3A_497 = tpu.memref_slice %arg9[%gather3A, %gather3A_495, %gather3A_496] : memref<2x128x128xf32, #tpu.memory_space<vmem>> -> memref<1x128x128xf32, #tpu.memory_space<vmem>>
    %gather3A_498 = tpu.memref_squeeze %gather3A_497 : memref<1x128x128xf32, #tpu.memory_space<vmem>> -> memref<128x128xf32, #tpu.memory_space<vmem>>
    %gather3A_499 = tpu.vector_load_idx %gather3A_498[%shift_right_arithmetic3A_488, %sub3A_494] : memref<128x128xf32, #tpu.memory_space<vmem>>[vector<16xi32>, vector<16xi32>], vector<16xf32>,
    %swap3A = arith.constant 0 : i32
    %swap3A_500 = arith.index_cast %swap3A : i32 to index
    %swap3A_501 = arith.constant 0 : index
    %swap3A_502 = tpu.vector_load %arg10[%swap3A_500, %swap3A_501] {strides = array<i32>} : memref<64x16xf32, #tpu.memory_space<vmem>>, vector<16xf32>,
    tpu.vector_store %arg10[%swap3A_500, %swap3A_501], %gather3A_499 {strides = array<i32>} : memref<64x16xf32, #tpu.memory_space<vmem>>, vector<16xf32>,
    %add3A_503 = arith.constant 16 : i32
    %add3A_504 = vector.broadcast %add3A_503 : i32 to vector<16xi32>
    %add3A_505 = arith.addi %add3A_504, %iota3A : vector<16xi32>
    %shift_right_arithmetic3A_506 = arith.constant 1 : i32
    %shift_right_arithmetic3A_507 = vector.broadcast %shift_right_arithmetic3A_506 : i32 to vector<16xi32>
    %shift_right_arithmetic3A_508 = arith.shrsi %add3A_505, %shift_right_arithmetic3A_507 : vector<16xi32>
    %and3A_509 = arith.constant 1 : i32
    %and3A_510 = vector.broadcast %and3A_509 : i32 to vector<16xi32>
    %and3A_511 = arith.andi %add3A_505, %and3A_510 : vector<16xi32>
    %sub3A_512 = arith.constant 1 : i32
    %sub3A_513 = vector.broadcast %sub3A_512 : i32 to vector<16xi32>
    %sub3A_514 = arith.subi %sub3A_513, %and3A_511 : vector<16xi32>
    %gather3A_515 = arith.constant 0 : i32
    %gather3A_516 = arith.constant 0 : i32
    %gather3A_517 = arith.constant 0 : i32
    %gather3A_518 = tpu.memref_slice %arg9[%gather3A_515, %gather3A_516, %gather3A_517] : memref<2x128x128xf32, #tpu.memory_space<vmem>> -> memref<1x128x128xf32, #tpu.memory_space<vmem>>
    %gather3A_519 = tpu.memref_squeeze %gather3A_518 : memref<1x128x128xf32, #tpu.memory_space<vmem>> -> memref<128x128xf32, #tpu.memory_space<vmem>>
    %gather3A_520 = tpu.vector_load_idx %gather3A_519[%shift_right_arithmetic3A_508, %sub3A_514] : memref<128x128xf32, #tpu.memory_space<vmem>>[vector<16xi32>, vector<16xi32>], vector<16xf32>,
    %swap3A_521 = arith.constant 1 : i32
    %swap3A_522 = arith.index_cast %swap3A_521 : i32 to index
    %swap3A_523 = arith.constant 0 : index
    %swap3A_524 = tpu.vector_load %arg10[%swap3A_522, %swap3A_523] {strides = array<i32>} : memref<64x16xf32, #tpu.memory_space<vmem>>, vector<16xf32>,
    tpu.vector_store %arg10[%swap3A_522, %swap3A_523], %gather3A_520 {strides = array<i32>} : memref<64x16xf32, #tpu.memory_space<vmem>>, vector<16xf32>,
    %add3A_525 = arith.constant 32 : i32
    %add3A_526 = vector.broadcast %add3A_525 : i32 to vector<16xi32>
    %add3A_527 = arith.addi %add3A_526, %iota3A : vector<16xi32>
    %shift_right_arithmetic3A_528 = arith.constant 1 : i32
    %shift_right_arithmetic3A_529 = vector.broadcast %shift_right_arithmetic3A_528 : i32 to vector<16xi32>
    %shift_right_arithmetic3A_530 = arith.shrsi %add3A_527, %shift_right_arithmetic3A_529 : vector<16xi32>
    %and3A_531 = arith.constant 1 : i32
    %and3A_532 = vector.broadcast %and3A_531 : i32 to vector<16xi32>
    %and3A_533 = arith.andi %add3A_527, %and3A_532 : vector<16xi32>
    %sub3A_534 = arith.constant 1 : i32
    %sub3A_535 = vector.broadcast %sub3A_534 : i32 to vector<16xi32>
    %sub3A_536 = arith.subi %sub3A_535, %and3A_533 : vector<16xi32>
    %gather3A_537 = arith.constant 0 : i32
    %gather3A_538 = arith.constant 0 : i32
    %gather3A_539 = arith.constant 0 : i32
    %gather3A_540 = tpu.memref_slice %arg9[%gather3A_537, %gather3A_538, %gather3A_539] : memref<2x128x128xf32, #tpu.memory_space<vmem>> -> memref<1x128x128xf32, #tpu.memory_space<vmem>>
    %gather3A_541 = tpu.memref_squeeze %gather3A_540 : memref<1x128x128xf32, #tpu.memory_space<vmem>> -> memref<128x128xf32, #tpu.memory_space<vmem>>
    %gather3A_542 = tpu.vector_load_idx %gather3A_541[%shift_right_arithmetic3A_530, %sub3A_536] : memref<128x128xf32, #tpu.memory_space<vmem>>[vector<16xi32>, vector<16xi32>], vector<16xf32>,
    %swap3A_543 = arith.constant 2 : i32
    %swap3A_544 = arith.index_cast %swap3A_543 : i32 to index
    %swap3A_545 = arith.constant 0 : index
    %swap3A_546 = tpu.vector_load %arg10[%swap3A_544, %swap3A_545] {strides = array<i32>} : memref<64x16xf32, #tpu.memory_space<vmem>>, vector<16xf32>,
    tpu.vector_store %arg10[%swap3A_544, %swap3A_545], %gather3A_542 {strides = array<i32>} : memref<64x16xf32, #tpu.memory_space<vmem>>, vector<16xf32>,
    %add3A_547 = arith.constant 48 : i32
    %add3A_548 = vector.broadcast %add3A_547 : i32 to vector<16xi32>
    %add3A_549 = arith.addi %add3A_548, %iota3A : vector<16xi32>
    %shift_right_arithmetic3A_550 = arith.constant 1 : i32
    %shift_right_arithmetic3A_551 = vector.broadcast %shift_right_arithmetic3A_550 : i32 to vector<16xi32>
    %shift_right_arithmetic3A_552 = arith.shrsi %add3A_549, %shift_right_arithmetic3A_551 : vector<16xi32>
    %and3A_553 = arith.constant 1 : i32
    %and3A_554 = vector.broadcast %and3A_553 : i32 to vector<16xi32>
    %and3A_555 = arith.andi %add3A_549, %and3A_554 : vector<16xi32>
    %sub3A_556 = arith.constant 1 : i32
    %sub3A_557 = vector.broadcast %sub3A_556 : i32 to vector<16xi32>
    %sub3A_558 = arith.subi %sub3A_557, %and3A_555 : vector<16xi32>
    %gather3A_559 = arith.constant 0 : i32
    %gather3A_560 = arith.constant 0 : i32
    %gather3A_561 = arith.constant 0 : i32
    %gather3A_562 = tpu.memref_slice %arg9[%gather3A_559, %gather3A_560, %gather3A_561] : memref<2x128x128xf32, #tpu.memory_space<vmem>> -> memref<1x128x128xf32, #tpu.memory_space<vmem>>
    %gather3A_563 = tpu.memref_squeeze %gather3A_562 : memref<1x128x128xf32, #tpu.memory_space<vmem>> -> memref<128x128xf32, #tpu.memory_space<vmem>>
    %gather3A_564 = tpu.vector_load_idx %gather3A_563[%shift_right_arithmetic3A_552, %sub3A_558] : memref<128x128xf32, #tpu.memory_space<vmem>>[vector<16xi32>, vector<16xi32>], vector<16xf32>,
    %swap3A_565 = arith.constant 3 : i32
    %swap3A_566 = arith.index_cast %swap3A_565 : i32 to index
    %swap3A_567 = arith.constant 0 : index
    %swap3A_568 = tpu.vector_load %arg10[%swap3A_566, %swap3A_567] {strides = array<i32>} : memref<64x16xf32, #tpu.memory_space<vmem>>, vector<16xf32>,
    tpu.vector_store %arg10[%swap3A_566, %swap3A_567], %gather3A_564 {strides = array<i32>} : memref<64x16xf32, #tpu.memory_space<vmem>>, vector<16xf32>,
    %add3A_569 = arith.constant 64 : i32
    %add3A_570 = vector.broadcast %add3A_569 : i32 to vector<16xi32>
    %add3A_571 = arith.addi %add3A_570, %iota3A : vector<16xi32>
    %shift_right_arithmetic3A_572 = arith.constant 1 : i32
    %shift_right_arithmetic3A_573 = vector.broadcast %shift_right_arithmetic3A_572 : i32 to vector<16xi32>
    %shift_right_arithmetic3A_574 = arith.shrsi %add3A_571, %shift_right_arithmetic3A_573 : vector<16xi32>
    %and3A_575 = arith.constant 1 : i32
    %and3A_576 = vector.broadcast %and3A_575 : i32 to vector<16xi32>
    %and3A_577 = arith.andi %add3A_571, %and3A_576 : vector<16xi32>
    %sub3A_578 = arith.constant 1 : i32
    %sub3A_579 = vector.broadcast %sub3A_578 : i32 to vector<16xi32>
    %sub3A_580 = arith.subi %sub3A_579, %and3A_577 : vector<16xi32>
    %gather3A_581 = arith.constant 0 : i32
    %gather3A_582 = arith.constant 0 : i32
    %gather3A_583 = arith.constant 0 : i32
    %gather3A_584 = tpu.memref_slice %arg9[%gather3A_581, %gather3A_582, %gather3A_583] : memref<2x128x128xf32, #tpu.memory_space<vmem>> -> memref<1x128x128xf32, #tpu.memory_space<vmem>>
    %gather3A_585 = tpu.memref_squeeze %gather3A_584 : memref<1x128x128xf32, #tpu.memory_space<vmem>> -> memref<128x128xf32, #tpu.memory_space<vmem>>
    %gather3A_586 = tpu.vector_load_idx %gather3A_585[%shift_right_arithmetic3A_574, %sub3A_580] : memref<128x128xf32, #tpu.memory_space<vmem>>[vector<16xi32>, vector<16xi32>], vector<16xf32>,
    %swap3A_587 = arith.constant 4 : i32
    %swap3A_588 = arith.index_cast %swap3A_587 : i32 to index
    %swap3A_589 = arith.constant 0 : index
    %swap3A_590 = tpu.vector_load %arg10[%swap3A_588, %swap3A_589] {strides = array<i32>} : memref<64x16xf32, #tpu.memory_space<vmem>>, vector<16xf32>,
    tpu.vector_store %arg10[%swap3A_588, %swap3A_589], %gather3A_586 {strides = array<i32>} : memref<64x16xf32, #tpu.memory_space<vmem>>, vector<16xf32>,
    %add3A_591 = arith.constant 80 : i32
    %add3A_592 = vector.broadcast %add3A_591 : i32 to vector<16xi32>
    %add3A_593 = arith.addi %add3A_592, %iota3A : vector<16xi32>
    %shift_right_arithmetic3A_594 = arith.constant 1 : i32
    %shift_right_arithmetic3A_595 = vector.broadcast %shift_right_arithmetic3A_594 : i32 to vector<16xi32>
    %shift_right_arithmetic3A_596 = arith.shrsi %add3A_593, %shift_right_arithmetic3A_595 : vector<16xi32>
    %and3A_597 = arith.constant 1 : i32
    %and3A_598 = vector.broadcast %and3A_597 : i32 to vector<16xi32>
    %and3A_599 = arith.andi %add3A_593, %and3A_598 : vector<16xi32>
    %sub3A_600 = arith.constant 1 : i32
    %sub3A_601 = vector.broadcast %sub3A_600 : i32 to vector<16xi32>
    %sub3A_602 = arith.subi %sub3A_601, %and3A_599 : vector<16xi32>
    %gather3A_603 = arith.constant 0 : i32
    %gather3A_604 = arith.constant 0 : i32
    %gather3A_605 = arith.constant 0 : i32
    %gather3A_606 = tpu.memref_slice %arg9[%gather3A_603, %gather3A_604, %gather3A_605] : memref<2x128x128xf32, #tpu.memory_space<vmem>> -> memref<1x128x128xf32, #tpu.memory_space<vmem>>
    %gather3A_607 = tpu.memref_squeeze %gather3A_606 : memref<1x128x128xf32, #tpu.memory_space<vmem>> -> memref<128x128xf32, #tpu.memory_space<vmem>>
    %gather3A_608 = tpu.vector_load_idx %gather3A_607[%shift_right_arithmetic3A_596, %sub3A_602] : memref<128x128xf32, #tpu.memory_space<vmem>>[vector<16xi32>, vector<16xi32>], vector<16xf32>,
    %swap3A_609 = arith.constant 5 : i32
    %swap3A_610 = arith.index_cast %swap3A_609 : i32 to index
    %swap3A_611 = arith.constant 0 : index
    %swap3A_612 = tpu.vector_load %arg10[%swap3A_610, %swap3A_611] {strides = array<i32>} : memref<64x16xf32, #tpu.memory_space<vmem>>, vector<16xf32>,
    tpu.vector_store %arg10[%swap3A_610, %swap3A_611], %gather3A_608 {strides = array<i32>} : memref<64x16xf32, #tpu.memory_space<vmem>>, vector<16xf32>,
    %add3A_613 = arith.constant 96 : i32
    %add3A_614 = vector.broadcast %add3A_613 : i32 to vector<16xi32>
    %add3A_615 = arith.addi %add3A_614, %iota3A : vector<16xi32>
    %shift_right_arithmetic3A_616 = arith.constant 1 : i32
    %shift_right_arithmetic3A_617 = vector.broadcast %shift_right_arithmetic3A_616 : i32 to vector<16xi32>
    %shift_right_arithmetic3A_618 = arith.shrsi %add3A_615, %shift_right_arithmetic3A_617 : vector<16xi32>
    %and3A_619 = arith.constant 1 : i32
    %and3A_620 = vector.broadcast %and3A_619 : i32 to vector<16xi32>
    %and3A_621 = arith.andi %add3A_615, %and3A_620 : vector<16xi32>
    %sub3A_622 = arith.constant 1 : i32
    %sub3A_623 = vector.broadcast %sub3A_622 : i32 to vector<16xi32>
    %sub3A_624 = arith.subi %sub3A_623, %and3A_621 : vector<16xi32>
    %gather3A_625 = arith.constant 0 : i32
    %gather3A_626 = arith.constant 0 : i32
    %gather3A_627 = arith.constant 0 : i32
    %gather3A_628 = tpu.memref_slice %arg9[%gather3A_625, %gather3A_626, %gather3A_627] : memref<2x128x128xf32, #tpu.memory_space<vmem>> -> memref<1x128x128xf32, #tpu.memory_space<vmem>>
    %gather3A_629 = tpu.memref_squeeze %gather3A_628 : memref<1x128x128xf32, #tpu.memory_space<vmem>> -> memref<128x128xf32, #tpu.memory_space<vmem>>
    %gather3A_630 = tpu.vector_load_idx %gather3A_629[%shift_right_arithmetic3A_618, %sub3A_624] : memref<128x128xf32, #tpu.memory_space<vmem>>[vector<16xi32>, vector<16xi32>], vector<16xf32>,
    %swap3A_631 = arith.constant 6 : i32
    %swap3A_632 = arith.index_cast %swap3A_631 : i32 to index
    %swap3A_633 = arith.constant 0 : index
    %swap3A_634 = tpu.vector_load %arg10[%swap3A_632, %swap3A_633] {strides = array<i32>} : memref<64x16xf32, #tpu.memory_space<vmem>>, vector<16xf32>,
    tpu.vector_store %arg10[%swap3A_632, %swap3A_633], %gather3A_630 {strides = array<i32>} : memref<64x16xf32, #tpu.memory_space<vmem>>, vector<16xf32>,
    %add3A_635 = arith.constant 112 : i32
    %add3A_636 = vector.broadcast %add3A_635 : i32 to vector<16xi32>
    %add3A_637 = arith.addi %add3A_636, %iota3A : vector<16xi32>
    %shift_right_arithmetic3A_638 = arith.constant 1 : i32
    %shift_right_arithmetic3A_639 = vector.broadcast %shift_right_arithmetic3A_638 : i32 to vector<16xi32>
    %shift_right_arithmetic3A_640 = arith.shrsi %add3A_637, %shift_right_arithmetic3A_639 : vector<16xi32>
    %and3A_641 = arith.constant 1 : i32
    %and3A_642 = vector.broadcast %and3A_641 : i32 to vector<16xi32>
    %and3A_643 = arith.andi %add3A_637, %and3A_642 : vector<16xi32>
    %sub3A_644 = arith.constant 1 : i32
    %sub3A_645 = vector.broadcast %sub3A_644 : i32 to vector<16xi32>
    %sub3A_646 = arith.subi %sub3A_645, %and3A_643 : vector<16xi32>
    %gather3A_647 = arith.constant 0 : i32
    %gather3A_648 = arith.constant 0 : i32
    %gather3A_649 = arith.constant 0 : i32
    %gather3A_650 = tpu.memref_slice %arg9[%gather3A_647, %gather3A_648, %gather3A_649] : memref<2x128x128xf32, #tpu.memory_space<vmem>> -> memref<1x128x128xf32, #tpu.memory_space<vmem>>
    %gather3A_651 = tpu.memref_squeeze %gather3A_650 : memref<1x128x128xf32, #tpu.memory_space<vmem>> -> memref<128x128xf32, #tpu.memory_space<vmem>>
    %gather3A_652 = tpu.vector_load_idx %gather3A_651[%shift_right_arithmetic3A_640, %sub3A_646] : memref<128x128xf32, #tpu.memory_space<vmem>>[vector<16xi32>, vector<16xi32>], vector<16xf32>,
    %swap3A_653 = arith.constant 7 : i32
    %swap3A_654 = arith.index_cast %swap3A_653 : i32 to index
    %swap3A_655 = arith.constant 0 : index
    %swap3A_656 = tpu.vector_load %arg10[%swap3A_654, %swap3A_655] {strides = array<i32>} : memref<64x16xf32, #tpu.memory_space<vmem>>, vector<16xf32>,
    tpu.vector_store %arg10[%swap3A_654, %swap3A_655], %gather3A_652 {strides = array<i32>} : memref<64x16xf32, #tpu.memory_space<vmem>>, vector<16xf32>,
    %add3A_657 = arith.constant 128 : i32
    %add3A_658 = vector.broadcast %add3A_657 : i32 to vector<16xi32>
    %add3A_659 = arith.addi %add3A_658, %iota3A : vector<16xi32>
    %shift_right_arithmetic3A_660 = arith.constant 1 : i32
    %shift_right_arithmetic3A_661 = vector.broadcast %shift_right_arithmetic3A_660 : i32 to vector<16xi32>
    %shift_right_arithmetic3A_662 = arith.shrsi %add3A_659, %shift_right_arithmetic3A_661 : vector<16xi32>
    %and3A_663 = arith.constant 1 : i32
    %and3A_664 = vector.broadcast %and3A_663 : i32 to vector<16xi32>
    %and3A_665 = arith.andi %add3A_659, %and3A_664 : vector<16xi32>
    %sub3A_666 = arith.constant 1 : i32
    %sub3A_667 = vector.broadcast %sub3A_666 : i32 to vector<16xi32>
    %sub3A_668 = arith.subi %sub3A_667, %and3A_665 : vector<16xi32>
    %gather3A_669 = arith.constant 0 : i32
    %gather3A_670 = arith.constant 0 : i32
    %gather3A_671 = arith.constant 0 : i32
    %gather3A_672 = tpu.memref_slice %arg9[%gather3A_669, %gather3A_670, %gather3A_671] : memref<2x128x128xf32, #tpu.memory_space<vmem>> -> memref<1x128x128xf32, #tpu.memory_space<vmem>>
    %gather3A_673 = tpu.memref_squeeze %gather3A_672 : memref<1x128x128xf32, #tpu.memory_space<vmem>> -> memref<128x128xf32, #tpu.memory_space<vmem>>
    %gather3A_674 = tpu.vector_load_idx %gather3A_673[%shift_right_arithmetic3A_662, %sub3A_668] : memref<128x128xf32, #tpu.memory_space<vmem>>[vector<16xi32>, vector<16xi32>], vector<16xf32>,
    %swap3A_675 = arith.constant 8 : i32
    %swap3A_676 = arith.index_cast %swap3A_675 : i32 to index
    %swap3A_677 = arith.constant 0 : index
    %swap3A_678 = tpu.vector_load %arg10[%swap3A_676, %swap3A_677] {strides = array<i32>} : memref<64x16xf32, #tpu.memory_space<vmem>>, vector<16xf32>,
    tpu.vector_store %arg10[%swap3A_676, %swap3A_677], %gather3A_674 {strides = array<i32>} : memref<64x16xf32, #tpu.memory_space<vmem>>, vector<16xf32>,
    %add3A_679 = arith.constant 144 : i32
    %add3A_680 = vector.broadcast %add3A_679 : i32 to vector<16xi32>
    %add3A_681 = arith.addi %add3A_680, %iota3A : vector<16xi32>
    %shift_right_arithmetic3A_682 = arith.constant 1 : i32
    %shift_right_arithmetic3A_683 = vector.broadcast %shift_right_arithmetic3A_682 : i32 to vector<16xi32>
    %shift_right_arithmetic3A_684 = arith.shrsi %add3A_681, %shift_right_arithmetic3A_683 : vector<16xi32>
    %and3A_685 = arith.constant 1 : i32
    %and3A_686 = vector.broadcast %and3A_685 : i32 to vector<16xi32>
    %and3A_687 = arith.andi %add3A_681, %and3A_686 : vector<16xi32>
    %sub3A_688 = arith.constant 1 : i32
    %sub3A_689 = vector.broadcast %sub3A_688 : i32 to vector<16xi32>
    %sub3A_690 = arith.subi %sub3A_689, %and3A_687 : vector<16xi32>
    %gather3A_691 = arith.constant 0 : i32
    %gather3A_692 = arith.constant 0 : i32
    %gather3A_693 = arith.constant 0 : i32
    %gather3A_694 = tpu.memref_slice %arg9[%gather3A_691, %gather3A_692, %gather3A_693] : memref<2x128x128xf32, #tpu.memory_space<vmem>> -> memref<1x128x128xf32, #tpu.memory_space<vmem>>
    %gather3A_695 = tpu.memref_squeeze %gather3A_694 : memref<1x128x128xf32, #tpu.memory_space<vmem>> -> memref<128x128xf32, #tpu.memory_space<vmem>>
    %gather3A_696 = tpu.vector_load_idx %gather3A_695[%shift_right_arithmetic3A_684, %sub3A_690] : memref<128x128xf32, #tpu.memory_space<vmem>>[vector<16xi32>, vector<16xi32>], vector<16xf32>,
    %swap3A_697 = arith.constant 9 : i32
    %swap3A_698 = arith.index_cast %swap3A_697 : i32 to index
    %swap3A_699 = arith.constant 0 : index
    %swap3A_700 = tpu.vector_load %arg10[%swap3A_698, %swap3A_699] {strides = array<i32>} : memref<64x16xf32, #tpu.memory_space<vmem>>, vector<16xf32>,
    tpu.vector_store %arg10[%swap3A_698, %swap3A_699], %gather3A_696 {strides = array<i32>} : memref<64x16xf32, #tpu.memory_space<vmem>>, vector<16xf32>,
    %add3A_701 = arith.constant 160 : i32
    %add3A_702 = vector.broadcast %add3A_701 : i32 to vector<16xi32>
    %add3A_703 = arith.addi %add3A_702, %iota3A : vector<16xi32>
    %shift_right_arithmetic3A_704 = arith.constant 1 : i32
    %shift_right_arithmetic3A_705 = vector.broadcast %shift_right_arithmetic3A_704 : i32 to vector<16xi32>
    %shift_right_arithmetic3A_706 = arith.shrsi %add3A_703, %shift_right_arithmetic3A_705 : vector<16xi32>
    %and3A_707 = arith.constant 1 : i32
    %and3A_708 = vector.broadcast %and3A_707 : i32 to vector<16xi32>
    %and3A_709 = arith.andi %add3A_703, %and3A_708 : vector<16xi32>
    %sub3A_710 = arith.constant 1 : i32
    %sub3A_711 = vector.broadcast %sub3A_710 : i32 to vector<16xi32>
    %sub3A_712 = arith.subi %sub3A_711, %and3A_709 : vector<16xi32>
    %gather3A_713 = arith.constant 0 : i32
    %gather3A_714 = arith.constant 0 : i32
    %gather3A_715 = arith.constant 0 : i32
    %gather3A_716 = tpu.memref_slice %arg9[%gather3A_713, %gather3A_714, %gather3A_715] : memref<2x128x128xf32, #tpu.memory_space<vmem>> -> memref<1x128x128xf32, #tpu.memory_space<vmem>>
    %gather3A_717 = tpu.memref_squeeze %gather3A_716 : memref<1x128x128xf32, #tpu.memory_space<vmem>> -> memref<128x128xf32, #tpu.memory_space<vmem>>
    %gather3A_718 = tpu.vector_load_idx %gather3A_717[%shift_right_arithmetic3A_706, %sub3A_712] : memref<128x128xf32, #tpu.memory_space<vmem>>[vector<16xi32>, vector<16xi32>], vector<16xf32>,
    %swap3A_719 = arith.constant 10 : i32
    %swap3A_720 = arith.index_cast %swap3A_719 : i32 to index
    %swap3A_721 = arith.constant 0 : index
    %swap3A_722 = tpu.vector_load %arg10[%swap3A_720, %swap3A_721] {strides = array<i32>} : memref<64x16xf32, #tpu.memory_space<vmem>>, vector<16xf32>,
    tpu.vector_store %arg10[%swap3A_720, %swap3A_721], %gather3A_718 {strides = array<i32>} : memref<64x16xf32, #tpu.memory_space<vmem>>, vector<16xf32>,
    %add3A_723 = arith.constant 176 : i32
    %add3A_724 = vector.broadcast %add3A_723 : i32 to vector<16xi32>
    %add3A_725 = arith.addi %add3A_724, %iota3A : vector<16xi32>
    %shift_right_arithmetic3A_726 = arith.constant 1 : i32
    %shift_right_arithmetic3A_727 = vector.broadcast %shift_right_arithmetic3A_726 : i32 to vector<16xi32>
    %shift_right_arithmetic3A_728 = arith.shrsi %add3A_725, %shift_right_arithmetic3A_727 : vector<16xi32>
    %and3A_729 = arith.constant 1 : i32
    %and3A_730 = vector.broadcast %and3A_729 : i32 to vector<16xi32>
    %and3A_731 = arith.andi %add3A_725, %and3A_730 : vector<16xi32>
    %sub3A_732 = arith.constant 1 : i32
    %sub3A_733 = vector.broadcast %sub3A_732 : i32 to vector<16xi32>
    %sub3A_734 = arith.subi %sub3A_733, %and3A_731 : vector<16xi32>
    %gather3A_735 = arith.constant 0 : i32
    %gather3A_736 = arith.constant 0 : i32
    %gather3A_737 = arith.constant 0 : i32
    %gather3A_738 = tpu.memref_slice %arg9[%gather3A_735, %gather3A_736, %gather3A_737] : memref<2x128x128xf32, #tpu.memory_space<vmem>> -> memref<1x128x128xf32, #tpu.memory_space<vmem>>
    %gather3A_739 = tpu.memref_squeeze %gather3A_738 : memref<1x128x128xf32, #tpu.memory_space<vmem>> -> memref<128x128xf32, #tpu.memory_space<vmem>>
    %gather3A_740 = tpu.vector_load_idx %gather3A_739[%shift_right_arithmetic3A_728, %sub3A_734] : memref<128x128xf32, #tpu.memory_space<vmem>>[vector<16xi32>, vector<16xi32>], vector<16xf32>,
    %swap3A_741 = arith.constant 11 : i32
    %swap3A_742 = arith.index_cast %swap3A_741 : i32 to index
    %swap3A_743 = arith.constant 0 : index
    %swap3A_744 = tpu.vector_load %arg10[%swap3A_742, %swap3A_743] {strides = array<i32>} : memref<64x16xf32, #tpu.memory_space<vmem>>, vector<16xf32>,
    tpu.vector_store %arg10[%swap3A_742, %swap3A_743], %gather3A_740 {strides = array<i32>} : memref<64x16xf32, #tpu.memory_space<vmem>>, vector<16xf32>,
    %add3A_745 = arith.constant 192 : i32
    %add3A_746 = vector.broadcast %add3A_745 : i32 to vector<16xi32>
    %add3A_747 = arith.addi %add3A_746, %iota3A : vector<16xi32>
    %shift_right_arithmetic3A_748 = arith.constant 1 : i32
    %shift_right_arithmetic3A_749 = vector.broadcast %shift_right_arithmetic3A_748 : i32 to vector<16xi32>
    %shift_right_arithmetic3A_750 = arith.shrsi %add3A_747, %shift_right_arithmetic3A_749 : vector<16xi32>
    %and3A_751 = arith.constant 1 : i32
    %and3A_752 = vector.broadcast %and3A_751 : i32 to vector<16xi32>
    %and3A_753 = arith.andi %add3A_747, %and3A_752 : vector<16xi32>
    %sub3A_754 = arith.constant 1 : i32
    %sub3A_755 = vector.broadcast %sub3A_754 : i32 to vector<16xi32>
    %sub3A_756 = arith.subi %sub3A_755, %and3A_753 : vector<16xi32>
    %gather3A_757 = arith.constant 0 : i32
    %gather3A_758 = arith.constant 0 : i32
    %gather3A_759 = arith.constant 0 : i32
    %gather3A_760 = tpu.memref_slice %arg9[%gather3A_757, %gather3A_758, %gather3A_759] : memref<2x128x128xf32, #tpu.memory_space<vmem>> -> memref<1x128x128xf32, #tpu.memory_space<vmem>>
    %gather3A_761 = tpu.memref_squeeze %gather3A_760 : memref<1x128x128xf32, #tpu.memory_space<vmem>> -> memref<128x128xf32, #tpu.memory_space<vmem>>
    %gather3A_762 = tpu.vector_load_idx %gather3A_761[%shift_right_arithmetic3A_750, %sub3A_756] : memref<128x128xf32, #tpu.memory_space<vmem>>[vector<16xi32>, vector<16xi32>], vector<16xf32>,
    %swap3A_763 = arith.constant 12 : i32
    %swap3A_764 = arith.index_cast %swap3A_763 : i32 to index
    %swap3A_765 = arith.constant 0 : index
    %swap3A_766 = tpu.vector_load %arg10[%swap3A_764, %swap3A_765] {strides = array<i32>} : memref<64x16xf32, #tpu.memory_space<vmem>>, vector<16xf32>,
    tpu.vector_store %arg10[%swap3A_764, %swap3A_765], %gather3A_762 {strides = array<i32>} : memref<64x16xf32, #tpu.memory_space<vmem>>, vector<16xf32>,
    %add3A_767 = arith.constant 208 : i32
    %add3A_768 = vector.broadcast %add3A_767 : i32 to vector<16xi32>
    %add3A_769 = arith.addi %add3A_768, %iota3A : vector<16xi32>
    %shift_right_arithmetic3A_770 = arith.constant 1 : i32
    %shift_right_arithmetic3A_771 = vector.broadcast %shift_right_arithmetic3A_770 : i32 to vector<16xi32>
    %shift_right_arithmetic3A_772 = arith.shrsi %add3A_769, %shift_right_arithmetic3A_771 : vector<16xi32>
    %and3A_773 = arith.constant 1 : i32
    %and3A_774 = vector.broadcast %and3A_773 : i32 to vector<16xi32>
    %and3A_775 = arith.andi %add3A_769, %and3A_774 : vector<16xi32>
    %sub3A_776 = arith.constant 1 : i32
    %sub3A_777 = vector.broadcast %sub3A_776 : i32 to vector<16xi32>
    %sub3A_778 = arith.subi %sub3A_777, %and3A_775 : vector<16xi32>
    %gather3A_779 = arith.constant 0 : i32
    %gather3A_780 = arith.constant 0 : i32
    %gather3A_781 = arith.constant 0 : i32
    %gather3A_782 = tpu.memref_slice %arg9[%gather3A_779, %gather3A_780, %gather3A_781] : memref<2x128x128xf32, #tpu.memory_space<vmem>> -> memref<1x128x128xf32, #tpu.memory_space<vmem>>
    %gather3A_783 = tpu.memref_squeeze %gather3A_782 : memref<1x128x128xf32, #tpu.memory_space<vmem>> -> memref<128x128xf32, #tpu.memory_space<vmem>>
    %gather3A_784 = tpu.vector_load_idx %gather3A_783[%shift_right_arithmetic3A_772, %sub3A_778] : memref<128x128xf32, #tpu.memory_space<vmem>>[vector<16xi32>, vector<16xi32>], vector<16xf32>,
    %swap3A_785 = arith.constant 13 : i32
    %swap3A_786 = arith.index_cast %swap3A_785 : i32 to index
    %swap3A_787 = arith.constant 0 : index
    %swap3A_788 = tpu.vector_load %arg10[%swap3A_786, %swap3A_787] {strides = array<i32>} : memref<64x16xf32, #tpu.memory_space<vmem>>, vector<16xf32>,
    tpu.vector_store %arg10[%swap3A_786, %swap3A_787], %gather3A_784 {strides = array<i32>} : memref<64x16xf32, #tpu.memory_space<vmem>>, vector<16xf32>,
    %add3A_789 = arith.constant 224 : i32
    %add3A_790 = vector.broadcast %add3A_789 : i32 to vector<16xi32>
    %add3A_791 = arith.addi %add3A_790, %iota3A : vector<16xi32>
    %shift_right_arithmetic3A_792 = arith.constant 1 : i32
    %shift_right_arithmetic3A_793 = vector.broadcast %shift_right_arithmetic3A_792 : i32 to vector<16xi32>
    %shift_right_arithmetic3A_794 = arith.shrsi %add3A_791, %shift_right_arithmetic3A_793 : vector<16xi32>
    %and3A_795 = arith.constant 1 : i32
    %and3A_796 = vector.broadcast %and3A_795 : i32 to vector<16xi32>
    %and3A_797 = arith.andi %add3A_791, %and3A_796 : vector<16xi32>
    %sub3A_798 = arith.constant 1 : i32
    %sub3A_799 = vector.broadcast %sub3A_798 : i32 to vector<16xi32>
    %sub3A_800 = arith.subi %sub3A_799, %and3A_797 : vector<16xi32>
    %gather3A_801 = arith.constant 0 : i32
    %gather3A_802 = arith.constant 0 : i32
    %gather3A_803 = arith.constant 0 : i32
    %gather3A_804 = tpu.memref_slice %arg9[%gather3A_801, %gather3A_802, %gather3A_803] : memref<2x128x128xf32, #tpu.memory_space<vmem>> -> memref<1x128x128xf32, #tpu.memory_space<vmem>>
    %gather3A_805 = tpu.memref_squeeze %gather3A_804 : memref<1x128x128xf32, #tpu.memory_space<vmem>> -> memref<128x128xf32, #tpu.memory_space<vmem>>
    %gather3A_806 = tpu.vector_load_idx %gather3A_805[%shift_right_arithmetic3A_794, %sub3A_800] : memref<128x128xf32, #tpu.memory_space<vmem>>[vector<16xi32>, vector<16xi32>], vector<16xf32>,
    %swap3A_807 = arith.constant 14 : i32
    %swap3A_808 = arith.index_cast %swap3A_807 : i32 to index
    %swap3A_809 = arith.constant 0 : index
    %swap3A_810 = tpu.vector_load %arg10[%swap3A_808, %swap3A_809] {strides = array<i32>} : memref<64x16xf32, #tpu.memory_space<vmem>>, vector<16xf32>,
    tpu.vector_store %arg10[%swap3A_808, %swap3A_809], %gather3A_806 {strides = array<i32>} : memref<64x16xf32, #tpu.memory_space<vmem>>, vector<16xf32>,
    %add3A_811 = arith.constant 240 : i32
    %add3A_812 = vector.broadcast %add3A_811 : i32 to vector<16xi32>
    %add3A_813 = arith.addi %add3A_812, %iota3A : vector<16xi32>
    %shift_right_arithmetic3A_814 = arith.constant 1 : i32
    %shift_right_arithmetic3A_815 = vector.broadcast %shift_right_arithmetic3A_814 : i32 to vector<16xi32>
    %shift_right_arithmetic3A_816 = arith.shrsi %add3A_813, %shift_right_arithmetic3A_815 : vector<16xi32>
    %and3A_817 = arith.constant 1 : i32
    %and3A_818 = vector.broadcast %and3A_817 : i32 to vector<16xi32>
    %and3A_819 = arith.andi %add3A_813, %and3A_818 : vector<16xi32>
    %sub3A_820 = arith.constant 1 : i32
    %sub3A_821 = vector.broadcast %sub3A_820 : i32 to vector<16xi32>
    %sub3A_822 = arith.subi %sub3A_821, %and3A_819 : vector<16xi32>
    %gather3A_823 = arith.constant 0 : i32
    %gather3A_824 = arith.constant 0 : i32
    %gather3A_825 = arith.constant 0 : i32
    %gather3A_826 = tpu.memref_slice %arg9[%gather3A_823, %gather3A_824, %gather3A_825] : memref<2x128x128xf32, #tpu.memory_space<vmem>> -> memref<1x128x128xf32, #tpu.memory_space<vmem>>
    %gather3A_827 = tpu.memref_squeeze %gather3A_826 : memref<1x128x128xf32, #tpu.memory_space<vmem>> -> memref<128x128xf32, #tpu.memory_space<vmem>>
    %gather3A_828 = tpu.vector_load_idx %gather3A_827[%shift_right_arithmetic3A_816, %sub3A_822] : memref<128x128xf32, #tpu.memory_space<vmem>>[vector<16xi32>, vector<16xi32>], vector<16xf32>,
    %swap3A_829 = arith.constant 15 : i32
    %swap3A_830 = arith.index_cast %swap3A_829 : i32 to index
    %swap3A_831 = arith.constant 0 : index
    %swap3A_832 = tpu.vector_load %arg10[%swap3A_830, %swap3A_831] {strides = array<i32>} : memref<64x16xf32, #tpu.memory_space<vmem>>, vector<16xf32>,
    tpu.vector_store %arg10[%swap3A_830, %swap3A_831], %gather3A_828 {strides = array<i32>} : memref<64x16xf32, #tpu.memory_space<vmem>>, vector<16xf32>,
    %add3A_833 = arith.constant 256 : i32
    %add3A_834 = arith.addi %mul3A_2, %add3A_833 : i32
    %dma_start3A_835 = arith.constant 0 : i32
    %dma_start3A_836 = arith.constant 0 : i32
    %dma_start3A_837 = arith.constant 0 : i32
    %dma_start3A_838 = arith.constant 0 : i32
    %dma_start3A_839 = tpu.memref_slice %arg9[%dma_start3A_835, %dma_start3A_837, %dma_start3A_838] : memref<2x128x128xf32, #tpu.memory_space<vmem>> -> memref<1x128x128xf32, #tpu.memory_space<vmem>>
    %dma_start3A_840 = tpu.memref_squeeze %dma_start3A_839 : memref<1x128x128xf32, #tpu.memory_space<vmem>> -> memref<128x128xf32, #tpu.memory_space<vmem>>
    %dma_start3A_841 = arith.constant 0 : i32
    %dma_start3A_842 = tpu.memref_slice %arg3[%add3A_834, %dma_start3A_841] : memref<16384x2048xf32, #tpu.memory_space<hbm>> -> memref<128x128xf32, #tpu.memory_space<hbm>>
    %dma_start3A_843 = tpu.memref_slice %arg12[%dma_start3A_836] : memref<2x!tpu.dma_semaphore, #tpu.memory_space<semaphore_mem>> -> memref<1x!tpu.dma_semaphore, #tpu.memory_space<semaphore_mem>>
    %dma_start3A_844 = tpu.memref_squeeze %dma_start3A_843 : memref<1x!tpu.dma_semaphore, #tpu.memory_space<semaphore_mem>> -> memref<!tpu.dma_semaphore, #tpu.memory_space<semaphore_mem>>
    %dma_start3A_845 = arith.constant 0 : i32
    %dma_start3A_846 = arith.constant 0 : i32
    %dma_start3A_847 = tpu.memref_slice %arg9[%dma_start3A_835, %dma_start3A_845, %dma_start3A_846] : memref<2x128x128xf32, #tpu.memory_space<vmem>> -> memref<1x128x128xf32, #tpu.memory_space<vmem>>
    %dma_start3A_848 = tpu.memref_squeeze %dma_start3A_847 : memref<1x128x128xf32, #tpu.memory_space<vmem>> -> memref<128x128xf32, #tpu.memory_space<vmem>>
    %dma_start3A_849 = arith.constant 0 : i32
    %dma_start3A_850 = tpu.memref_slice %arg3[%add3A_834, %dma_start3A_849] : memref<16384x2048xf32, #tpu.memory_space<hbm>> -> memref<128x128xf32, #tpu.memory_space<hbm>>
    tpu.enqueue_dma source(%dma_start3A_850 : memref<128x128xf32, #tpu.memory_space<hbm>>) target(%dma_start3A_848 : memref<128x128xf32, #tpu.memory_space<vmem>>) target_semaphore(%dma_start3A_844 : memref<!tpu.dma_semaphore, #tpu.memory_space<semaphore_mem>>)
    %dma_wait3A_851 = arith.constant 1 : i32
    %dma_wait3A_852 = arith.constant 1 : i32
    %dma_wait3A_853 = arith.constant 0 : i32
    %dma_wait3A_854 = arith.constant 0 : i32
    %dma_wait3A_855 = tpu.memref_slice %arg9[%dma_wait3A_851, %dma_wait3A_853, %dma_wait3A_854] : memref<2x128x128xf32, #tpu.memory_space<vmem>> -> memref<1x128x128xf32, #tpu.memory_space<vmem>>
    %dma_wait3A_856 = tpu.memref_squeeze %dma_wait3A_855 : memref<1x128x128xf32, #tpu.memory_space<vmem>> -> memref<128x128xf32, #tpu.memory_space<vmem>>
    %dma_wait3A_857 = arith.constant 0 : i32
    %dma_wait3A_858 = tpu.memref_slice %arg3[%add3A_21, %dma_wait3A_857] : memref<16384x2048xf32, #tpu.memory_space<hbm>> -> memref<128x128xf32, #tpu.memory_space<hbm>>
    %dma_wait3A_859 = tpu.memref_slice %arg12[%dma_wait3A_852] : memref<2x!tpu.dma_semaphore, #tpu.memory_space<semaphore_mem>> -> memref<1x!tpu.dma_semaphore, #tpu.memory_space<semaphore_mem>>
    %dma_wait3A_860 = tpu.memref_squeeze %dma_wait3A_859 : memref<1x!tpu.dma_semaphore, #tpu.memory_space<semaphore_mem>> -> memref<!tpu.dma_semaphore, #tpu.memory_space<semaphore_mem>>
    %dma_wait3A_861 = arith.constant 0 : i32
    %dma_wait3A_862 = arith.constant 0 : i32
    %dma_wait3A_863 = tpu.memref_slice %arg9[%dma_wait3A_851, %dma_wait3A_861, %dma_wait3A_862] : memref<2x128x128xf32, #tpu.memory_space<vmem>> -> memref<1x128x128xf32, #tpu.memory_space<vmem>>
    %dma_wait3A_864 = tpu.memref_squeeze %dma_wait3A_863 : memref<1x128x128xf32, #tpu.memory_space<vmem>> -> memref<128x128xf32, #tpu.memory_space<vmem>>
    %dma_wait3A_865 = arith.constant 0 : i32
    %dma_wait3A_866 = tpu.memref_slice %arg3[%add3A_21, %dma_wait3A_865] : memref<16384x2048xf32, #tpu.memory_space<hbm>> -> memref<128x128xf32, #tpu.memory_space<hbm>>
    tpu.wait_dma2 semaphore(%dma_wait3A_860 : memref<!tpu.dma_semaphore, #tpu.memory_space<semaphore_mem>>) src(%dma_wait3A_866 : memref<128x128xf32, #tpu.memory_space<hbm>>) dst(%dma_wait3A_864 : memref<128x128xf32, #tpu.memory_space<vmem>>)
    %add3A_867 = arith.constant 0 : i32
    %add3A_868 = vector.broadcast %add3A_867 : i32 to vector<16xi32>
    %add3A_869 = arith.addi %add3A_868, %iota3A : vector<16xi32>
    %shift_right_arithmetic3A_870 = arith.constant 1 : i32
    %shift_right_arithmetic3A_871 = vector.broadcast %shift_right_arithmetic3A_870 : i32 to vector<16xi32>
    %shift_right_arithmetic3A_872 = arith.shrsi %add3A_869, %shift_right_arithmetic3A_871 : vector<16xi32>
    %and3A_873 = arith.constant 1 : i32
    %and3A_874 = vector.broadcast %and3A_873 : i32 to vector<16xi32>
    %and3A_875 = arith.andi %add3A_869, %and3A_874 : vector<16xi32>
    %sub3A_876 = arith.constant 1 : i32
    %sub3A_877 = vector.broadcast %sub3A_876 : i32 to vector<16xi32>
    %sub3A_878 = arith.subi %sub3A_877, %and3A_875 : vector<16xi32>
    %gather3A_879 = arith.constant 1 : i32
    %gather3A_880 = arith.constant 0 : i32
    %gather3A_881 = arith.constant 0 : i32
    %gather3A_882 = tpu.memref_slice %arg9[%gather3A_879, %gather3A_880, %gather3A_881] : memref<2x128x128xf32, #tpu.memory_space<vmem>> -> memref<1x128x128xf32, #tpu.memory_space<vmem>>
    %gather3A_883 = tpu.memref_squeeze %gather3A_882 : memref<1x128x128xf32, #tpu.memory_space<vmem>> -> memref<128x128xf32, #tpu.memory_space<vmem>>
    %gather3A_884 = tpu.vector_load_idx %gather3A_883[%shift_right_arithmetic3A_872, %sub3A_878] : memref<128x128xf32, #tpu.memory_space<vmem>>[vector<16xi32>, vector<16xi32>], vector<16xf32>,
    %swap3A_885 = arith.constant 16 : i32
    %swap3A_886 = arith.index_cast %swap3A_885 : i32 to index
    %swap3A_887 = arith.constant 0 : index
    %swap3A_888 = tpu.vector_load %arg10[%swap3A_886, %swap3A_887] {strides = array<i32>} : memref<64x16xf32, #tpu.memory_space<vmem>>, vector<16xf32>,
    tpu.vector_store %arg10[%swap3A_886, %swap3A_887], %gather3A_884 {strides = array<i32>} : memref<64x16xf32, #tpu.memory_space<vmem>>, vector<16xf32>,
    %add3A_889 = arith.constant 16 : i32
    %add3A_890 = vector.broadcast %add3A_889 : i32 to vector<16xi32>
    %add3A_891 = arith.addi %add3A_890, %iota3A : vector<16xi32>
    %shift_right_arithmetic3A_892 = arith.constant 1 : i32
    %shift_right_arithmetic3A_893 = vector.broadcast %shift_right_arithmetic3A_892 : i32 to vector<16xi32>
    %shift_right_arithmetic3A_894 = arith.shrsi %add3A_891, %shift_right_arithmetic3A_893 : vector<16xi32>
    %and3A_895 = arith.constant 1 : i32
    %and3A_896 = vector.broadcast %and3A_895 : i32 to vector<16xi32>
    %and3A_897 = arith.andi %add3A_891, %and3A_896 : vector<16xi32>
    %sub3A_898 = arith.constant 1 : i32
    %sub3A_899 = vector.broadcast %sub3A_898 : i32 to vector<16xi32>
    %sub3A_900 = arith.subi %sub3A_899, %and3A_897 : vector<16xi32>
    %gather3A_901 = arith.constant 1 : i32
    %gather3A_902 = arith.constant 0 : i32
    %gather3A_903 = arith.constant 0 : i32
    %gather3A_904 = tpu.memref_slice %arg9[%gather3A_901, %gather3A_902, %gather3A_903] : memref<2x128x128xf32, #tpu.memory_space<vmem>> -> memref<1x128x128xf32, #tpu.memory_space<vmem>>
    %gather3A_905 = tpu.memref_squeeze %gather3A_904 : memref<1x128x128xf32, #tpu.memory_space<vmem>> -> memref<128x128xf32, #tpu.memory_space<vmem>>
    %gather3A_906 = tpu.vector_load_idx %gather3A_905[%shift_right_arithmetic3A_894, %sub3A_900] : memref<128x128xf32, #tpu.memory_space<vmem>>[vector<16xi32>, vector<16xi32>], vector<16xf32>,
    %swap3A_907 = arith.constant 17 : i32
    %swap3A_908 = arith.index_cast %swap3A_907 : i32 to index
    %swap3A_909 = arith.constant 0 : index
    %swap3A_910 = tpu.vector_load %arg10[%swap3A_908, %swap3A_909] {strides = array<i32>} : memref<64x16xf32, #tpu.memory_space<vmem>>, vector<16xf32>,
    tpu.vector_store %arg10[%swap3A_908, %swap3A_909], %gather3A_906 {strides = array<i32>} : memref<64x16xf32, #tpu.memory_space<vmem>>, vector<16xf32>,
    %add3A_911 = arith.constant 32 : i32
    %add3A_912 = vector.broadcast %add3A_911 : i32 to vector<16xi32>
    %add3A_913 = arith.addi %add3A_912, %iota3A : vector<16xi32>
    %shift_right_arithmetic3A_914 = arith.constant 1 : i32
    %shift_right_arithmetic3A_915 = vector.broadcast %shift_right_arithmetic3A_914 : i32 to vector<16xi32>
    %shift_right_arithmetic3A_916 = arith.shrsi %add3A_913, %shift_right_arithmetic3A_915 : vector<16xi32>
    %and3A_917 = arith.constant 1 : i32
    %and3A_918 = vector.broadcast %and3A_917 : i32 to vector<16xi32>
    %and3A_919 = arith.andi %add3A_913, %and3A_918 : vector<16xi32>
    %sub3A_920 = arith.constant 1 : i32
    %sub3A_921 = vector.broadcast %sub3A_920 : i32 to vector<16xi32>
    %sub3A_922 = arith.subi %sub3A_921, %and3A_919 : vector<16xi32>
    %gather3A_923 = arith.constant 1 : i32
    %gather3A_924 = arith.constant 0 : i32
    %gather3A_925 = arith.constant 0 : i32
    %gather3A_926 = tpu.memref_slice %arg9[%gather3A_923, %gather3A_924, %gather3A_925] : memref<2x128x128xf32, #tpu.memory_space<vmem>> -> memref<1x128x128xf32, #tpu.memory_space<vmem>>
    %gather3A_927 = tpu.memref_squeeze %gather3A_926 : memref<1x128x128xf32, #tpu.memory_space<vmem>> -> memref<128x128xf32, #tpu.memory_space<vmem>>
    %gather3A_928 = tpu.vector_load_idx %gather3A_927[%shift_right_arithmetic3A_916, %sub3A_922] : memref<128x128xf32, #tpu.memory_space<vmem>>[vector<16xi32>, vector<16xi32>], vector<16xf32>,
    %swap3A_929 = arith.constant 18 : i32
    %swap3A_930 = arith.index_cast %swap3A_929 : i32 to index
    %swap3A_931 = arith.constant 0 : index
    %swap3A_932 = tpu.vector_load %arg10[%swap3A_930, %swap3A_931] {strides = array<i32>} : memref<64x16xf32, #tpu.memory_space<vmem>>, vector<16xf32>,
    tpu.vector_store %arg10[%swap3A_930, %swap3A_931], %gather3A_928 {strides = array<i32>} : memref<64x16xf32, #tpu.memory_space<vmem>>, vector<16xf32>,
    %add3A_933 = arith.constant 48 : i32
    %add3A_934 = vector.broadcast %add3A_933 : i32 to vector<16xi32>
    %add3A_935 = arith.addi %add3A_934, %iota3A : vector<16xi32>
    %shift_right_arithmetic3A_936 = arith.constant 1 : i32
    %shift_right_arithmetic3A_937 = vector.broadcast %shift_right_arithmetic3A_936 : i32 to vector<16xi32>
    %shift_right_arithmetic3A_938 = arith.shrsi %add3A_935, %shift_right_arithmetic3A_937 : vector<16xi32>
    %and3A_939 = arith.constant 1 : i32
    %and3A_940 = vector.broadcast %and3A_939 : i32 to vector<16xi32>
    %and3A_941 = arith.andi %add3A_935, %and3A_940 : vector<16xi32>
    %sub3A_942 = arith.constant 1 : i32
    %sub3A_943 = vector.broadcast %sub3A_942 : i32 to vector<16xi32>
    %sub3A_944 = arith.subi %sub3A_943, %and3A_941 : vector<16xi32>
    %gather3A_945 = arith.constant 1 : i32
    %gather3A_946 = arith.constant 0 : i32
    %gather3A_947 = arith.constant 0 : i32
    %gather3A_948 = tpu.memref_slice %arg9[%gather3A_945, %gather3A_946, %gather3A_947] : memref<2x128x128xf32, #tpu.memory_space<vmem>> -> memref<1x128x128xf32, #tpu.memory_space<vmem>>
    %gather3A_949 = tpu.memref_squeeze %gather3A_948 : memref<1x128x128xf32, #tpu.memory_space<vmem>> -> memref<128x128xf32, #tpu.memory_space<vmem>>
    %gather3A_950 = tpu.vector_load_idx %gather3A_949[%shift_right_arithmetic3A_938, %sub3A_944] : memref<128x128xf32, #tpu.memory_space<vmem>>[vector<16xi32>, vector<16xi32>], vector<16xf32>,
    %swap3A_951 = arith.constant 19 : i32
    %swap3A_952 = arith.index_cast %swap3A_951 : i32 to index
    %swap3A_953 = arith.constant 0 : index
    %swap3A_954 = tpu.vector_load %arg10[%swap3A_952, %swap3A_953] {strides = array<i32>} : memref<64x16xf32, #tpu.memory_space<vmem>>, vector<16xf32>,
    tpu.vector_store %arg10[%swap3A_952, %swap3A_953], %gather3A_950 {strides = array<i32>} : memref<64x16xf32, #tpu.memory_space<vmem>>, vector<16xf32>,
    %add3A_955 = arith.constant 64 : i32
    %add3A_956 = vector.broadcast %add3A_955 : i32 to vector<16xi32>
    %add3A_957 = arith.addi %add3A_956, %iota3A : vector<16xi32>
    %shift_right_arithmetic3A_958 = arith.constant 1 : i32
    %shift_right_arithmetic3A_959 = vector.broadcast %shift_right_arithmetic3A_958 : i32 to vector<16xi32>
    %shift_right_arithmetic3A_960 = arith.shrsi %add3A_957, %shift_right_arithmetic3A_959 : vector<16xi32>
    %and3A_961 = arith.constant 1 : i32
    %and3A_962 = vector.broadcast %and3A_961 : i32 to vector<16xi32>
    %and3A_963 = arith.andi %add3A_957, %and3A_962 : vector<16xi32>
    %sub3A_964 = arith.constant 1 : i32
    %sub3A_965 = vector.broadcast %sub3A_964 : i32 to vector<16xi32>
    %sub3A_966 = arith.subi %sub3A_965, %and3A_963 : vector<16xi32>
    %gather3A_967 = arith.constant 1 : i32
    %gather3A_968 = arith.constant 0 : i32
    %gather3A_969 = arith.constant 0 : i32
    %gather3A_970 = tpu.memref_slice %arg9[%gather3A_967, %gather3A_968, %gather3A_969] : memref<2x128x128xf32, #tpu.memory_space<vmem>> -> memref<1x128x128xf32, #tpu.memory_space<vmem>>
    %gather3A_971 = tpu.memref_squeeze %gather3A_970 : memref<1x128x128xf32, #tpu.memory_space<vmem>> -> memref<128x128xf32, #tpu.memory_space<vmem>>
    %gather3A_972 = tpu.vector_load_idx %gather3A_971[%shift_right_arithmetic3A_960, %sub3A_966] : memref<128x128xf32, #tpu.memory_space<vmem>>[vector<16xi32>, vector<16xi32>], vector<16xf32>,
    %swap3A_973 = arith.constant 20 : i32
    %swap3A_974 = arith.index_cast %swap3A_973 : i32 to index
    %swap3A_975 = arith.constant 0 : index
    %swap3A_976 = tpu.vector_load %arg10[%swap3A_974, %swap3A_975] {strides = array<i32>} : memref<64x16xf32, #tpu.memory_space<vmem>>, vector<16xf32>,
    tpu.vector_store %arg10[%swap3A_974, %swap3A_975], %gather3A_972 {strides = array<i32>} : memref<64x16xf32, #tpu.memory_space<vmem>>, vector<16xf32>,
    %add3A_977 = arith.constant 80 : i32
    %add3A_978 = vector.broadcast %add3A_977 : i32 to vector<16xi32>
    %add3A_979 = arith.addi %add3A_978, %iota3A : vector<16xi32>
    %shift_right_arithmetic3A_980 = arith.constant 1 : i32
    %shift_right_arithmetic3A_981 = vector.broadcast %shift_right_arithmetic3A_980 : i32 to vector<16xi32>
    %shift_right_arithmetic3A_982 = arith.shrsi %add3A_979, %shift_right_arithmetic3A_981 : vector<16xi32>
    %and3A_983 = arith.constant 1 : i32
    %and3A_984 = vector.broadcast %and3A_983 : i32 to vector<16xi32>
    %and3A_985 = arith.andi %add3A_979, %and3A_984 : vector<16xi32>
    %sub3A_986 = arith.constant 1 : i32
    %sub3A_987 = vector.broadcast %sub3A_986 : i32 to vector<16xi32>
    %sub3A_988 = arith.subi %sub3A_987, %and3A_985 : vector<16xi32>
    %gather3A_989 = arith.constant 1 : i32
    %gather3A_990 = arith.constant 0 : i32
    %gather3A_991 = arith.constant 0 : i32
    %gather3A_992 = tpu.memref_slice %arg9[%gather3A_989, %gather3A_990, %gather3A_991] : memref<2x128x128xf32, #tpu.memory_space<vmem>> -> memref<1x128x128xf32, #tpu.memory_space<vmem>>
    %gather3A_993 = tpu.memref_squeeze %gather3A_992 : memref<1x128x128xf32, #tpu.memory_space<vmem>> -> memref<128x128xf32, #tpu.memory_space<vmem>>
    %gather3A_994 = tpu.vector_load_idx %gather3A_993[%shift_right_arithmetic3A_982, %sub3A_988] : memref<128x128xf32, #tpu.memory_space<vmem>>[vector<16xi32>, vector<16xi32>], vector<16xf32>,
    %swap3A_995 = arith.constant 21 : i32
    %swap3A_996 = arith.index_cast %swap3A_995 : i32 to index
    %swap3A_997 = arith.constant 0 : index
    %swap3A_998 = tpu.vector_load %arg10[%swap3A_996, %swap3A_997] {strides = array<i32>} : memref<64x16xf32, #tpu.memory_space<vmem>>, vector<16xf32>,
    tpu.vector_store %arg10[%swap3A_996, %swap3A_997], %gather3A_994 {strides = array<i32>} : memref<64x16xf32, #tpu.memory_space<vmem>>, vector<16xf32>,
    %add3A_999 = arith.constant 96 : i32
    %add3A_1000 = vector.broadcast %add3A_999 : i32 to vector<16xi32>
    %add3A_1001 = arith.addi %add3A_1000, %iota3A : vector<16xi32>
    %shift_right_arithmetic3A_1002 = arith.constant 1 : i32
    %shift_right_arithmetic3A_1003 = vector.broadcast %shift_right_arithmetic3A_1002 : i32 to vector<16xi32>
    %shift_right_arithmetic3A_1004 = arith.shrsi %add3A_1001, %shift_right_arithmetic3A_1003 : vector<16xi32>
    %and3A_1005 = arith.constant 1 : i32
    %and3A_1006 = vector.broadcast %and3A_1005 : i32 to vector<16xi32>
    %and3A_1007 = arith.andi %add3A_1001, %and3A_1006 : vector<16xi32>
    %sub3A_1008 = arith.constant 1 : i32
    %sub3A_1009 = vector.broadcast %sub3A_1008 : i32 to vector<16xi32>
    %sub3A_1010 = arith.subi %sub3A_1009, %and3A_1007 : vector<16xi32>
    %gather3A_1011 = arith.constant 1 : i32
    %gather3A_1012 = arith.constant 0 : i32
    %gather3A_1013 = arith.constant 0 : i32
    %gather3A_1014 = tpu.memref_slice %arg9[%gather3A_1011, %gather3A_1012, %gather3A_1013] : memref<2x128x128xf32, #tpu.memory_space<vmem>> -> memref<1x128x128xf32, #tpu.memory_space<vmem>>
    %gather3A_1015 = tpu.memref_squeeze %gather3A_1014 : memref<1x128x128xf32, #tpu.memory_space<vmem>> -> memref<128x128xf32, #tpu.memory_space<vmem>>
    %gather3A_1016 = tpu.vector_load_idx %gather3A_1015[%shift_right_arithmetic3A_1004, %sub3A_1010] : memref<128x128xf32, #tpu.memory_space<vmem>>[vector<16xi32>, vector<16xi32>], vector<16xf32>,
    %swap3A_1017 = arith.constant 22 : i32
    %swap3A_1018 = arith.index_cast %swap3A_1017 : i32 to index
    %swap3A_1019 = arith.constant 0 : index
    %swap3A_1020 = tpu.vector_load %arg10[%swap3A_1018, %swap3A_1019] {strides = array<i32>} : memref<64x16xf32, #tpu.memory_space<vmem>>, vector<16xf32>,
    tpu.vector_store %arg10[%swap3A_1018, %swap3A_1019], %gather3A_1016 {strides = array<i32>} : memref<64x16xf32, #tpu.memory_space<vmem>>, vector<16xf32>,
    %add3A_1021 = arith.constant 112 : i32
    %add3A_1022 = vector.broadcast %add3A_1021 : i32 to vector<16xi32>
    %add3A_1023 = arith.addi %add3A_1022, %iota3A : vector<16xi32>
    %shift_right_arithmetic3A_1024 = arith.constant 1 : i32
    %shift_right_arithmetic3A_1025 = vector.broadcast %shift_right_arithmetic3A_1024 : i32 to vector<16xi32>
    %shift_right_arithmetic3A_1026 = arith.shrsi %add3A_1023, %shift_right_arithmetic3A_1025 : vector<16xi32>
    %and3A_1027 = arith.constant 1 : i32
    %and3A_1028 = vector.broadcast %and3A_1027 : i32 to vector<16xi32>
    %and3A_1029 = arith.andi %add3A_1023, %and3A_1028 : vector<16xi32>
    %sub3A_1030 = arith.constant 1 : i32
    %sub3A_1031 = vector.broadcast %sub3A_1030 : i32 to vector<16xi32>
    %sub3A_1032 = arith.subi %sub3A_1031, %and3A_1029 : vector<16xi32>
    %gather3A_1033 = arith.constant 1 : i32
    %gather3A_1034 = arith.constant 0 : i32
    %gather3A_1035 = arith.constant 0 : i32
    %gather3A_1036 = tpu.memref_slice %arg9[%gather3A_1033, %gather3A_1034, %gather3A_1035] : memref<2x128x128xf32, #tpu.memory_space<vmem>> -> memref<1x128x128xf32, #tpu.memory_space<vmem>>
    %gather3A_1037 = tpu.memref_squeeze %gather3A_1036 : memref<1x128x128xf32, #tpu.memory_space<vmem>> -> memref<128x128xf32, #tpu.memory_space<vmem>>
    %gather3A_1038 = tpu.vector_load_idx %gather3A_1037[%shift_right_arithmetic3A_1026, %sub3A_1032] : memref<128x128xf32, #tpu.memory_space<vmem>>[vector<16xi32>, vector<16xi32>], vector<16xf32>,
    %swap3A_1039 = arith.constant 23 : i32
    %swap3A_1040 = arith.index_cast %swap3A_1039 : i32 to index
    %swap3A_1041 = arith.constant 0 : index
    %swap3A_1042 = tpu.vector_load %arg10[%swap3A_1040, %swap3A_1041] {strides = array<i32>} : memref<64x16xf32, #tpu.memory_space<vmem>>, vector<16xf32>,
    tpu.vector_store %arg10[%swap3A_1040, %swap3A_1041], %gather3A_1038 {strides = array<i32>} : memref<64x16xf32, #tpu.memory_space<vmem>>, vector<16xf32>,
    %add3A_1043 = arith.constant 128 : i32
    %add3A_1044 = vector.broadcast %add3A_1043 : i32 to vector<16xi32>
    %add3A_1045 = arith.addi %add3A_1044, %iota3A : vector<16xi32>
    %shift_right_arithmetic3A_1046 = arith.constant 1 : i32
    %shift_right_arithmetic3A_1047 = vector.broadcast %shift_right_arithmetic3A_1046 : i32 to vector<16xi32>
    %shift_right_arithmetic3A_1048 = arith.shrsi %add3A_1045, %shift_right_arithmetic3A_1047 : vector<16xi32>
    %and3A_1049 = arith.constant 1 : i32
    %and3A_1050 = vector.broadcast %and3A_1049 : i32 to vector<16xi32>
    %and3A_1051 = arith.andi %add3A_1045, %and3A_1050 : vector<16xi32>
    %sub3A_1052 = arith.constant 1 : i32
    %sub3A_1053 = vector.broadcast %sub3A_1052 : i32 to vector<16xi32>
    %sub3A_1054 = arith.subi %sub3A_1053, %and3A_1051 : vector<16xi32>
    %gather3A_1055 = arith.constant 1 : i32
    %gather3A_1056 = arith.constant 0 : i32
    %gather3A_1057 = arith.constant 0 : i32
    %gather3A_1058 = tpu.memref_slice %arg9[%gather3A_1055, %gather3A_1056, %gather3A_1057] : memref<2x128x128xf32, #tpu.memory_space<vmem>> -> memref<1x128x128xf32, #tpu.memory_space<vmem>>
    %gather3A_1059 = tpu.memref_squeeze %gather3A_1058 : memref<1x128x128xf32, #tpu.memory_space<vmem>> -> memref<128x128xf32, #tpu.memory_space<vmem>>
    %gather3A_1060 = tpu.vector_load_idx %gather3A_1059[%shift_right_arithmetic3A_1048, %sub3A_1054] : memref<128x128xf32, #tpu.memory_space<vmem>>[vector<16xi32>, vector<16xi32>], vector<16xf32>,
    %swap3A_1061 = arith.constant 24 : i32
    %swap3A_1062 = arith.index_cast %swap3A_1061 : i32 to index
    %swap3A_1063 = arith.constant 0 : index
    %swap3A_1064 = tpu.vector_load %arg10[%swap3A_1062, %swap3A_1063] {strides = array<i32>} : memref<64x16xf32, #tpu.memory_space<vmem>>, vector<16xf32>,
    tpu.vector_store %arg10[%swap3A_1062, %swap3A_1063], %gather3A_1060 {strides = array<i32>} : memref<64x16xf32, #tpu.memory_space<vmem>>, vector<16xf32>,
    %add3A_1065 = arith.constant 144 : i32
    %add3A_1066 = vector.broadcast %add3A_1065 : i32 to vector<16xi32>
    %add3A_1067 = arith.addi %add3A_1066, %iota3A : vector<16xi32>
    %shift_right_arithmetic3A_1068 = arith.constant 1 : i32
    %shift_right_arithmetic3A_1069 = vector.broadcast %shift_right_arithmetic3A_1068 : i32 to vector<16xi32>
    %shift_right_arithmetic3A_1070 = arith.shrsi %add3A_1067, %shift_right_arithmetic3A_1069 : vector<16xi32>
    %and3A_1071 = arith.constant 1 : i32
    %and3A_1072 = vector.broadcast %and3A_1071 : i32 to vector<16xi32>
    %and3A_1073 = arith.andi %add3A_1067, %and3A_1072 : vector<16xi32>
    %sub3A_1074 = arith.constant 1 : i32
    %sub3A_1075 = vector.broadcast %sub3A_1074 : i32 to vector<16xi32>
    %sub3A_1076 = arith.subi %sub3A_1075, %and3A_1073 : vector<16xi32>
    %gather3A_1077 = arith.constant 1 : i32
    %gather3A_1078 = arith.constant 0 : i32
    %gather3A_1079 = arith.constant 0 : i32
    %gather3A_1080 = tpu.memref_slice %arg9[%gather3A_1077, %gather3A_1078, %gather3A_1079] : memref<2x128x128xf32, #tpu.memory_space<vmem>> -> memref<1x128x128xf32, #tpu.memory_space<vmem>>
    %gather3A_1081 = tpu.memref_squeeze %gather3A_1080 : memref<1x128x128xf32, #tpu.memory_space<vmem>> -> memref<128x128xf32, #tpu.memory_space<vmem>>
    %gather3A_1082 = tpu.vector_load_idx %gather3A_1081[%shift_right_arithmetic3A_1070, %sub3A_1076] : memref<128x128xf32, #tpu.memory_space<vmem>>[vector<16xi32>, vector<16xi32>], vector<16xf32>,
    %swap3A_1083 = arith.constant 25 : i32
    %swap3A_1084 = arith.index_cast %swap3A_1083 : i32 to index
    %swap3A_1085 = arith.constant 0 : index
    %swap3A_1086 = tpu.vector_load %arg10[%swap3A_1084, %swap3A_1085] {strides = array<i32>} : memref<64x16xf32, #tpu.memory_space<vmem>>, vector<16xf32>,
    tpu.vector_store %arg10[%swap3A_1084, %swap3A_1085], %gather3A_1082 {strides = array<i32>} : memref<64x16xf32, #tpu.memory_space<vmem>>, vector<16xf32>,
    %add3A_1087 = arith.constant 160 : i32
    %add3A_1088 = vector.broadcast %add3A_1087 : i32 to vector<16xi32>
    %add3A_1089 = arith.addi %add3A_1088, %iota3A : vector<16xi32>
    %shift_right_arithmetic3A_1090 = arith.constant 1 : i32
    %shift_right_arithmetic3A_1091 = vector.broadcast %shift_right_arithmetic3A_1090 : i32 to vector<16xi32>
    %shift_right_arithmetic3A_1092 = arith.shrsi %add3A_1089, %shift_right_arithmetic3A_1091 : vector<16xi32>
    %and3A_1093 = arith.constant 1 : i32
    %and3A_1094 = vector.broadcast %and3A_1093 : i32 to vector<16xi32>
    %and3A_1095 = arith.andi %add3A_1089, %and3A_1094 : vector<16xi32>
    %sub3A_1096 = arith.constant 1 : i32
    %sub3A_1097 = vector.broadcast %sub3A_1096 : i32 to vector<16xi32>
    %sub3A_1098 = arith.subi %sub3A_1097, %and3A_1095 : vector<16xi32>
    %gather3A_1099 = arith.constant 1 : i32
    %gather3A_1100 = arith.constant 0 : i32
    %gather3A_1101 = arith.constant 0 : i32
    %gather3A_1102 = tpu.memref_slice %arg9[%gather3A_1099, %gather3A_1100, %gather3A_1101] : memref<2x128x128xf32, #tpu.memory_space<vmem>> -> memref<1x128x128xf32, #tpu.memory_space<vmem>>
    %gather3A_1103 = tpu.memref_squeeze %gather3A_1102 : memref<1x128x128xf32, #tpu.memory_space<vmem>> -> memref<128x128xf32, #tpu.memory_space<vmem>>
    %gather3A_1104 = tpu.vector_load_idx %gather3A_1103[%shift_right_arithmetic3A_1092, %sub3A_1098] : memref<128x128xf32, #tpu.memory_space<vmem>>[vector<16xi32>, vector<16xi32>], vector<16xf32>,
    %swap3A_1105 = arith.constant 26 : i32
    %swap3A_1106 = arith.index_cast %swap3A_1105 : i32 to index
    %swap3A_1107 = arith.constant 0 : index
    %swap3A_1108 = tpu.vector_load %arg10[%swap3A_1106, %swap3A_1107] {strides = array<i32>} : memref<64x16xf32, #tpu.memory_space<vmem>>, vector<16xf32>,
    tpu.vector_store %arg10[%swap3A_1106, %swap3A_1107], %gather3A_1104 {strides = array<i32>} : memref<64x16xf32, #tpu.memory_space<vmem>>, vector<16xf32>,
    %add3A_1109 = arith.constant 176 : i32
    %add3A_1110 = vector.broadcast %add3A_1109 : i32 to vector<16xi32>
    %add3A_1111 = arith.addi %add3A_1110, %iota3A : vector<16xi32>
    %shift_right_arithmetic3A_1112 = arith.constant 1 : i32
    %shift_right_arithmetic3A_1113 = vector.broadcast %shift_right_arithmetic3A_1112 : i32 to vector<16xi32>
    %shift_right_arithmetic3A_1114 = arith.shrsi %add3A_1111, %shift_right_arithmetic3A_1113 : vector<16xi32>
    %and3A_1115 = arith.constant 1 : i32
    %and3A_1116 = vector.broadcast %and3A_1115 : i32 to vector<16xi32>
    %and3A_1117 = arith.andi %add3A_1111, %and3A_1116 : vector<16xi32>
    %sub3A_1118 = arith.constant 1 : i32
    %sub3A_1119 = vector.broadcast %sub3A_1118 : i32 to vector<16xi32>
    %sub3A_1120 = arith.subi %sub3A_1119, %and3A_1117 : vector<16xi32>
    %gather3A_1121 = arith.constant 1 : i32
    %gather3A_1122 = arith.constant 0 : i32
    %gather3A_1123 = arith.constant 0 : i32
    %gather3A_1124 = tpu.memref_slice %arg9[%gather3A_1121, %gather3A_1122, %gather3A_1123] : memref<2x128x128xf32, #tpu.memory_space<vmem>> -> memref<1x128x128xf32, #tpu.memory_space<vmem>>
    %gather3A_1125 = tpu.memref_squeeze %gather3A_1124 : memref<1x128x128xf32, #tpu.memory_space<vmem>> -> memref<128x128xf32, #tpu.memory_space<vmem>>
    %gather3A_1126 = tpu.vector_load_idx %gather3A_1125[%shift_right_arithmetic3A_1114, %sub3A_1120] : memref<128x128xf32, #tpu.memory_space<vmem>>[vector<16xi32>, vector<16xi32>], vector<16xf32>,
    %swap3A_1127 = arith.constant 27 : i32
    %swap3A_1128 = arith.index_cast %swap3A_1127 : i32 to index
    %swap3A_1129 = arith.constant 0 : index
    %swap3A_1130 = tpu.vector_load %arg10[%swap3A_1128, %swap3A_1129] {strides = array<i32>} : memref<64x16xf32, #tpu.memory_space<vmem>>, vector<16xf32>,
    tpu.vector_store %arg10[%swap3A_1128, %swap3A_1129], %gather3A_1126 {strides = array<i32>} : memref<64x16xf32, #tpu.memory_space<vmem>>, vector<16xf32>,
    %add3A_1131 = arith.constant 192 : i32
    %add3A_1132 = vector.broadcast %add3A_1131 : i32 to vector<16xi32>
    %add3A_1133 = arith.addi %add3A_1132, %iota3A : vector<16xi32>
    %shift_right_arithmetic3A_1134 = arith.constant 1 : i32
    %shift_right_arithmetic3A_1135 = vector.broadcast %shift_right_arithmetic3A_1134 : i32 to vector<16xi32>
    %shift_right_arithmetic3A_1136 = arith.shrsi %add3A_1133, %shift_right_arithmetic3A_1135 : vector<16xi32>
    %and3A_1137 = arith.constant 1 : i32
    %and3A_1138 = vector.broadcast %and3A_1137 : i32 to vector<16xi32>
    %and3A_1139 = arith.andi %add3A_1133, %and3A_1138 : vector<16xi32>
    %sub3A_1140 = arith.constant 1 : i32
    %sub3A_1141 = vector.broadcast %sub3A_1140 : i32 to vector<16xi32>
    %sub3A_1142 = arith.subi %sub3A_1141, %and3A_1139 : vector<16xi32>
    %gather3A_1143 = arith.constant 1 : i32
    %gather3A_1144 = arith.constant 0 : i32
    %gather3A_1145 = arith.constant 0 : i32
    %gather3A_1146 = tpu.memref_slice %arg9[%gather3A_1143, %gather3A_1144, %gather3A_1145] : memref<2x128x128xf32, #tpu.memory_space<vmem>> -> memref<1x128x128xf32, #tpu.memory_space<vmem>>
    %gather3A_1147 = tpu.memref_squeeze %gather3A_1146 : memref<1x128x128xf32, #tpu.memory_space<vmem>> -> memref<128x128xf32, #tpu.memory_space<vmem>>
    %gather3A_1148 = tpu.vector_load_idx %gather3A_1147[%shift_right_arithmetic3A_1136, %sub3A_1142] : memref<128x128xf32, #tpu.memory_space<vmem>>[vector<16xi32>, vector<16xi32>], vector<16xf32>,
    %swap3A_1149 = arith.constant 28 : i32
    %swap3A_1150 = arith.index_cast %swap3A_1149 : i32 to index
    %swap3A_1151 = arith.constant 0 : index
    %swap3A_1152 = tpu.vector_load %arg10[%swap3A_1150, %swap3A_1151] {strides = array<i32>} : memref<64x16xf32, #tpu.memory_space<vmem>>, vector<16xf32>,
    tpu.vector_store %arg10[%swap3A_1150, %swap3A_1151], %gather3A_1148 {strides = array<i32>} : memref<64x16xf32, #tpu.memory_space<vmem>>, vector<16xf32>,
    %add3A_1153 = arith.constant 208 : i32
    %add3A_1154 = vector.broadcast %add3A_1153 : i32 to vector<16xi32>
    %add3A_1155 = arith.addi %add3A_1154, %iota3A : vector<16xi32>
    %shift_right_arithmetic3A_1156 = arith.constant 1 : i32
    %shift_right_arithmetic3A_1157 = vector.broadcast %shift_right_arithmetic3A_1156 : i32 to vector<16xi32>
    %shift_right_arithmetic3A_1158 = arith.shrsi %add3A_1155, %shift_right_arithmetic3A_1157 : vector<16xi32>
    %and3A_1159 = arith.constant 1 : i32
    %and3A_1160 = vector.broadcast %and3A_1159 : i32 to vector<16xi32>
    %and3A_1161 = arith.andi %add3A_1155, %and3A_1160 : vector<16xi32>
    %sub3A_1162 = arith.constant 1 : i32
    %sub3A_1163 = vector.broadcast %sub3A_1162 : i32 to vector<16xi32>
    %sub3A_1164 = arith.subi %sub3A_1163, %and3A_1161 : vector<16xi32>
    %gather3A_1165 = arith.constant 1 : i32
    %gather3A_1166 = arith.constant 0 : i32
    %gather3A_1167 = arith.constant 0 : i32
    %gather3A_1168 = tpu.memref_slice %arg9[%gather3A_1165, %gather3A_1166, %gather3A_1167] : memref<2x128x128xf32, #tpu.memory_space<vmem>> -> memref<1x128x128xf32, #tpu.memory_space<vmem>>
    %gather3A_1169 = tpu.memref_squeeze %gather3A_1168 : memref<1x128x128xf32, #tpu.memory_space<vmem>> -> memref<128x128xf32, #tpu.memory_space<vmem>>
    %gather3A_1170 = tpu.vector_load_idx %gather3A_1169[%shift_right_arithmetic3A_1158, %sub3A_1164] : memref<128x128xf32, #tpu.memory_space<vmem>>[vector<16xi32>, vector<16xi32>], vector<16xf32>,
    %swap3A_1171 = arith.constant 29 : i32
    %swap3A_1172 = arith.index_cast %swap3A_1171 : i32 to index
    %swap3A_1173 = arith.constant 0 : index
    %swap3A_1174 = tpu.vector_load %arg10[%swap3A_1172, %swap3A_1173] {strides = array<i32>} : memref<64x16xf32, #tpu.memory_space<vmem>>, vector<16xf32>,
    tpu.vector_store %arg10[%swap3A_1172, %swap3A_1173], %gather3A_1170 {strides = array<i32>} : memref<64x16xf32, #tpu.memory_space<vmem>>, vector<16xf32>,
    %add3A_1175 = arith.constant 224 : i32
    %add3A_1176 = vector.broadcast %add3A_1175 : i32 to vector<16xi32>
    %add3A_1177 = arith.addi %add3A_1176, %iota3A : vector<16xi32>
    %shift_right_arithmetic3A_1178 = arith.constant 1 : i32
    %shift_right_arithmetic3A_1179 = vector.broadcast %shift_right_arithmetic3A_1178 : i32 to vector<16xi32>
    %shift_right_arithmetic3A_1180 = arith.shrsi %add3A_1177, %shift_right_arithmetic3A_1179 : vector<16xi32>
    %and3A_1181 = arith.constant 1 : i32
    %and3A_1182 = vector.broadcast %and3A_1181 : i32 to vector<16xi32>
    %and3A_1183 = arith.andi %add3A_1177, %and3A_1182 : vector<16xi32>
    %sub3A_1184 = arith.constant 1 : i32
    %sub3A_1185 = vector.broadcast %sub3A_1184 : i32 to vector<16xi32>
    %sub3A_1186 = arith.subi %sub3A_1185, %and3A_1183 : vector<16xi32>
    %gather3A_1187 = arith.constant 1 : i32
    %gather3A_1188 = arith.constant 0 : i32
    %gather3A_1189 = arith.constant 0 : i32
    %gather3A_1190 = tpu.memref_slice %arg9[%gather3A_1187, %gather3A_1188, %gather3A_1189] : memref<2x128x128xf32, #tpu.memory_space<vmem>> -> memref<1x128x128xf32, #tpu.memory_space<vmem>>
    %gather3A_1191 = tpu.memref_squeeze %gather3A_1190 : memref<1x128x128xf32, #tpu.memory_space<vmem>> -> memref<128x128xf32, #tpu.memory_space<vmem>>
    %gather3A_1192 = tpu.vector_load_idx %gather3A_1191[%shift_right_arithmetic3A_1180, %sub3A_1186] : memref<128x128xf32, #tpu.memory_space<vmem>>[vector<16xi32>, vector<16xi32>], vector<16xf32>,
    %swap3A_1193 = arith.constant 30 : i32
    %swap3A_1194 = arith.index_cast %swap3A_1193 : i32 to index
    %swap3A_1195 = arith.constant 0 : index
    %swap3A_1196 = tpu.vector_load %arg10[%swap3A_1194, %swap3A_1195] {strides = array<i32>} : memref<64x16xf32, #tpu.memory_space<vmem>>, vector<16xf32>,
    tpu.vector_store %arg10[%swap3A_1194, %swap3A_1195], %gather3A_1192 {strides = array<i32>} : memref<64x16xf32, #tpu.memory_space<vmem>>, vector<16xf32>,
    %add3A_1197 = arith.constant 240 : i32
    %add3A_1198 = vector.broadcast %add3A_1197 : i32 to vector<16xi32>
    %add3A_1199 = arith.addi %add3A_1198, %iota3A : vector<16xi32>
    %shift_right_arithmetic3A_1200 = arith.constant 1 : i32
    %shift_right_arithmetic3A_1201 = vector.broadcast %shift_right_arithmetic3A_1200 : i32 to vector<16xi32>
    %shift_right_arithmetic3A_1202 = arith.shrsi %add3A_1199, %shift_right_arithmetic3A_1201 : vector<16xi32>
    %and3A_1203 = arith.constant 1 : i32
    %and3A_1204 = vector.broadcast %and3A_1203 : i32 to vector<16xi32>
    %and3A_1205 = arith.andi %add3A_1199, %and3A_1204 : vector<16xi32>
    %sub3A_1206 = arith.constant 1 : i32
    %sub3A_1207 = vector.broadcast %sub3A_1206 : i32 to vector<16xi32>
    %sub3A_1208 = arith.subi %sub3A_1207, %and3A_1205 : vector<16xi32>
    %gather3A_1209 = arith.constant 1 : i32
    %gather3A_1210 = arith.constant 0 : i32
    %gather3A_1211 = arith.constant 0 : i32
    %gather3A_1212 = tpu.memref_slice %arg9[%gather3A_1209, %gather3A_1210, %gather3A_1211] : memref<2x128x128xf32, #tpu.memory_space<vmem>> -> memref<1x128x128xf32, #tpu.memory_space<vmem>>
    %gather3A_1213 = tpu.memref_squeeze %gather3A_1212 : memref<1x128x128xf32, #tpu.memory_space<vmem>> -> memref<128x128xf32, #tpu.memory_space<vmem>>
    %gather3A_1214 = tpu.vector_load_idx %gather3A_1213[%shift_right_arithmetic3A_1202, %sub3A_1208] : memref<128x128xf32, #tpu.memory_space<vmem>>[vector<16xi32>, vector<16xi32>], vector<16xf32>,
    %swap3A_1215 = arith.constant 31 : i32
    %swap3A_1216 = arith.index_cast %swap3A_1215 : i32 to index
    %swap3A_1217 = arith.constant 0 : index
    %swap3A_1218 = tpu.vector_load %arg10[%swap3A_1216, %swap3A_1217] {strides = array<i32>} : memref<64x16xf32, #tpu.memory_space<vmem>>, vector<16xf32>,
    tpu.vector_store %arg10[%swap3A_1216, %swap3A_1217], %gather3A_1214 {strides = array<i32>} : memref<64x16xf32, #tpu.memory_space<vmem>>, vector<16xf32>,
    %add3A_1219 = arith.constant 384 : i32
    %add3A_1220 = arith.addi %mul3A_2, %add3A_1219 : i32
    %dma_start3A_1221 = arith.constant 1 : i32
    %dma_start3A_1222 = arith.constant 1 : i32
    %dma_start3A_1223 = arith.constant 0 : i32
    %dma_start3A_1224 = arith.constant 0 : i32
    %dma_start3A_1225 = tpu.memref_slice %arg9[%dma_start3A_1221, %dma_start3A_1223, %dma_start3A_1224] : memref<2x128x128xf32, #tpu.memory_space<vmem>> -> memref<1x128x128xf32, #tpu.memory_space<vmem>>
    %dma_start3A_1226 = tpu.memref_squeeze %dma_start3A_1225 : memref<1x128x128xf32, #tpu.memory_space<vmem>> -> memref<128x128xf32, #tpu.memory_space<vmem>>
    %dma_start3A_1227 = arith.constant 0 : i32
    %dma_start3A_1228 = tpu.memref_slice %arg3[%add3A_1220, %dma_start3A_1227] : memref<16384x2048xf32, #tpu.memory_space<hbm>> -> memref<128x128xf32, #tpu.memory_space<hbm>>
    %dma_start3A_1229 = tpu.memref_slice %arg12[%dma_start3A_1222] : memref<2x!tpu.dma_semaphore, #tpu.memory_space<semaphore_mem>> -> memref<1x!tpu.dma_semaphore, #tpu.memory_space<semaphore_mem>>
    %dma_start3A_1230 = tpu.memref_squeeze %dma_start3A_1229 : memref<1x!tpu.dma_semaphore, #tpu.memory_space<semaphore_mem>> -> memref<!tpu.dma_semaphore, #tpu.memory_space<semaphore_mem>>
    %dma_start3A_1231 = arith.constant 0 : i32
    %dma_start3A_1232 = arith.constant 0 : i32
    %dma_start3A_1233 = tpu.memref_slice %arg9[%dma_start3A_1221, %dma_start3A_1231, %dma_start3A_1232] : memref<2x128x128xf32, #tpu.memory_space<vmem>> -> memref<1x128x128xf32, #tpu.memory_space<vmem>>
    %dma_start3A_1234 = tpu.memref_squeeze %dma_start3A_1233 : memref<1x128x128xf32, #tpu.memory_space<vmem>> -> memref<128x128xf32, #tpu.memory_space<vmem>>
    %dma_start3A_1235 = arith.constant 0 : i32
    %dma_start3A_1236 = tpu.memref_slice %arg3[%add3A_1220, %dma_start3A_1235] : memref<16384x2048xf32, #tpu.memory_space<hbm>> -> memref<128x128xf32, #tpu.memory_space<hbm>>
    tpu.enqueue_dma source(%dma_start3A_1236 : memref<128x128xf32, #tpu.memory_space<hbm>>) target(%dma_start3A_1234 : memref<128x128xf32, #tpu.memory_space<vmem>>) target_semaphore(%dma_start3A_1230 : memref<!tpu.dma_semaphore, #tpu.memory_space<semaphore_mem>>)
    %dma_wait3A_1237 = arith.constant 0 : i32
    %dma_wait3A_1238 = arith.constant 0 : i32
    %dma_wait3A_1239 = arith.constant 0 : i32
    %dma_wait3A_1240 = arith.constant 0 : i32
    %dma_wait3A_1241 = tpu.memref_slice %arg9[%dma_wait3A_1237, %dma_wait3A_1239, %dma_wait3A_1240] : memref<2x128x128xf32, #tpu.memory_space<vmem>> -> memref<1x128x128xf32, #tpu.memory_space<vmem>>
    %dma_wait3A_1242 = tpu.memref_squeeze %dma_wait3A_1241 : memref<1x128x128xf32, #tpu.memory_space<vmem>> -> memref<128x128xf32, #tpu.memory_space<vmem>>
    %dma_wait3A_1243 = arith.constant 0 : i32
    %dma_wait3A_1244 = tpu.memref_slice %arg3[%add3A_834, %dma_wait3A_1243] : memref<16384x2048xf32, #tpu.memory_space<hbm>> -> memref<128x128xf32, #tpu.memory_space<hbm>>
    %dma_wait3A_1245 = tpu.memref_slice %arg12[%dma_wait3A_1238] : memref<2x!tpu.dma_semaphore, #tpu.memory_space<semaphore_mem>> -> memref<1x!tpu.dma_semaphore, #tpu.memory_space<semaphore_mem>>
    %dma_wait3A_1246 = tpu.memref_squeeze %dma_wait3A_1245 : memref<1x!tpu.dma_semaphore, #tpu.memory_space<semaphore_mem>> -> memref<!tpu.dma_semaphore, #tpu.memory_space<semaphore_mem>>
    %dma_wait3A_1247 = arith.constant 0 : i32
    %dma_wait3A_1248 = arith.constant 0 : i32
    %dma_wait3A_1249 = tpu.memref_slice %arg9[%dma_wait3A_1237, %dma_wait3A_1247, %dma_wait3A_1248] : memref<2x128x128xf32, #tpu.memory_space<vmem>> -> memref<1x128x128xf32, #tpu.memory_space<vmem>>
    %dma_wait3A_1250 = tpu.memref_squeeze %dma_wait3A_1249 : memref<1x128x128xf32, #tpu.memory_space<vmem>> -> memref<128x128xf32, #tpu.memory_space<vmem>>
    %dma_wait3A_1251 = arith.constant 0 : i32
    %dma_wait3A_1252 = tpu.memref_slice %arg3[%add3A_834, %dma_wait3A_1251] : memref<16384x2048xf32, #tpu.memory_space<hbm>> -> memref<128x128xf32, #tpu.memory_space<hbm>>
    tpu.wait_dma2 semaphore(%dma_wait3A_1246 : memref<!tpu.dma_semaphore, #tpu.memory_space<semaphore_mem>>) src(%dma_wait3A_1252 : memref<128x128xf32, #tpu.memory_space<hbm>>) dst(%dma_wait3A_1250 : memref<128x128xf32, #tpu.memory_space<vmem>>)
    %add3A_1253 = arith.constant 0 : i32
    %add3A_1254 = vector.broadcast %add3A_1253 : i32 to vector<16xi32>
    %add3A_1255 = arith.addi %add3A_1254, %iota3A : vector<16xi32>
    %shift_right_arithmetic3A_1256 = arith.constant 1 : i32
    %shift_right_arithmetic3A_1257 = vector.broadcast %shift_right_arithmetic3A_1256 : i32 to vector<16xi32>
    %shift_right_arithmetic3A_1258 = arith.shrsi %add3A_1255, %shift_right_arithmetic3A_1257 : vector<16xi32>
    %and3A_1259 = arith.constant 1 : i32
    %and3A_1260 = vector.broadcast %and3A_1259 : i32 to vector<16xi32>
    %and3A_1261 = arith.andi %add3A_1255, %and3A_1260 : vector<16xi32>
    %sub3A_1262 = arith.constant 1 : i32
    %sub3A_1263 = vector.broadcast %sub3A_1262 : i32 to vector<16xi32>
    %sub3A_1264 = arith.subi %sub3A_1263, %and3A_1261 : vector<16xi32>
    %gather3A_1265 = arith.constant 0 : i32
    %gather3A_1266 = arith.constant 0 : i32
    %gather3A_1267 = arith.constant 0 : i32
    %gather3A_1268 = tpu.memref_slice %arg9[%gather3A_1265, %gather3A_1266, %gather3A_1267] : memref<2x128x128xf32, #tpu.memory_space<vmem>> -> memref<1x128x128xf32, #tpu.memory_space<vmem>>
    %gather3A_1269 = tpu.memref_squeeze %gather3A_1268 : memref<1x128x128xf32, #tpu.memory_space<vmem>> -> memref<128x128xf32, #tpu.memory_space<vmem>>
    %gather3A_1270 = tpu.vector_load_idx %gather3A_1269[%shift_right_arithmetic3A_1258, %sub3A_1264] : memref<128x128xf32, #tpu.memory_space<vmem>>[vector<16xi32>, vector<16xi32>], vector<16xf32>,
    %swap3A_1271 = arith.constant 32 : i32
    %swap3A_1272 = arith.index_cast %swap3A_1271 : i32 to index
    %swap3A_1273 = arith.constant 0 : index
    %swap3A_1274 = tpu.vector_load %arg10[%swap3A_1272, %swap3A_1273] {strides = array<i32>} : memref<64x16xf32, #tpu.memory_space<vmem>>, vector<16xf32>,
    tpu.vector_store %arg10[%swap3A_1272, %swap3A_1273], %gather3A_1270 {strides = array<i32>} : memref<64x16xf32, #tpu.memory_space<vmem>>, vector<16xf32>,
    %add3A_1275 = arith.constant 16 : i32
    %add3A_1276 = vector.broadcast %add3A_1275 : i32 to vector<16xi32>
    %add3A_1277 = arith.addi %add3A_1276, %iota3A : vector<16xi32>
    %shift_right_arithmetic3A_1278 = arith.constant 1 : i32
    %shift_right_arithmetic3A_1279 = vector.broadcast %shift_right_arithmetic3A_1278 : i32 to vector<16xi32>
    %shift_right_arithmetic3A_1280 = arith.shrsi %add3A_1277, %shift_right_arithmetic3A_1279 : vector<16xi32>
    %and3A_1281 = arith.constant 1 : i32
    %and3A_1282 = vector.broadcast %and3A_1281 : i32 to vector<16xi32>
    %and3A_1283 = arith.andi %add3A_1277, %and3A_1282 : vector<16xi32>
    %sub3A_1284 = arith.constant 1 : i32
    %sub3A_1285 = vector.broadcast %sub3A_1284 : i32 to vector<16xi32>
    %sub3A_1286 = arith.subi %sub3A_1285, %and3A_1283 : vector<16xi32>
    %gather3A_1287 = arith.constant 0 : i32
    %gather3A_1288 = arith.constant 0 : i32
    %gather3A_1289 = arith.constant 0 : i32
    %gather3A_1290 = tpu.memref_slice %arg9[%gather3A_1287, %gather3A_1288, %gather3A_1289] : memref<2x128x128xf32, #tpu.memory_space<vmem>> -> memref<1x128x128xf32, #tpu.memory_space<vmem>>
    %gather3A_1291 = tpu.memref_squeeze %gather3A_1290 : memref<1x128x128xf32, #tpu.memory_space<vmem>> -> memref<128x128xf32, #tpu.memory_space<vmem>>
    %gather3A_1292 = tpu.vector_load_idx %gather3A_1291[%shift_right_arithmetic3A_1280, %sub3A_1286] : memref<128x128xf32, #tpu.memory_space<vmem>>[vector<16xi32>, vector<16xi32>], vector<16xf32>,
    %swap3A_1293 = arith.constant 33 : i32
    %swap3A_1294 = arith.index_cast %swap3A_1293 : i32 to index
    %swap3A_1295 = arith.constant 0 : index
    %swap3A_1296 = tpu.vector_load %arg10[%swap3A_1294, %swap3A_1295] {strides = array<i32>} : memref<64x16xf32, #tpu.memory_space<vmem>>, vector<16xf32>,
    tpu.vector_store %arg10[%swap3A_1294, %swap3A_1295], %gather3A_1292 {strides = array<i32>} : memref<64x16xf32, #tpu.memory_space<vmem>>, vector<16xf32>,
    %add3A_1297 = arith.constant 32 : i32
    %add3A_1298 = vector.broadcast %add3A_1297 : i32 to vector<16xi32>
    %add3A_1299 = arith.addi %add3A_1298, %iota3A : vector<16xi32>
    %shift_right_arithmetic3A_1300 = arith.constant 1 : i32
    %shift_right_arithmetic3A_1301 = vector.broadcast %shift_right_arithmetic3A_1300 : i32 to vector<16xi32>
    %shift_right_arithmetic3A_1302 = arith.shrsi %add3A_1299, %shift_right_arithmetic3A_1301 : vector<16xi32>
    %and3A_1303 = arith.constant 1 : i32
    %and3A_1304 = vector.broadcast %and3A_1303 : i32 to vector<16xi32>
    %and3A_1305 = arith.andi %add3A_1299, %and3A_1304 : vector<16xi32>
    %sub3A_1306 = arith.constant 1 : i32
    %sub3A_1307 = vector.broadcast %sub3A_1306 : i32 to vector<16xi32>
    %sub3A_1308 = arith.subi %sub3A_1307, %and3A_1305 : vector<16xi32>
    %gather3A_1309 = arith.constant 0 : i32
    %gather3A_1310 = arith.constant 0 : i32
    %gather3A_1311 = arith.constant 0 : i32
    %gather3A_1312 = tpu.memref_slice %arg9[%gather3A_1309, %gather3A_1310, %gather3A_1311] : memref<2x128x128xf32, #tpu.memory_space<vmem>> -> memref<1x128x128xf32, #tpu.memory_space<vmem>>
    %gather3A_1313 = tpu.memref_squeeze %gather3A_1312 : memref<1x128x128xf32, #tpu.memory_space<vmem>> -> memref<128x128xf32, #tpu.memory_space<vmem>>
    %gather3A_1314 = tpu.vector_load_idx %gather3A_1313[%shift_right_arithmetic3A_1302, %sub3A_1308] : memref<128x128xf32, #tpu.memory_space<vmem>>[vector<16xi32>, vector<16xi32>], vector<16xf32>,
    %swap3A_1315 = arith.constant 34 : i32
    %swap3A_1316 = arith.index_cast %swap3A_1315 : i32 to index
    %swap3A_1317 = arith.constant 0 : index
    %swap3A_1318 = tpu.vector_load %arg10[%swap3A_1316, %swap3A_1317] {strides = array<i32>} : memref<64x16xf32, #tpu.memory_space<vmem>>, vector<16xf32>,
    tpu.vector_store %arg10[%swap3A_1316, %swap3A_1317], %gather3A_1314 {strides = array<i32>} : memref<64x16xf32, #tpu.memory_space<vmem>>, vector<16xf32>,
    %add3A_1319 = arith.constant 48 : i32
    %add3A_1320 = vector.broadcast %add3A_1319 : i32 to vector<16xi32>
    %add3A_1321 = arith.addi %add3A_1320, %iota3A : vector<16xi32>
    %shift_right_arithmetic3A_1322 = arith.constant 1 : i32
    %shift_right_arithmetic3A_1323 = vector.broadcast %shift_right_arithmetic3A_1322 : i32 to vector<16xi32>
    %shift_right_arithmetic3A_1324 = arith.shrsi %add3A_1321, %shift_right_arithmetic3A_1323 : vector<16xi32>
    %and3A_1325 = arith.constant 1 : i32
    %and3A_1326 = vector.broadcast %and3A_1325 : i32 to vector<16xi32>
    %and3A_1327 = arith.andi %add3A_1321, %and3A_1326 : vector<16xi32>
    %sub3A_1328 = arith.constant 1 : i32
    %sub3A_1329 = vector.broadcast %sub3A_1328 : i32 to vector<16xi32>
    %sub3A_1330 = arith.subi %sub3A_1329, %and3A_1327 : vector<16xi32>
    %gather3A_1331 = arith.constant 0 : i32
    %gather3A_1332 = arith.constant 0 : i32
    %gather3A_1333 = arith.constant 0 : i32
    %gather3A_1334 = tpu.memref_slice %arg9[%gather3A_1331, %gather3A_1332, %gather3A_1333] : memref<2x128x128xf32, #tpu.memory_space<vmem>> -> memref<1x128x128xf32, #tpu.memory_space<vmem>>
    %gather3A_1335 = tpu.memref_squeeze %gather3A_1334 : memref<1x128x128xf32, #tpu.memory_space<vmem>> -> memref<128x128xf32, #tpu.memory_space<vmem>>
    %gather3A_1336 = tpu.vector_load_idx %gather3A_1335[%shift_right_arithmetic3A_1324, %sub3A_1330] : memref<128x128xf32, #tpu.memory_space<vmem>>[vector<16xi32>, vector<16xi32>], vector<16xf32>,
    %swap3A_1337 = arith.constant 35 : i32
    %swap3A_1338 = arith.index_cast %swap3A_1337 : i32 to index
    %swap3A_1339 = arith.constant 0 : index
    %swap3A_1340 = tpu.vector_load %arg10[%swap3A_1338, %swap3A_1339] {strides = array<i32>} : memref<64x16xf32, #tpu.memory_space<vmem>>, vector<16xf32>,
    tpu.vector_store %arg10[%swap3A_1338, %swap3A_1339], %gather3A_1336 {strides = array<i32>} : memref<64x16xf32, #tpu.memory_space<vmem>>, vector<16xf32>,
    %add3A_1341 = arith.constant 64 : i32
    %add3A_1342 = vector.broadcast %add3A_1341 : i32 to vector<16xi32>
    %add3A_1343 = arith.addi %add3A_1342, %iota3A : vector<16xi32>
    %shift_right_arithmetic3A_1344 = arith.constant 1 : i32
    %shift_right_arithmetic3A_1345 = vector.broadcast %shift_right_arithmetic3A_1344 : i32 to vector<16xi32>
    %shift_right_arithmetic3A_1346 = arith.shrsi %add3A_1343, %shift_right_arithmetic3A_1345 : vector<16xi32>
    %and3A_1347 = arith.constant 1 : i32
    %and3A_1348 = vector.broadcast %and3A_1347 : i32 to vector<16xi32>
    %and3A_1349 = arith.andi %add3A_1343, %and3A_1348 : vector<16xi32>
    %sub3A_1350 = arith.constant 1 : i32
    %sub3A_1351 = vector.broadcast %sub3A_1350 : i32 to vector<16xi32>
    %sub3A_1352 = arith.subi %sub3A_1351, %and3A_1349 : vector<16xi32>
    %gather3A_1353 = arith.constant 0 : i32
    %gather3A_1354 = arith.constant 0 : i32
    %gather3A_1355 = arith.constant 0 : i32
    %gather3A_1356 = tpu.memref_slice %arg9[%gather3A_1353, %gather3A_1354, %gather3A_1355] : memref<2x128x128xf32, #tpu.memory_space<vmem>> -> memref<1x128x128xf32, #tpu.memory_space<vmem>>
    %gather3A_1357 = tpu.memref_squeeze %gather3A_1356 : memref<1x128x128xf32, #tpu.memory_space<vmem>> -> memref<128x128xf32, #tpu.memory_space<vmem>>
    %gather3A_1358 = tpu.vector_load_idx %gather3A_1357[%shift_right_arithmetic3A_1346, %sub3A_1352] : memref<128x128xf32, #tpu.memory_space<vmem>>[vector<16xi32>, vector<16xi32>], vector<16xf32>,
    %swap3A_1359 = arith.constant 36 : i32
    %swap3A_1360 = arith.index_cast %swap3A_1359 : i32 to index
    %swap3A_1361 = arith.constant 0 : index
    %swap3A_1362 = tpu.vector_load %arg10[%swap3A_1360, %swap3A_1361] {strides = array<i32>} : memref<64x16xf32, #tpu.memory_space<vmem>>, vector<16xf32>,
    tpu.vector_store %arg10[%swap3A_1360, %swap3A_1361], %gather3A_1358 {strides = array<i32>} : memref<64x16xf32, #tpu.memory_space<vmem>>, vector<16xf32>,
    %add3A_1363 = arith.constant 80 : i32
    %add3A_1364 = vector.broadcast %add3A_1363 : i32 to vector<16xi32>
    %add3A_1365 = arith.addi %add3A_1364, %iota3A : vector<16xi32>
    %shift_right_arithmetic3A_1366 = arith.constant 1 : i32
    %shift_right_arithmetic3A_1367 = vector.broadcast %shift_right_arithmetic3A_1366 : i32 to vector<16xi32>
    %shift_right_arithmetic3A_1368 = arith.shrsi %add3A_1365, %shift_right_arithmetic3A_1367 : vector<16xi32>
    %and3A_1369 = arith.constant 1 : i32
    %and3A_1370 = vector.broadcast %and3A_1369 : i32 to vector<16xi32>
    %and3A_1371 = arith.andi %add3A_1365, %and3A_1370 : vector<16xi32>
    %sub3A_1372 = arith.constant 1 : i32
    %sub3A_1373 = vector.broadcast %sub3A_1372 : i32 to vector<16xi32>
    %sub3A_1374 = arith.subi %sub3A_1373, %and3A_1371 : vector<16xi32>
    %gather3A_1375 = arith.constant 0 : i32
    %gather3A_1376 = arith.constant 0 : i32
    %gather3A_1377 = arith.constant 0 : i32
    %gather3A_1378 = tpu.memref_slice %arg9[%gather3A_1375, %gather3A_1376, %gather3A_1377] : memref<2x128x128xf32, #tpu.memory_space<vmem>> -> memref<1x128x128xf32, #tpu.memory_space<vmem>>
    %gather3A_1379 = tpu.memref_squeeze %gather3A_1378 : memref<1x128x128xf32, #tpu.memory_space<vmem>> -> memref<128x128xf32, #tpu.memory_space<vmem>>
    %gather3A_1380 = tpu.vector_load_idx %gather3A_1379[%shift_right_arithmetic3A_1368, %sub3A_1374] : memref<128x128xf32, #tpu.memory_space<vmem>>[vector<16xi32>, vector<16xi32>], vector<16xf32>,
    %swap3A_1381 = arith.constant 37 : i32
    %swap3A_1382 = arith.index_cast %swap3A_1381 : i32 to index
    %swap3A_1383 = arith.constant 0 : index
    %swap3A_1384 = tpu.vector_load %arg10[%swap3A_1382, %swap3A_1383] {strides = array<i32>} : memref<64x16xf32, #tpu.memory_space<vmem>>, vector<16xf32>,
    tpu.vector_store %arg10[%swap3A_1382, %swap3A_1383], %gather3A_1380 {strides = array<i32>} : memref<64x16xf32, #tpu.memory_space<vmem>>, vector<16xf32>,
    %add3A_1385 = arith.constant 96 : i32
    %add3A_1386 = vector.broadcast %add3A_1385 : i32 to vector<16xi32>
    %add3A_1387 = arith.addi %add3A_1386, %iota3A : vector<16xi32>
    %shift_right_arithmetic3A_1388 = arith.constant 1 : i32
    %shift_right_arithmetic3A_1389 = vector.broadcast %shift_right_arithmetic3A_1388 : i32 to vector<16xi32>
    %shift_right_arithmetic3A_1390 = arith.shrsi %add3A_1387, %shift_right_arithmetic3A_1389 : vector<16xi32>
    %and3A_1391 = arith.constant 1 : i32
    %and3A_1392 = vector.broadcast %and3A_1391 : i32 to vector<16xi32>
    %and3A_1393 = arith.andi %add3A_1387, %and3A_1392 : vector<16xi32>
    %sub3A_1394 = arith.constant 1 : i32
    %sub3A_1395 = vector.broadcast %sub3A_1394 : i32 to vector<16xi32>
    %sub3A_1396 = arith.subi %sub3A_1395, %and3A_1393 : vector<16xi32>
    %gather3A_1397 = arith.constant 0 : i32
    %gather3A_1398 = arith.constant 0 : i32
    %gather3A_1399 = arith.constant 0 : i32
    %gather3A_1400 = tpu.memref_slice %arg9[%gather3A_1397, %gather3A_1398, %gather3A_1399] : memref<2x128x128xf32, #tpu.memory_space<vmem>> -> memref<1x128x128xf32, #tpu.memory_space<vmem>>
    %gather3A_1401 = tpu.memref_squeeze %gather3A_1400 : memref<1x128x128xf32, #tpu.memory_space<vmem>> -> memref<128x128xf32, #tpu.memory_space<vmem>>
    %gather3A_1402 = tpu.vector_load_idx %gather3A_1401[%shift_right_arithmetic3A_1390, %sub3A_1396] : memref<128x128xf32, #tpu.memory_space<vmem>>[vector<16xi32>, vector<16xi32>], vector<16xf32>,
    %swap3A_1403 = arith.constant 38 : i32
    %swap3A_1404 = arith.index_cast %swap3A_1403 : i32 to index
    %swap3A_1405 = arith.constant 0 : index
    %swap3A_1406 = tpu.vector_load %arg10[%swap3A_1404, %swap3A_1405] {strides = array<i32>} : memref<64x16xf32, #tpu.memory_space<vmem>>, vector<16xf32>,
    tpu.vector_store %arg10[%swap3A_1404, %swap3A_1405], %gather3A_1402 {strides = array<i32>} : memref<64x16xf32, #tpu.memory_space<vmem>>, vector<16xf32>,
    %add3A_1407 = arith.constant 112 : i32
    %add3A_1408 = vector.broadcast %add3A_1407 : i32 to vector<16xi32>
    %add3A_1409 = arith.addi %add3A_1408, %iota3A : vector<16xi32>
    %shift_right_arithmetic3A_1410 = arith.constant 1 : i32
    %shift_right_arithmetic3A_1411 = vector.broadcast %shift_right_arithmetic3A_1410 : i32 to vector<16xi32>
    %shift_right_arithmetic3A_1412 = arith.shrsi %add3A_1409, %shift_right_arithmetic3A_1411 : vector<16xi32>
    %and3A_1413 = arith.constant 1 : i32
    %and3A_1414 = vector.broadcast %and3A_1413 : i32 to vector<16xi32>
    %and3A_1415 = arith.andi %add3A_1409, %and3A_1414 : vector<16xi32>
    %sub3A_1416 = arith.constant 1 : i32
    %sub3A_1417 = vector.broadcast %sub3A_1416 : i32 to vector<16xi32>
    %sub3A_1418 = arith.subi %sub3A_1417, %and3A_1415 : vector<16xi32>
    %gather3A_1419 = arith.constant 0 : i32
    %gather3A_1420 = arith.constant 0 : i32
    %gather3A_1421 = arith.constant 0 : i32
    %gather3A_1422 = tpu.memref_slice %arg9[%gather3A_1419, %gather3A_1420, %gather3A_1421] : memref<2x128x128xf32, #tpu.memory_space<vmem>> -> memref<1x128x128xf32, #tpu.memory_space<vmem>>
    %gather3A_1423 = tpu.memref_squeeze %gather3A_1422 : memref<1x128x128xf32, #tpu.memory_space<vmem>> -> memref<128x128xf32, #tpu.memory_space<vmem>>
    %gather3A_1424 = tpu.vector_load_idx %gather3A_1423[%shift_right_arithmetic3A_1412, %sub3A_1418] : memref<128x128xf32, #tpu.memory_space<vmem>>[vector<16xi32>, vector<16xi32>], vector<16xf32>,
    %swap3A_1425 = arith.constant 39 : i32
    %swap3A_1426 = arith.index_cast %swap3A_1425 : i32 to index
    %swap3A_1427 = arith.constant 0 : index
    %swap3A_1428 = tpu.vector_load %arg10[%swap3A_1426, %swap3A_1427] {strides = array<i32>} : memref<64x16xf32, #tpu.memory_space<vmem>>, vector<16xf32>,
    tpu.vector_store %arg10[%swap3A_1426, %swap3A_1427], %gather3A_1424 {strides = array<i32>} : memref<64x16xf32, #tpu.memory_space<vmem>>, vector<16xf32>,
    %add3A_1429 = arith.constant 128 : i32
    %add3A_1430 = vector.broadcast %add3A_1429 : i32 to vector<16xi32>
    %add3A_1431 = arith.addi %add3A_1430, %iota3A : vector<16xi32>
    %shift_right_arithmetic3A_1432 = arith.constant 1 : i32
    %shift_right_arithmetic3A_1433 = vector.broadcast %shift_right_arithmetic3A_1432 : i32 to vector<16xi32>
    %shift_right_arithmetic3A_1434 = arith.shrsi %add3A_1431, %shift_right_arithmetic3A_1433 : vector<16xi32>
    %and3A_1435 = arith.constant 1 : i32
    %and3A_1436 = vector.broadcast %and3A_1435 : i32 to vector<16xi32>
    %and3A_1437 = arith.andi %add3A_1431, %and3A_1436 : vector<16xi32>
    %sub3A_1438 = arith.constant 1 : i32
    %sub3A_1439 = vector.broadcast %sub3A_1438 : i32 to vector<16xi32>
    %sub3A_1440 = arith.subi %sub3A_1439, %and3A_1437 : vector<16xi32>
    %gather3A_1441 = arith.constant 0 : i32
    %gather3A_1442 = arith.constant 0 : i32
    %gather3A_1443 = arith.constant 0 : i32
    %gather3A_1444 = tpu.memref_slice %arg9[%gather3A_1441, %gather3A_1442, %gather3A_1443] : memref<2x128x128xf32, #tpu.memory_space<vmem>> -> memref<1x128x128xf32, #tpu.memory_space<vmem>>
    %gather3A_1445 = tpu.memref_squeeze %gather3A_1444 : memref<1x128x128xf32, #tpu.memory_space<vmem>> -> memref<128x128xf32, #tpu.memory_space<vmem>>
    %gather3A_1446 = tpu.vector_load_idx %gather3A_1445[%shift_right_arithmetic3A_1434, %sub3A_1440] : memref<128x128xf32, #tpu.memory_space<vmem>>[vector<16xi32>, vector<16xi32>], vector<16xf32>,
    %swap3A_1447 = arith.constant 40 : i32
    %swap3A_1448 = arith.index_cast %swap3A_1447 : i32 to index
    %swap3A_1449 = arith.constant 0 : index
    %swap3A_1450 = tpu.vector_load %arg10[%swap3A_1448, %swap3A_1449] {strides = array<i32>} : memref<64x16xf32, #tpu.memory_space<vmem>>, vector<16xf32>,
    tpu.vector_store %arg10[%swap3A_1448, %swap3A_1449], %gather3A_1446 {strides = array<i32>} : memref<64x16xf32, #tpu.memory_space<vmem>>, vector<16xf32>,
    %add3A_1451 = arith.constant 144 : i32
    %add3A_1452 = vector.broadcast %add3A_1451 : i32 to vector<16xi32>
    %add3A_1453 = arith.addi %add3A_1452, %iota3A : vector<16xi32>
    %shift_right_arithmetic3A_1454 = arith.constant 1 : i32
    %shift_right_arithmetic3A_1455 = vector.broadcast %shift_right_arithmetic3A_1454 : i32 to vector<16xi32>
    %shift_right_arithmetic3A_1456 = arith.shrsi %add3A_1453, %shift_right_arithmetic3A_1455 : vector<16xi32>
    %and3A_1457 = arith.constant 1 : i32
    %and3A_1458 = vector.broadcast %and3A_1457 : i32 to vector<16xi32>
    %and3A_1459 = arith.andi %add3A_1453, %and3A_1458 : vector<16xi32>
    %sub3A_1460 = arith.constant 1 : i32
    %sub3A_1461 = vector.broadcast %sub3A_1460 : i32 to vector<16xi32>
    %sub3A_1462 = arith.subi %sub3A_1461, %and3A_1459 : vector<16xi32>
    %gather3A_1463 = arith.constant 0 : i32
    %gather3A_1464 = arith.constant 0 : i32
    %gather3A_1465 = arith.constant 0 : i32
    %gather3A_1466 = tpu.memref_slice %arg9[%gather3A_1463, %gather3A_1464, %gather3A_1465] : memref<2x128x128xf32, #tpu.memory_space<vmem>> -> memref<1x128x128xf32, #tpu.memory_space<vmem>>
    %gather3A_1467 = tpu.memref_squeeze %gather3A_1466 : memref<1x128x128xf32, #tpu.memory_space<vmem>> -> memref<128x128xf32, #tpu.memory_space<vmem>>
    %gather3A_1468 = tpu.vector_load_idx %gather3A_1467[%shift_right_arithmetic3A_1456, %sub3A_1462] : memref<128x128xf32, #tpu.memory_space<vmem>>[vector<16xi32>, vector<16xi32>], vector<16xf32>,
    %swap3A_1469 = arith.constant 41 : i32
    %swap3A_1470 = arith.index_cast %swap3A_1469 : i32 to index
    %swap3A_1471 = arith.constant 0 : index
    %swap3A_1472 = tpu.vector_load %arg10[%swap3A_1470, %swap3A_1471] {strides = array<i32>} : memref<64x16xf32, #tpu.memory_space<vmem>>, vector<16xf32>,
    tpu.vector_store %arg10[%swap3A_1470, %swap3A_1471], %gather3A_1468 {strides = array<i32>} : memref<64x16xf32, #tpu.memory_space<vmem>>, vector<16xf32>,
    %add3A_1473 = arith.constant 160 : i32
    %add3A_1474 = vector.broadcast %add3A_1473 : i32 to vector<16xi32>
    %add3A_1475 = arith.addi %add3A_1474, %iota3A : vector<16xi32>
    %shift_right_arithmetic3A_1476 = arith.constant 1 : i32
    %shift_right_arithmetic3A_1477 = vector.broadcast %shift_right_arithmetic3A_1476 : i32 to vector<16xi32>
    %shift_right_arithmetic3A_1478 = arith.shrsi %add3A_1475, %shift_right_arithmetic3A_1477 : vector<16xi32>
    %and3A_1479 = arith.constant 1 : i32
    %and3A_1480 = vector.broadcast %and3A_1479 : i32 to vector<16xi32>
    %and3A_1481 = arith.andi %add3A_1475, %and3A_1480 : vector<16xi32>
    %sub3A_1482 = arith.constant 1 : i32
    %sub3A_1483 = vector.broadcast %sub3A_1482 : i32 to vector<16xi32>
    %sub3A_1484 = arith.subi %sub3A_1483, %and3A_1481 : vector<16xi32>
    %gather3A_1485 = arith.constant 0 : i32
    %gather3A_1486 = arith.constant 0 : i32
    %gather3A_1487 = arith.constant 0 : i32
    %gather3A_1488 = tpu.memref_slice %arg9[%gather3A_1485, %gather3A_1486, %gather3A_1487] : memref<2x128x128xf32, #tpu.memory_space<vmem>> -> memref<1x128x128xf32, #tpu.memory_space<vmem>>
    %gather3A_1489 = tpu.memref_squeeze %gather3A_1488 : memref<1x128x128xf32, #tpu.memory_space<vmem>> -> memref<128x128xf32, #tpu.memory_space<vmem>>
    %gather3A_1490 = tpu.vector_load_idx %gather3A_1489[%shift_right_arithmetic3A_1478, %sub3A_1484] : memref<128x128xf32, #tpu.memory_space<vmem>>[vector<16xi32>, vector<16xi32>], vector<16xf32>,
    %swap3A_1491 = arith.constant 42 : i32
    %swap3A_1492 = arith.index_cast %swap3A_1491 : i32 to index
    %swap3A_1493 = arith.constant 0 : index
    %swap3A_1494 = tpu.vector_load %arg10[%swap3A_1492, %swap3A_1493] {strides = array<i32>} : memref<64x16xf32, #tpu.memory_space<vmem>>, vector<16xf32>,
    tpu.vector_store %arg10[%swap3A_1492, %swap3A_1493], %gather3A_1490 {strides = array<i32>} : memref<64x16xf32, #tpu.memory_space<vmem>>, vector<16xf32>,
    %add3A_1495 = arith.constant 176 : i32
    %add3A_1496 = vector.broadcast %add3A_1495 : i32 to vector<16xi32>
    %add3A_1497 = arith.addi %add3A_1496, %iota3A : vector<16xi32>
    %shift_right_arithmetic3A_1498 = arith.constant 1 : i32
    %shift_right_arithmetic3A_1499 = vector.broadcast %shift_right_arithmetic3A_1498 : i32 to vector<16xi32>
    %shift_right_arithmetic3A_1500 = arith.shrsi %add3A_1497, %shift_right_arithmetic3A_1499 : vector<16xi32>
    %and3A_1501 = arith.constant 1 : i32
    %and3A_1502 = vector.broadcast %and3A_1501 : i32 to vector<16xi32>
    %and3A_1503 = arith.andi %add3A_1497, %and3A_1502 : vector<16xi32>
    %sub3A_1504 = arith.constant 1 : i32
    %sub3A_1505 = vector.broadcast %sub3A_1504 : i32 to vector<16xi32>
    %sub3A_1506 = arith.subi %sub3A_1505, %and3A_1503 : vector<16xi32>
    %gather3A_1507 = arith.constant 0 : i32
    %gather3A_1508 = arith.constant 0 : i32
    %gather3A_1509 = arith.constant 0 : i32
    %gather3A_1510 = tpu.memref_slice %arg9[%gather3A_1507, %gather3A_1508, %gather3A_1509] : memref<2x128x128xf32, #tpu.memory_space<vmem>> -> memref<1x128x128xf32, #tpu.memory_space<vmem>>
    %gather3A_1511 = tpu.memref_squeeze %gather3A_1510 : memref<1x128x128xf32, #tpu.memory_space<vmem>> -> memref<128x128xf32, #tpu.memory_space<vmem>>
    %gather3A_1512 = tpu.vector_load_idx %gather3A_1511[%shift_right_arithmetic3A_1500, %sub3A_1506] : memref<128x128xf32, #tpu.memory_space<vmem>>[vector<16xi32>, vector<16xi32>], vector<16xf32>,
    %swap3A_1513 = arith.constant 43 : i32
    %swap3A_1514 = arith.index_cast %swap3A_1513 : i32 to index
    %swap3A_1515 = arith.constant 0 : index
    %swap3A_1516 = tpu.vector_load %arg10[%swap3A_1514, %swap3A_1515] {strides = array<i32>} : memref<64x16xf32, #tpu.memory_space<vmem>>, vector<16xf32>,
    tpu.vector_store %arg10[%swap3A_1514, %swap3A_1515], %gather3A_1512 {strides = array<i32>} : memref<64x16xf32, #tpu.memory_space<vmem>>, vector<16xf32>,
    %add3A_1517 = arith.constant 192 : i32
    %add3A_1518 = vector.broadcast %add3A_1517 : i32 to vector<16xi32>
    %add3A_1519 = arith.addi %add3A_1518, %iota3A : vector<16xi32>
    %shift_right_arithmetic3A_1520 = arith.constant 1 : i32
    %shift_right_arithmetic3A_1521 = vector.broadcast %shift_right_arithmetic3A_1520 : i32 to vector<16xi32>
    %shift_right_arithmetic3A_1522 = arith.shrsi %add3A_1519, %shift_right_arithmetic3A_1521 : vector<16xi32>
    %and3A_1523 = arith.constant 1 : i32
    %and3A_1524 = vector.broadcast %and3A_1523 : i32 to vector<16xi32>
    %and3A_1525 = arith.andi %add3A_1519, %and3A_1524 : vector<16xi32>
    %sub3A_1526 = arith.constant 1 : i32
    %sub3A_1527 = vector.broadcast %sub3A_1526 : i32 to vector<16xi32>
    %sub3A_1528 = arith.subi %sub3A_1527, %and3A_1525 : vector<16xi32>
    %gather3A_1529 = arith.constant 0 : i32
    %gather3A_1530 = arith.constant 0 : i32
    %gather3A_1531 = arith.constant 0 : i32
    %gather3A_1532 = tpu.memref_slice %arg9[%gather3A_1529, %gather3A_1530, %gather3A_1531] : memref<2x128x128xf32, #tpu.memory_space<vmem>> -> memref<1x128x128xf32, #tpu.memory_space<vmem>>
    %gather3A_1533 = tpu.memref_squeeze %gather3A_1532 : memref<1x128x128xf32, #tpu.memory_space<vmem>> -> memref<128x128xf32, #tpu.memory_space<vmem>>
    %gather3A_1534 = tpu.vector_load_idx %gather3A_1533[%shift_right_arithmetic3A_1522, %sub3A_1528] : memref<128x128xf32, #tpu.memory_space<vmem>>[vector<16xi32>, vector<16xi32>], vector<16xf32>,
    %swap3A_1535 = arith.constant 44 : i32
    %swap3A_1536 = arith.index_cast %swap3A_1535 : i32 to index
    %swap3A_1537 = arith.constant 0 : index
    %swap3A_1538 = tpu.vector_load %arg10[%swap3A_1536, %swap3A_1537] {strides = array<i32>} : memref<64x16xf32, #tpu.memory_space<vmem>>, vector<16xf32>,
    tpu.vector_store %arg10[%swap3A_1536, %swap3A_1537], %gather3A_1534 {strides = array<i32>} : memref<64x16xf32, #tpu.memory_space<vmem>>, vector<16xf32>,
    %add3A_1539 = arith.constant 208 : i32
    %add3A_1540 = vector.broadcast %add3A_1539 : i32 to vector<16xi32>
    %add3A_1541 = arith.addi %add3A_1540, %iota3A : vector<16xi32>
    %shift_right_arithmetic3A_1542 = arith.constant 1 : i32
    %shift_right_arithmetic3A_1543 = vector.broadcast %shift_right_arithmetic3A_1542 : i32 to vector<16xi32>
    %shift_right_arithmetic3A_1544 = arith.shrsi %add3A_1541, %shift_right_arithmetic3A_1543 : vector<16xi32>
    %and3A_1545 = arith.constant 1 : i32
    %and3A_1546 = vector.broadcast %and3A_1545 : i32 to vector<16xi32>
    %and3A_1547 = arith.andi %add3A_1541, %and3A_1546 : vector<16xi32>
    %sub3A_1548 = arith.constant 1 : i32
    %sub3A_1549 = vector.broadcast %sub3A_1548 : i32 to vector<16xi32>
    %sub3A_1550 = arith.subi %sub3A_1549, %and3A_1547 : vector<16xi32>
    %gather3A_1551 = arith.constant 0 : i32
    %gather3A_1552 = arith.constant 0 : i32
    %gather3A_1553 = arith.constant 0 : i32
    %gather3A_1554 = tpu.memref_slice %arg9[%gather3A_1551, %gather3A_1552, %gather3A_1553] : memref<2x128x128xf32, #tpu.memory_space<vmem>> -> memref<1x128x128xf32, #tpu.memory_space<vmem>>
    %gather3A_1555 = tpu.memref_squeeze %gather3A_1554 : memref<1x128x128xf32, #tpu.memory_space<vmem>> -> memref<128x128xf32, #tpu.memory_space<vmem>>
    %gather3A_1556 = tpu.vector_load_idx %gather3A_1555[%shift_right_arithmetic3A_1544, %sub3A_1550] : memref<128x128xf32, #tpu.memory_space<vmem>>[vector<16xi32>, vector<16xi32>], vector<16xf32>,
    %swap3A_1557 = arith.constant 45 : i32
    %swap3A_1558 = arith.index_cast %swap3A_1557 : i32 to index
    %swap3A_1559 = arith.constant 0 : index
    %swap3A_1560 = tpu.vector_load %arg10[%swap3A_1558, %swap3A_1559] {strides = array<i32>} : memref<64x16xf32, #tpu.memory_space<vmem>>, vector<16xf32>,
    tpu.vector_store %arg10[%swap3A_1558, %swap3A_1559], %gather3A_1556 {strides = array<i32>} : memref<64x16xf32, #tpu.memory_space<vmem>>, vector<16xf32>,
    %add3A_1561 = arith.constant 224 : i32
    %add3A_1562 = vector.broadcast %add3A_1561 : i32 to vector<16xi32>
    %add3A_1563 = arith.addi %add3A_1562, %iota3A : vector<16xi32>
    %shift_right_arithmetic3A_1564 = arith.constant 1 : i32
    %shift_right_arithmetic3A_1565 = vector.broadcast %shift_right_arithmetic3A_1564 : i32 to vector<16xi32>
    %shift_right_arithmetic3A_1566 = arith.shrsi %add3A_1563, %shift_right_arithmetic3A_1565 : vector<16xi32>
    %and3A_1567 = arith.constant 1 : i32
    %and3A_1568 = vector.broadcast %and3A_1567 : i32 to vector<16xi32>
    %and3A_1569 = arith.andi %add3A_1563, %and3A_1568 : vector<16xi32>
    %sub3A_1570 = arith.constant 1 : i32
    %sub3A_1571 = vector.broadcast %sub3A_1570 : i32 to vector<16xi32>
    %sub3A_1572 = arith.subi %sub3A_1571, %and3A_1569 : vector<16xi32>
    %gather3A_1573 = arith.constant 0 : i32
    %gather3A_1574 = arith.constant 0 : i32
    %gather3A_1575 = arith.constant 0 : i32
    %gather3A_1576 = tpu.memref_slice %arg9[%gather3A_1573, %gather3A_1574, %gather3A_1575] : memref<2x128x128xf32, #tpu.memory_space<vmem>> -> memref<1x128x128xf32, #tpu.memory_space<vmem>>
    %gather3A_1577 = tpu.memref_squeeze %gather3A_1576 : memref<1x128x128xf32, #tpu.memory_space<vmem>> -> memref<128x128xf32, #tpu.memory_space<vmem>>
    %gather3A_1578 = tpu.vector_load_idx %gather3A_1577[%shift_right_arithmetic3A_1566, %sub3A_1572] : memref<128x128xf32, #tpu.memory_space<vmem>>[vector<16xi32>, vector<16xi32>], vector<16xf32>,
    %swap3A_1579 = arith.constant 46 : i32
    %swap3A_1580 = arith.index_cast %swap3A_1579 : i32 to index
    %swap3A_1581 = arith.constant 0 : index
    %swap3A_1582 = tpu.vector_load %arg10[%swap3A_1580, %swap3A_1581] {strides = array<i32>} : memref<64x16xf32, #tpu.memory_space<vmem>>, vector<16xf32>,
    tpu.vector_store %arg10[%swap3A_1580, %swap3A_1581], %gather3A_1578 {strides = array<i32>} : memref<64x16xf32, #tpu.memory_space<vmem>>, vector<16xf32>,
    %add3A_1583 = arith.constant 240 : i32
    %add3A_1584 = vector.broadcast %add3A_1583 : i32 to vector<16xi32>
    %add3A_1585 = arith.addi %add3A_1584, %iota3A : vector<16xi32>
    %shift_right_arithmetic3A_1586 = arith.constant 1 : i32
    %shift_right_arithmetic3A_1587 = vector.broadcast %shift_right_arithmetic3A_1586 : i32 to vector<16xi32>
    %shift_right_arithmetic3A_1588 = arith.shrsi %add3A_1585, %shift_right_arithmetic3A_1587 : vector<16xi32>
    %and3A_1589 = arith.constant 1 : i32
    %and3A_1590 = vector.broadcast %and3A_1589 : i32 to vector<16xi32>
    %and3A_1591 = arith.andi %add3A_1585, %and3A_1590 : vector<16xi32>
    %sub3A_1592 = arith.constant 1 : i32
    %sub3A_1593 = vector.broadcast %sub3A_1592 : i32 to vector<16xi32>
    %sub3A_1594 = arith.subi %sub3A_1593, %and3A_1591 : vector<16xi32>
    %gather3A_1595 = arith.constant 0 : i32
    %gather3A_1596 = arith.constant 0 : i32
    %gather3A_1597 = arith.constant 0 : i32
    %gather3A_1598 = tpu.memref_slice %arg9[%gather3A_1595, %gather3A_1596, %gather3A_1597] : memref<2x128x128xf32, #tpu.memory_space<vmem>> -> memref<1x128x128xf32, #tpu.memory_space<vmem>>
    %gather3A_1599 = tpu.memref_squeeze %gather3A_1598 : memref<1x128x128xf32, #tpu.memory_space<vmem>> -> memref<128x128xf32, #tpu.memory_space<vmem>>
    %gather3A_1600 = tpu.vector_load_idx %gather3A_1599[%shift_right_arithmetic3A_1588, %sub3A_1594] : memref<128x128xf32, #tpu.memory_space<vmem>>[vector<16xi32>, vector<16xi32>], vector<16xf32>,
    %swap3A_1601 = arith.constant 47 : i32
    %swap3A_1602 = arith.index_cast %swap3A_1601 : i32 to index
    %swap3A_1603 = arith.constant 0 : index
    %swap3A_1604 = tpu.vector_load %arg10[%swap3A_1602, %swap3A_1603] {strides = array<i32>} : memref<64x16xf32, #tpu.memory_space<vmem>>, vector<16xf32>,
    tpu.vector_store %arg10[%swap3A_1602, %swap3A_1603], %gather3A_1600 {strides = array<i32>} : memref<64x16xf32, #tpu.memory_space<vmem>>, vector<16xf32>,
    %dma_wait3A_1605 = arith.constant 1 : i32
    %dma_wait3A_1606 = arith.constant 1 : i32
    %dma_wait3A_1607 = arith.constant 0 : i32
    %dma_wait3A_1608 = arith.constant 0 : i32
    %dma_wait3A_1609 = tpu.memref_slice %arg9[%dma_wait3A_1605, %dma_wait3A_1607, %dma_wait3A_1608] : memref<2x128x128xf32, #tpu.memory_space<vmem>> -> memref<1x128x128xf32, #tpu.memory_space<vmem>>
    %dma_wait3A_1610 = tpu.memref_squeeze %dma_wait3A_1609 : memref<1x128x128xf32, #tpu.memory_space<vmem>> -> memref<128x128xf32, #tpu.memory_space<vmem>>
    %dma_wait3A_1611 = arith.constant 0 : i32
    %dma_wait3A_1612 = tpu.memref_slice %arg3[%add3A_1220, %dma_wait3A_1611] : memref<16384x2048xf32, #tpu.memory_space<hbm>> -> memref<128x128xf32, #tpu.memory_space<hbm>>
    %dma_wait3A_1613 = tpu.memref_slice %arg12[%dma_wait3A_1606] : memref<2x!tpu.dma_semaphore, #tpu.memory_space<semaphore_mem>> -> memref<1x!tpu.dma_semaphore, #tpu.memory_space<semaphore_mem>>
    %dma_wait3A_1614 = tpu.memref_squeeze %dma_wait3A_1613 : memref<1x!tpu.dma_semaphore, #tpu.memory_space<semaphore_mem>> -> memref<!tpu.dma_semaphore, #tpu.memory_space<semaphore_mem>>
    %dma_wait3A_1615 = arith.constant 0 : i32
    %dma_wait3A_1616 = arith.constant 0 : i32
    %dma_wait3A_1617 = tpu.memref_slice %arg9[%dma_wait3A_1605, %dma_wait3A_1615, %dma_wait3A_1616] : memref<2x128x128xf32, #tpu.memory_space<vmem>> -> memref<1x128x128xf32, #tpu.memory_space<vmem>>
    %dma_wait3A_1618 = tpu.memref_squeeze %dma_wait3A_1617 : memref<1x128x128xf32, #tpu.memory_space<vmem>> -> memref<128x128xf32, #tpu.memory_space<vmem>>
    %dma_wait3A_1619 = arith.constant 0 : i32
    %dma_wait3A_1620 = tpu.memref_slice %arg3[%add3A_1220, %dma_wait3A_1619] : memref<16384x2048xf32, #tpu.memory_space<hbm>> -> memref<128x128xf32, #tpu.memory_space<hbm>>
    tpu.wait_dma2 semaphore(%dma_wait3A_1614 : memref<!tpu.dma_semaphore, #tpu.memory_space<semaphore_mem>>) src(%dma_wait3A_1620 : memref<128x128xf32, #tpu.memory_space<hbm>>) dst(%dma_wait3A_1618 : memref<128x128xf32, #tpu.memory_space<vmem>>)
    %add3A_1621 = arith.constant 0 : i32
    %add3A_1622 = vector.broadcast %add3A_1621 : i32 to vector<16xi32>
    %add3A_1623 = arith.addi %add3A_1622, %iota3A : vector<16xi32>
    %shift_right_arithmetic3A_1624 = arith.constant 1 : i32
    %shift_right_arithmetic3A_1625 = vector.broadcast %shift_right_arithmetic3A_1624 : i32 to vector<16xi32>
    %shift_right_arithmetic3A_1626 = arith.shrsi %add3A_1623, %shift_right_arithmetic3A_1625 : vector<16xi32>
    %and3A_1627 = arith.constant 1 : i32
    %and3A_1628 = vector.broadcast %and3A_1627 : i32 to vector<16xi32>
    %and3A_1629 = arith.andi %add3A_1623, %and3A_1628 : vector<16xi32>
    %sub3A_1630 = arith.constant 1 : i32
    %sub3A_1631 = vector.broadcast %sub3A_1630 : i32 to vector<16xi32>
    %sub3A_1632 = arith.subi %sub3A_1631, %and3A_1629 : vector<16xi32>
    %gather3A_1633 = arith.constant 1 : i32
    %gather3A_1634 = arith.constant 0 : i32
    %gather3A_1635 = arith.constant 0 : i32
    %gather3A_1636 = tpu.memref_slice %arg9[%gather3A_1633, %gather3A_1634, %gather3A_1635] : memref<2x128x128xf32, #tpu.memory_space<vmem>> -> memref<1x128x128xf32, #tpu.memory_space<vmem>>
    %gather3A_1637 = tpu.memref_squeeze %gather3A_1636 : memref<1x128x128xf32, #tpu.memory_space<vmem>> -> memref<128x128xf32, #tpu.memory_space<vmem>>
    %gather3A_1638 = tpu.vector_load_idx %gather3A_1637[%shift_right_arithmetic3A_1626, %sub3A_1632] : memref<128x128xf32, #tpu.memory_space<vmem>>[vector<16xi32>, vector<16xi32>], vector<16xf32>,
    %swap3A_1639 = arith.constant 48 : i32
    %swap3A_1640 = arith.index_cast %swap3A_1639 : i32 to index
    %swap3A_1641 = arith.constant 0 : index
    %swap3A_1642 = tpu.vector_load %arg10[%swap3A_1640, %swap3A_1641] {strides = array<i32>} : memref<64x16xf32, #tpu.memory_space<vmem>>, vector<16xf32>,
    tpu.vector_store %arg10[%swap3A_1640, %swap3A_1641], %gather3A_1638 {strides = array<i32>} : memref<64x16xf32, #tpu.memory_space<vmem>>, vector<16xf32>,
    %add3A_1643 = arith.constant 16 : i32
    %add3A_1644 = vector.broadcast %add3A_1643 : i32 to vector<16xi32>
    %add3A_1645 = arith.addi %add3A_1644, %iota3A : vector<16xi32>
    %shift_right_arithmetic3A_1646 = arith.constant 1 : i32
    %shift_right_arithmetic3A_1647 = vector.broadcast %shift_right_arithmetic3A_1646 : i32 to vector<16xi32>
    %shift_right_arithmetic3A_1648 = arith.shrsi %add3A_1645, %shift_right_arithmetic3A_1647 : vector<16xi32>
    %and3A_1649 = arith.constant 1 : i32
    %and3A_1650 = vector.broadcast %and3A_1649 : i32 to vector<16xi32>
    %and3A_1651 = arith.andi %add3A_1645, %and3A_1650 : vector<16xi32>
    %sub3A_1652 = arith.constant 1 : i32
    %sub3A_1653 = vector.broadcast %sub3A_1652 : i32 to vector<16xi32>
    %sub3A_1654 = arith.subi %sub3A_1653, %and3A_1651 : vector<16xi32>
    %gather3A_1655 = arith.constant 1 : i32
    %gather3A_1656 = arith.constant 0 : i32
    %gather3A_1657 = arith.constant 0 : i32
    %gather3A_1658 = tpu.memref_slice %arg9[%gather3A_1655, %gather3A_1656, %gather3A_1657] : memref<2x128x128xf32, #tpu.memory_space<vmem>> -> memref<1x128x128xf32, #tpu.memory_space<vmem>>
    %gather3A_1659 = tpu.memref_squeeze %gather3A_1658 : memref<1x128x128xf32, #tpu.memory_space<vmem>> -> memref<128x128xf32, #tpu.memory_space<vmem>>
    %gather3A_1660 = tpu.vector_load_idx %gather3A_1659[%shift_right_arithmetic3A_1648, %sub3A_1654] : memref<128x128xf32, #tpu.memory_space<vmem>>[vector<16xi32>, vector<16xi32>], vector<16xf32>,
    %swap3A_1661 = arith.constant 49 : i32
    %swap3A_1662 = arith.index_cast %swap3A_1661 : i32 to index
    %swap3A_1663 = arith.constant 0 : index
    %swap3A_1664 = tpu.vector_load %arg10[%swap3A_1662, %swap3A_1663] {strides = array<i32>} : memref<64x16xf32, #tpu.memory_space<vmem>>, vector<16xf32>,
    tpu.vector_store %arg10[%swap3A_1662, %swap3A_1663], %gather3A_1660 {strides = array<i32>} : memref<64x16xf32, #tpu.memory_space<vmem>>, vector<16xf32>,
    %add3A_1665 = arith.constant 32 : i32
    %add3A_1666 = vector.broadcast %add3A_1665 : i32 to vector<16xi32>
    %add3A_1667 = arith.addi %add3A_1666, %iota3A : vector<16xi32>
    %shift_right_arithmetic3A_1668 = arith.constant 1 : i32
    %shift_right_arithmetic3A_1669 = vector.broadcast %shift_right_arithmetic3A_1668 : i32 to vector<16xi32>
    %shift_right_arithmetic3A_1670 = arith.shrsi %add3A_1667, %shift_right_arithmetic3A_1669 : vector<16xi32>
    %and3A_1671 = arith.constant 1 : i32
    %and3A_1672 = vector.broadcast %and3A_1671 : i32 to vector<16xi32>
    %and3A_1673 = arith.andi %add3A_1667, %and3A_1672 : vector<16xi32>
    %sub3A_1674 = arith.constant 1 : i32
    %sub3A_1675 = vector.broadcast %sub3A_1674 : i32 to vector<16xi32>
    %sub3A_1676 = arith.subi %sub3A_1675, %and3A_1673 : vector<16xi32>
    %gather3A_1677 = arith.constant 1 : i32
    %gather3A_1678 = arith.constant 0 : i32
    %gather3A_1679 = arith.constant 0 : i32
    %gather3A_1680 = tpu.memref_slice %arg9[%gather3A_1677, %gather3A_1678, %gather3A_1679] : memref<2x128x128xf32, #tpu.memory_space<vmem>> -> memref<1x128x128xf32, #tpu.memory_space<vmem>>
    %gather3A_1681 = tpu.memref_squeeze %gather3A_1680 : memref<1x128x128xf32, #tpu.memory_space<vmem>> -> memref<128x128xf32, #tpu.memory_space<vmem>>
    %gather3A_1682 = tpu.vector_load_idx %gather3A_1681[%shift_right_arithmetic3A_1670, %sub3A_1676] : memref<128x128xf32, #tpu.memory_space<vmem>>[vector<16xi32>, vector<16xi32>], vector<16xf32>,
    %swap3A_1683 = arith.constant 50 : i32
    %swap3A_1684 = arith.index_cast %swap3A_1683 : i32 to index
    %swap3A_1685 = arith.constant 0 : index
    %swap3A_1686 = tpu.vector_load %arg10[%swap3A_1684, %swap3A_1685] {strides = array<i32>} : memref<64x16xf32, #tpu.memory_space<vmem>>, vector<16xf32>,
    tpu.vector_store %arg10[%swap3A_1684, %swap3A_1685], %gather3A_1682 {strides = array<i32>} : memref<64x16xf32, #tpu.memory_space<vmem>>, vector<16xf32>,
    %add3A_1687 = arith.constant 48 : i32
    %add3A_1688 = vector.broadcast %add3A_1687 : i32 to vector<16xi32>
    %add3A_1689 = arith.addi %add3A_1688, %iota3A : vector<16xi32>
    %shift_right_arithmetic3A_1690 = arith.constant 1 : i32
    %shift_right_arithmetic3A_1691 = vector.broadcast %shift_right_arithmetic3A_1690 : i32 to vector<16xi32>
    %shift_right_arithmetic3A_1692 = arith.shrsi %add3A_1689, %shift_right_arithmetic3A_1691 : vector<16xi32>
    %and3A_1693 = arith.constant 1 : i32
    %and3A_1694 = vector.broadcast %and3A_1693 : i32 to vector<16xi32>
    %and3A_1695 = arith.andi %add3A_1689, %and3A_1694 : vector<16xi32>
    %sub3A_1696 = arith.constant 1 : i32
    %sub3A_1697 = vector.broadcast %sub3A_1696 : i32 to vector<16xi32>
    %sub3A_1698 = arith.subi %sub3A_1697, %and3A_1695 : vector<16xi32>
    %gather3A_1699 = arith.constant 1 : i32
    %gather3A_1700 = arith.constant 0 : i32
    %gather3A_1701 = arith.constant 0 : i32
    %gather3A_1702 = tpu.memref_slice %arg9[%gather3A_1699, %gather3A_1700, %gather3A_1701] : memref<2x128x128xf32, #tpu.memory_space<vmem>> -> memref<1x128x128xf32, #tpu.memory_space<vmem>>
    %gather3A_1703 = tpu.memref_squeeze %gather3A_1702 : memref<1x128x128xf32, #tpu.memory_space<vmem>> -> memref<128x128xf32, #tpu.memory_space<vmem>>
    %gather3A_1704 = tpu.vector_load_idx %gather3A_1703[%shift_right_arithmetic3A_1692, %sub3A_1698] : memref<128x128xf32, #tpu.memory_space<vmem>>[vector<16xi32>, vector<16xi32>], vector<16xf32>,
    %swap3A_1705 = arith.constant 51 : i32
    %swap3A_1706 = arith.index_cast %swap3A_1705 : i32 to index
    %swap3A_1707 = arith.constant 0 : index
    %swap3A_1708 = tpu.vector_load %arg10[%swap3A_1706, %swap3A_1707] {strides = array<i32>} : memref<64x16xf32, #tpu.memory_space<vmem>>, vector<16xf32>,
    tpu.vector_store %arg10[%swap3A_1706, %swap3A_1707], %gather3A_1704 {strides = array<i32>} : memref<64x16xf32, #tpu.memory_space<vmem>>, vector<16xf32>,
    %add3A_1709 = arith.constant 64 : i32
    %add3A_1710 = vector.broadcast %add3A_1709 : i32 to vector<16xi32>
    %add3A_1711 = arith.addi %add3A_1710, %iota3A : vector<16xi32>
    %shift_right_arithmetic3A_1712 = arith.constant 1 : i32
    %shift_right_arithmetic3A_1713 = vector.broadcast %shift_right_arithmetic3A_1712 : i32 to vector<16xi32>
    %shift_right_arithmetic3A_1714 = arith.shrsi %add3A_1711, %shift_right_arithmetic3A_1713 : vector<16xi32>
    %and3A_1715 = arith.constant 1 : i32
    %and3A_1716 = vector.broadcast %and3A_1715 : i32 to vector<16xi32>
    %and3A_1717 = arith.andi %add3A_1711, %and3A_1716 : vector<16xi32>
    %sub3A_1718 = arith.constant 1 : i32
    %sub3A_1719 = vector.broadcast %sub3A_1718 : i32 to vector<16xi32>
    %sub3A_1720 = arith.subi %sub3A_1719, %and3A_1717 : vector<16xi32>
    %gather3A_1721 = arith.constant 1 : i32
    %gather3A_1722 = arith.constant 0 : i32
    %gather3A_1723 = arith.constant 0 : i32
    %gather3A_1724 = tpu.memref_slice %arg9[%gather3A_1721, %gather3A_1722, %gather3A_1723] : memref<2x128x128xf32, #tpu.memory_space<vmem>> -> memref<1x128x128xf32, #tpu.memory_space<vmem>>
    %gather3A_1725 = tpu.memref_squeeze %gather3A_1724 : memref<1x128x128xf32, #tpu.memory_space<vmem>> -> memref<128x128xf32, #tpu.memory_space<vmem>>
    %gather3A_1726 = tpu.vector_load_idx %gather3A_1725[%shift_right_arithmetic3A_1714, %sub3A_1720] : memref<128x128xf32, #tpu.memory_space<vmem>>[vector<16xi32>, vector<16xi32>], vector<16xf32>,
    %swap3A_1727 = arith.constant 52 : i32
    %swap3A_1728 = arith.index_cast %swap3A_1727 : i32 to index
    %swap3A_1729 = arith.constant 0 : index
    %swap3A_1730 = tpu.vector_load %arg10[%swap3A_1728, %swap3A_1729] {strides = array<i32>} : memref<64x16xf32, #tpu.memory_space<vmem>>, vector<16xf32>,
    tpu.vector_store %arg10[%swap3A_1728, %swap3A_1729], %gather3A_1726 {strides = array<i32>} : memref<64x16xf32, #tpu.memory_space<vmem>>, vector<16xf32>,
    %add3A_1731 = arith.constant 80 : i32
    %add3A_1732 = vector.broadcast %add3A_1731 : i32 to vector<16xi32>
    %add3A_1733 = arith.addi %add3A_1732, %iota3A : vector<16xi32>
    %shift_right_arithmetic3A_1734 = arith.constant 1 : i32
    %shift_right_arithmetic3A_1735 = vector.broadcast %shift_right_arithmetic3A_1734 : i32 to vector<16xi32>
    %shift_right_arithmetic3A_1736 = arith.shrsi %add3A_1733, %shift_right_arithmetic3A_1735 : vector<16xi32>
    %and3A_1737 = arith.constant 1 : i32
    %and3A_1738 = vector.broadcast %and3A_1737 : i32 to vector<16xi32>
    %and3A_1739 = arith.andi %add3A_1733, %and3A_1738 : vector<16xi32>
    %sub3A_1740 = arith.constant 1 : i32
    %sub3A_1741 = vector.broadcast %sub3A_1740 : i32 to vector<16xi32>
    %sub3A_1742 = arith.subi %sub3A_1741, %and3A_1739 : vector<16xi32>
    %gather3A_1743 = arith.constant 1 : i32
    %gather3A_1744 = arith.constant 0 : i32
    %gather3A_1745 = arith.constant 0 : i32
    %gather3A_1746 = tpu.memref_slice %arg9[%gather3A_1743, %gather3A_1744, %gather3A_1745] : memref<2x128x128xf32, #tpu.memory_space<vmem>> -> memref<1x128x128xf32, #tpu.memory_space<vmem>>
    %gather3A_1747 = tpu.memref_squeeze %gather3A_1746 : memref<1x128x128xf32, #tpu.memory_space<vmem>> -> memref<128x128xf32, #tpu.memory_space<vmem>>
    %gather3A_1748 = tpu.vector_load_idx %gather3A_1747[%shift_right_arithmetic3A_1736, %sub3A_1742] : memref<128x128xf32, #tpu.memory_space<vmem>>[vector<16xi32>, vector<16xi32>], vector<16xf32>,
    %swap3A_1749 = arith.constant 53 : i32
    %swap3A_1750 = arith.index_cast %swap3A_1749 : i32 to index
    %swap3A_1751 = arith.constant 0 : index
    %swap3A_1752 = tpu.vector_load %arg10[%swap3A_1750, %swap3A_1751] {strides = array<i32>} : memref<64x16xf32, #tpu.memory_space<vmem>>, vector<16xf32>,
    tpu.vector_store %arg10[%swap3A_1750, %swap3A_1751], %gather3A_1748 {strides = array<i32>} : memref<64x16xf32, #tpu.memory_space<vmem>>, vector<16xf32>,
    %add3A_1753 = arith.constant 96 : i32
    %add3A_1754 = vector.broadcast %add3A_1753 : i32 to vector<16xi32>
    %add3A_1755 = arith.addi %add3A_1754, %iota3A : vector<16xi32>
    %shift_right_arithmetic3A_1756 = arith.constant 1 : i32
    %shift_right_arithmetic3A_1757 = vector.broadcast %shift_right_arithmetic3A_1756 : i32 to vector<16xi32>
    %shift_right_arithmetic3A_1758 = arith.shrsi %add3A_1755, %shift_right_arithmetic3A_1757 : vector<16xi32>
    %and3A_1759 = arith.constant 1 : i32
    %and3A_1760 = vector.broadcast %and3A_1759 : i32 to vector<16xi32>
    %and3A_1761 = arith.andi %add3A_1755, %and3A_1760 : vector<16xi32>
    %sub3A_1762 = arith.constant 1 : i32
    %sub3A_1763 = vector.broadcast %sub3A_1762 : i32 to vector<16xi32>
    %sub3A_1764 = arith.subi %sub3A_1763, %and3A_1761 : vector<16xi32>
    %gather3A_1765 = arith.constant 1 : i32
    %gather3A_1766 = arith.constant 0 : i32
    %gather3A_1767 = arith.constant 0 : i32
    %gather3A_1768 = tpu.memref_slice %arg9[%gather3A_1765, %gather3A_1766, %gather3A_1767] : memref<2x128x128xf32, #tpu.memory_space<vmem>> -> memref<1x128x128xf32, #tpu.memory_space<vmem>>
    %gather3A_1769 = tpu.memref_squeeze %gather3A_1768 : memref<1x128x128xf32, #tpu.memory_space<vmem>> -> memref<128x128xf32, #tpu.memory_space<vmem>>
    %gather3A_1770 = tpu.vector_load_idx %gather3A_1769[%shift_right_arithmetic3A_1758, %sub3A_1764] : memref<128x128xf32, #tpu.memory_space<vmem>>[vector<16xi32>, vector<16xi32>], vector<16xf32>,
    %swap3A_1771 = arith.constant 54 : i32
    %swap3A_1772 = arith.index_cast %swap3A_1771 : i32 to index
    %swap3A_1773 = arith.constant 0 : index
    %swap3A_1774 = tpu.vector_load %arg10[%swap3A_1772, %swap3A_1773] {strides = array<i32>} : memref<64x16xf32, #tpu.memory_space<vmem>>, vector<16xf32>,
    tpu.vector_store %arg10[%swap3A_1772, %swap3A_1773], %gather3A_1770 {strides = array<i32>} : memref<64x16xf32, #tpu.memory_space<vmem>>, vector<16xf32>,
    %add3A_1775 = arith.constant 112 : i32
    %add3A_1776 = vector.broadcast %add3A_1775 : i32 to vector<16xi32>
    %add3A_1777 = arith.addi %add3A_1776, %iota3A : vector<16xi32>
    %shift_right_arithmetic3A_1778 = arith.constant 1 : i32
    %shift_right_arithmetic3A_1779 = vector.broadcast %shift_right_arithmetic3A_1778 : i32 to vector<16xi32>
    %shift_right_arithmetic3A_1780 = arith.shrsi %add3A_1777, %shift_right_arithmetic3A_1779 : vector<16xi32>
    %and3A_1781 = arith.constant 1 : i32
    %and3A_1782 = vector.broadcast %and3A_1781 : i32 to vector<16xi32>
    %and3A_1783 = arith.andi %add3A_1777, %and3A_1782 : vector<16xi32>
    %sub3A_1784 = arith.constant 1 : i32
    %sub3A_1785 = vector.broadcast %sub3A_1784 : i32 to vector<16xi32>
    %sub3A_1786 = arith.subi %sub3A_1785, %and3A_1783 : vector<16xi32>
    %gather3A_1787 = arith.constant 1 : i32
    %gather3A_1788 = arith.constant 0 : i32
    %gather3A_1789 = arith.constant 0 : i32
    %gather3A_1790 = tpu.memref_slice %arg9[%gather3A_1787, %gather3A_1788, %gather3A_1789] : memref<2x128x128xf32, #tpu.memory_space<vmem>> -> memref<1x128x128xf32, #tpu.memory_space<vmem>>
    %gather3A_1791 = tpu.memref_squeeze %gather3A_1790 : memref<1x128x128xf32, #tpu.memory_space<vmem>> -> memref<128x128xf32, #tpu.memory_space<vmem>>
    %gather3A_1792 = tpu.vector_load_idx %gather3A_1791[%shift_right_arithmetic3A_1780, %sub3A_1786] : memref<128x128xf32, #tpu.memory_space<vmem>>[vector<16xi32>, vector<16xi32>], vector<16xf32>,
    %swap3A_1793 = arith.constant 55 : i32
    %swap3A_1794 = arith.index_cast %swap3A_1793 : i32 to index
    %swap3A_1795 = arith.constant 0 : index
    %swap3A_1796 = tpu.vector_load %arg10[%swap3A_1794, %swap3A_1795] {strides = array<i32>} : memref<64x16xf32, #tpu.memory_space<vmem>>, vector<16xf32>,
    tpu.vector_store %arg10[%swap3A_1794, %swap3A_1795], %gather3A_1792 {strides = array<i32>} : memref<64x16xf32, #tpu.memory_space<vmem>>, vector<16xf32>,
    %add3A_1797 = arith.constant 128 : i32
    %add3A_1798 = vector.broadcast %add3A_1797 : i32 to vector<16xi32>
    %add3A_1799 = arith.addi %add3A_1798, %iota3A : vector<16xi32>
    %shift_right_arithmetic3A_1800 = arith.constant 1 : i32
    %shift_right_arithmetic3A_1801 = vector.broadcast %shift_right_arithmetic3A_1800 : i32 to vector<16xi32>
    %shift_right_arithmetic3A_1802 = arith.shrsi %add3A_1799, %shift_right_arithmetic3A_1801 : vector<16xi32>
    %and3A_1803 = arith.constant 1 : i32
    %and3A_1804 = vector.broadcast %and3A_1803 : i32 to vector<16xi32>
    %and3A_1805 = arith.andi %add3A_1799, %and3A_1804 : vector<16xi32>
    %sub3A_1806 = arith.constant 1 : i32
    %sub3A_1807 = vector.broadcast %sub3A_1806 : i32 to vector<16xi32>
    %sub3A_1808 = arith.subi %sub3A_1807, %and3A_1805 : vector<16xi32>
    %gather3A_1809 = arith.constant 1 : i32
    %gather3A_1810 = arith.constant 0 : i32
    %gather3A_1811 = arith.constant 0 : i32
    %gather3A_1812 = tpu.memref_slice %arg9[%gather3A_1809, %gather3A_1810, %gather3A_1811] : memref<2x128x128xf32, #tpu.memory_space<vmem>> -> memref<1x128x128xf32, #tpu.memory_space<vmem>>
    %gather3A_1813 = tpu.memref_squeeze %gather3A_1812 : memref<1x128x128xf32, #tpu.memory_space<vmem>> -> memref<128x128xf32, #tpu.memory_space<vmem>>
    %gather3A_1814 = tpu.vector_load_idx %gather3A_1813[%shift_right_arithmetic3A_1802, %sub3A_1808] : memref<128x128xf32, #tpu.memory_space<vmem>>[vector<16xi32>, vector<16xi32>], vector<16xf32>,
    %swap3A_1815 = arith.constant 56 : i32
    %swap3A_1816 = arith.index_cast %swap3A_1815 : i32 to index
    %swap3A_1817 = arith.constant 0 : index
    %swap3A_1818 = tpu.vector_load %arg10[%swap3A_1816, %swap3A_1817] {strides = array<i32>} : memref<64x16xf32, #tpu.memory_space<vmem>>, vector<16xf32>,
    tpu.vector_store %arg10[%swap3A_1816, %swap3A_1817], %gather3A_1814 {strides = array<i32>} : memref<64x16xf32, #tpu.memory_space<vmem>>, vector<16xf32>,
    %add3A_1819 = arith.constant 144 : i32
    %add3A_1820 = vector.broadcast %add3A_1819 : i32 to vector<16xi32>
    %add3A_1821 = arith.addi %add3A_1820, %iota3A : vector<16xi32>
    %shift_right_arithmetic3A_1822 = arith.constant 1 : i32
    %shift_right_arithmetic3A_1823 = vector.broadcast %shift_right_arithmetic3A_1822 : i32 to vector<16xi32>
    %shift_right_arithmetic3A_1824 = arith.shrsi %add3A_1821, %shift_right_arithmetic3A_1823 : vector<16xi32>
    %and3A_1825 = arith.constant 1 : i32
    %and3A_1826 = vector.broadcast %and3A_1825 : i32 to vector<16xi32>
    %and3A_1827 = arith.andi %add3A_1821, %and3A_1826 : vector<16xi32>
    %sub3A_1828 = arith.constant 1 : i32
    %sub3A_1829 = vector.broadcast %sub3A_1828 : i32 to vector<16xi32>
    %sub3A_1830 = arith.subi %sub3A_1829, %and3A_1827 : vector<16xi32>
    %gather3A_1831 = arith.constant 1 : i32
    %gather3A_1832 = arith.constant 0 : i32
    %gather3A_1833 = arith.constant 0 : i32
    %gather3A_1834 = tpu.memref_slice %arg9[%gather3A_1831, %gather3A_1832, %gather3A_1833] : memref<2x128x128xf32, #tpu.memory_space<vmem>> -> memref<1x128x128xf32, #tpu.memory_space<vmem>>
    %gather3A_1835 = tpu.memref_squeeze %gather3A_1834 : memref<1x128x128xf32, #tpu.memory_space<vmem>> -> memref<128x128xf32, #tpu.memory_space<vmem>>
    %gather3A_1836 = tpu.vector_load_idx %gather3A_1835[%shift_right_arithmetic3A_1824, %sub3A_1830] : memref<128x128xf32, #tpu.memory_space<vmem>>[vector<16xi32>, vector<16xi32>], vector<16xf32>,
    %swap3A_1837 = arith.constant 57 : i32
    %swap3A_1838 = arith.index_cast %swap3A_1837 : i32 to index
    %swap3A_1839 = arith.constant 0 : index
    %swap3A_1840 = tpu.vector_load %arg10[%swap3A_1838, %swap3A_1839] {strides = array<i32>} : memref<64x16xf32, #tpu.memory_space<vmem>>, vector<16xf32>,
    tpu.vector_store %arg10[%swap3A_1838, %swap3A_1839], %gather3A_1836 {strides = array<i32>} : memref<64x16xf32, #tpu.memory_space<vmem>>, vector<16xf32>,
    %add3A_1841 = arith.constant 160 : i32
    %add3A_1842 = vector.broadcast %add3A_1841 : i32 to vector<16xi32>
    %add3A_1843 = arith.addi %add3A_1842, %iota3A : vector<16xi32>
    %shift_right_arithmetic3A_1844 = arith.constant 1 : i32
    %shift_right_arithmetic3A_1845 = vector.broadcast %shift_right_arithmetic3A_1844 : i32 to vector<16xi32>
    %shift_right_arithmetic3A_1846 = arith.shrsi %add3A_1843, %shift_right_arithmetic3A_1845 : vector<16xi32>
    %and3A_1847 = arith.constant 1 : i32
    %and3A_1848 = vector.broadcast %and3A_1847 : i32 to vector<16xi32>
    %and3A_1849 = arith.andi %add3A_1843, %and3A_1848 : vector<16xi32>
    %sub3A_1850 = arith.constant 1 : i32
    %sub3A_1851 = vector.broadcast %sub3A_1850 : i32 to vector<16xi32>
    %sub3A_1852 = arith.subi %sub3A_1851, %and3A_1849 : vector<16xi32>
    %gather3A_1853 = arith.constant 1 : i32
    %gather3A_1854 = arith.constant 0 : i32
    %gather3A_1855 = arith.constant 0 : i32
    %gather3A_1856 = tpu.memref_slice %arg9[%gather3A_1853, %gather3A_1854, %gather3A_1855] : memref<2x128x128xf32, #tpu.memory_space<vmem>> -> memref<1x128x128xf32, #tpu.memory_space<vmem>>
    %gather3A_1857 = tpu.memref_squeeze %gather3A_1856 : memref<1x128x128xf32, #tpu.memory_space<vmem>> -> memref<128x128xf32, #tpu.memory_space<vmem>>
    %gather3A_1858 = tpu.vector_load_idx %gather3A_1857[%shift_right_arithmetic3A_1846, %sub3A_1852] : memref<128x128xf32, #tpu.memory_space<vmem>>[vector<16xi32>, vector<16xi32>], vector<16xf32>,
    %swap3A_1859 = arith.constant 58 : i32
    %swap3A_1860 = arith.index_cast %swap3A_1859 : i32 to index
    %swap3A_1861 = arith.constant 0 : index
    %swap3A_1862 = tpu.vector_load %arg10[%swap3A_1860, %swap3A_1861] {strides = array<i32>} : memref<64x16xf32, #tpu.memory_space<vmem>>, vector<16xf32>,
    tpu.vector_store %arg10[%swap3A_1860, %swap3A_1861], %gather3A_1858 {strides = array<i32>} : memref<64x16xf32, #tpu.memory_space<vmem>>, vector<16xf32>,
    %add3A_1863 = arith.constant 176 : i32
    %add3A_1864 = vector.broadcast %add3A_1863 : i32 to vector<16xi32>
    %add3A_1865 = arith.addi %add3A_1864, %iota3A : vector<16xi32>
    %shift_right_arithmetic3A_1866 = arith.constant 1 : i32
    %shift_right_arithmetic3A_1867 = vector.broadcast %shift_right_arithmetic3A_1866 : i32 to vector<16xi32>
    %shift_right_arithmetic3A_1868 = arith.shrsi %add3A_1865, %shift_right_arithmetic3A_1867 : vector<16xi32>
    %and3A_1869 = arith.constant 1 : i32
    %and3A_1870 = vector.broadcast %and3A_1869 : i32 to vector<16xi32>
    %and3A_1871 = arith.andi %add3A_1865, %and3A_1870 : vector<16xi32>
    %sub3A_1872 = arith.constant 1 : i32
    %sub3A_1873 = vector.broadcast %sub3A_1872 : i32 to vector<16xi32>
    %sub3A_1874 = arith.subi %sub3A_1873, %and3A_1871 : vector<16xi32>
    %gather3A_1875 = arith.constant 1 : i32
    %gather3A_1876 = arith.constant 0 : i32
    %gather3A_1877 = arith.constant 0 : i32
    %gather3A_1878 = tpu.memref_slice %arg9[%gather3A_1875, %gather3A_1876, %gather3A_1877] : memref<2x128x128xf32, #tpu.memory_space<vmem>> -> memref<1x128x128xf32, #tpu.memory_space<vmem>>
    %gather3A_1879 = tpu.memref_squeeze %gather3A_1878 : memref<1x128x128xf32, #tpu.memory_space<vmem>> -> memref<128x128xf32, #tpu.memory_space<vmem>>
    %gather3A_1880 = tpu.vector_load_idx %gather3A_1879[%shift_right_arithmetic3A_1868, %sub3A_1874] : memref<128x128xf32, #tpu.memory_space<vmem>>[vector<16xi32>, vector<16xi32>], vector<16xf32>,
    %swap3A_1881 = arith.constant 59 : i32
    %swap3A_1882 = arith.index_cast %swap3A_1881 : i32 to index
    %swap3A_1883 = arith.constant 0 : index
    %swap3A_1884 = tpu.vector_load %arg10[%swap3A_1882, %swap3A_1883] {strides = array<i32>} : memref<64x16xf32, #tpu.memory_space<vmem>>, vector<16xf32>,
    tpu.vector_store %arg10[%swap3A_1882, %swap3A_1883], %gather3A_1880 {strides = array<i32>} : memref<64x16xf32, #tpu.memory_space<vmem>>, vector<16xf32>,
    %add3A_1885 = arith.constant 192 : i32
    %add3A_1886 = vector.broadcast %add3A_1885 : i32 to vector<16xi32>
    %add3A_1887 = arith.addi %add3A_1886, %iota3A : vector<16xi32>
    %shift_right_arithmetic3A_1888 = arith.constant 1 : i32
    %shift_right_arithmetic3A_1889 = vector.broadcast %shift_right_arithmetic3A_1888 : i32 to vector<16xi32>
    %shift_right_arithmetic3A_1890 = arith.shrsi %add3A_1887, %shift_right_arithmetic3A_1889 : vector<16xi32>
    %and3A_1891 = arith.constant 1 : i32
    %and3A_1892 = vector.broadcast %and3A_1891 : i32 to vector<16xi32>
    %and3A_1893 = arith.andi %add3A_1887, %and3A_1892 : vector<16xi32>
    %sub3A_1894 = arith.constant 1 : i32
    %sub3A_1895 = vector.broadcast %sub3A_1894 : i32 to vector<16xi32>
    %sub3A_1896 = arith.subi %sub3A_1895, %and3A_1893 : vector<16xi32>
    %gather3A_1897 = arith.constant 1 : i32
    %gather3A_1898 = arith.constant 0 : i32
    %gather3A_1899 = arith.constant 0 : i32
    %gather3A_1900 = tpu.memref_slice %arg9[%gather3A_1897, %gather3A_1898, %gather3A_1899] : memref<2x128x128xf32, #tpu.memory_space<vmem>> -> memref<1x128x128xf32, #tpu.memory_space<vmem>>
    %gather3A_1901 = tpu.memref_squeeze %gather3A_1900 : memref<1x128x128xf32, #tpu.memory_space<vmem>> -> memref<128x128xf32, #tpu.memory_space<vmem>>
    %gather3A_1902 = tpu.vector_load_idx %gather3A_1901[%shift_right_arithmetic3A_1890, %sub3A_1896] : memref<128x128xf32, #tpu.memory_space<vmem>>[vector<16xi32>, vector<16xi32>], vector<16xf32>,
    %swap3A_1903 = arith.constant 60 : i32
    %swap3A_1904 = arith.index_cast %swap3A_1903 : i32 to index
    %swap3A_1905 = arith.constant 0 : index
    %swap3A_1906 = tpu.vector_load %arg10[%swap3A_1904, %swap3A_1905] {strides = array<i32>} : memref<64x16xf32, #tpu.memory_space<vmem>>, vector<16xf32>,
    tpu.vector_store %arg10[%swap3A_1904, %swap3A_1905], %gather3A_1902 {strides = array<i32>} : memref<64x16xf32, #tpu.memory_space<vmem>>, vector<16xf32>,
    %add3A_1907 = arith.constant 208 : i32
    %add3A_1908 = vector.broadcast %add3A_1907 : i32 to vector<16xi32>
    %add3A_1909 = arith.addi %add3A_1908, %iota3A : vector<16xi32>
    %shift_right_arithmetic3A_1910 = arith.constant 1 : i32
    %shift_right_arithmetic3A_1911 = vector.broadcast %shift_right_arithmetic3A_1910 : i32 to vector<16xi32>
    %shift_right_arithmetic3A_1912 = arith.shrsi %add3A_1909, %shift_right_arithmetic3A_1911 : vector<16xi32>
    %and3A_1913 = arith.constant 1 : i32
    %and3A_1914 = vector.broadcast %and3A_1913 : i32 to vector<16xi32>
    %and3A_1915 = arith.andi %add3A_1909, %and3A_1914 : vector<16xi32>
    %sub3A_1916 = arith.constant 1 : i32
    %sub3A_1917 = vector.broadcast %sub3A_1916 : i32 to vector<16xi32>
    %sub3A_1918 = arith.subi %sub3A_1917, %and3A_1915 : vector<16xi32>
    %gather3A_1919 = arith.constant 1 : i32
    %gather3A_1920 = arith.constant 0 : i32
    %gather3A_1921 = arith.constant 0 : i32
    %gather3A_1922 = tpu.memref_slice %arg9[%gather3A_1919, %gather3A_1920, %gather3A_1921] : memref<2x128x128xf32, #tpu.memory_space<vmem>> -> memref<1x128x128xf32, #tpu.memory_space<vmem>>
    %gather3A_1923 = tpu.memref_squeeze %gather3A_1922 : memref<1x128x128xf32, #tpu.memory_space<vmem>> -> memref<128x128xf32, #tpu.memory_space<vmem>>
    %gather3A_1924 = tpu.vector_load_idx %gather3A_1923[%shift_right_arithmetic3A_1912, %sub3A_1918] : memref<128x128xf32, #tpu.memory_space<vmem>>[vector<16xi32>, vector<16xi32>], vector<16xf32>,
    %swap3A_1925 = arith.constant 61 : i32
    %swap3A_1926 = arith.index_cast %swap3A_1925 : i32 to index
    %swap3A_1927 = arith.constant 0 : index
    %swap3A_1928 = tpu.vector_load %arg10[%swap3A_1926, %swap3A_1927] {strides = array<i32>} : memref<64x16xf32, #tpu.memory_space<vmem>>, vector<16xf32>,
    tpu.vector_store %arg10[%swap3A_1926, %swap3A_1927], %gather3A_1924 {strides = array<i32>} : memref<64x16xf32, #tpu.memory_space<vmem>>, vector<16xf32>,
    %add3A_1929 = arith.constant 224 : i32
    %add3A_1930 = vector.broadcast %add3A_1929 : i32 to vector<16xi32>
    %add3A_1931 = arith.addi %add3A_1930, %iota3A : vector<16xi32>
    %shift_right_arithmetic3A_1932 = arith.constant 1 : i32
    %shift_right_arithmetic3A_1933 = vector.broadcast %shift_right_arithmetic3A_1932 : i32 to vector<16xi32>
    %shift_right_arithmetic3A_1934 = arith.shrsi %add3A_1931, %shift_right_arithmetic3A_1933 : vector<16xi32>
    %and3A_1935 = arith.constant 1 : i32
    %and3A_1936 = vector.broadcast %and3A_1935 : i32 to vector<16xi32>
    %and3A_1937 = arith.andi %add3A_1931, %and3A_1936 : vector<16xi32>
    %sub3A_1938 = arith.constant 1 : i32
    %sub3A_1939 = vector.broadcast %sub3A_1938 : i32 to vector<16xi32>
    %sub3A_1940 = arith.subi %sub3A_1939, %and3A_1937 : vector<16xi32>
    %gather3A_1941 = arith.constant 1 : i32
    %gather3A_1942 = arith.constant 0 : i32
    %gather3A_1943 = arith.constant 0 : i32
    %gather3A_1944 = tpu.memref_slice %arg9[%gather3A_1941, %gather3A_1942, %gather3A_1943] : memref<2x128x128xf32, #tpu.memory_space<vmem>> -> memref<1x128x128xf32, #tpu.memory_space<vmem>>
    %gather3A_1945 = tpu.memref_squeeze %gather3A_1944 : memref<1x128x128xf32, #tpu.memory_space<vmem>> -> memref<128x128xf32, #tpu.memory_space<vmem>>
    %gather3A_1946 = tpu.vector_load_idx %gather3A_1945[%shift_right_arithmetic3A_1934, %sub3A_1940] : memref<128x128xf32, #tpu.memory_space<vmem>>[vector<16xi32>, vector<16xi32>], vector<16xf32>,
    %swap3A_1947 = arith.constant 62 : i32
    %swap3A_1948 = arith.index_cast %swap3A_1947 : i32 to index
    %swap3A_1949 = arith.constant 0 : index
    %swap3A_1950 = tpu.vector_load %arg10[%swap3A_1948, %swap3A_1949] {strides = array<i32>} : memref<64x16xf32, #tpu.memory_space<vmem>>, vector<16xf32>,
    tpu.vector_store %arg10[%swap3A_1948, %swap3A_1949], %gather3A_1946 {strides = array<i32>} : memref<64x16xf32, #tpu.memory_space<vmem>>, vector<16xf32>,
    %add3A_1951 = arith.constant 240 : i32
    %add3A_1952 = vector.broadcast %add3A_1951 : i32 to vector<16xi32>
    %add3A_1953 = arith.addi %add3A_1952, %iota3A : vector<16xi32>
    %shift_right_arithmetic3A_1954 = arith.constant 1 : i32
    %shift_right_arithmetic3A_1955 = vector.broadcast %shift_right_arithmetic3A_1954 : i32 to vector<16xi32>
    %shift_right_arithmetic3A_1956 = arith.shrsi %add3A_1953, %shift_right_arithmetic3A_1955 : vector<16xi32>
    %and3A_1957 = arith.constant 1 : i32
    %and3A_1958 = vector.broadcast %and3A_1957 : i32 to vector<16xi32>
    %and3A_1959 = arith.andi %add3A_1953, %and3A_1958 : vector<16xi32>
    %sub3A_1960 = arith.constant 1 : i32
    %sub3A_1961 = vector.broadcast %sub3A_1960 : i32 to vector<16xi32>
    %sub3A_1962 = arith.subi %sub3A_1961, %and3A_1959 : vector<16xi32>
    %gather3A_1963 = arith.constant 1 : i32
    %gather3A_1964 = arith.constant 0 : i32
    %gather3A_1965 = arith.constant 0 : i32
    %gather3A_1966 = tpu.memref_slice %arg9[%gather3A_1963, %gather3A_1964, %gather3A_1965] : memref<2x128x128xf32, #tpu.memory_space<vmem>> -> memref<1x128x128xf32, #tpu.memory_space<vmem>>
    %gather3A_1967 = tpu.memref_squeeze %gather3A_1966 : memref<1x128x128xf32, #tpu.memory_space<vmem>> -> memref<128x128xf32, #tpu.memory_space<vmem>>
    %gather3A_1968 = tpu.vector_load_idx %gather3A_1967[%shift_right_arithmetic3A_1956, %sub3A_1962] : memref<128x128xf32, #tpu.memory_space<vmem>>[vector<16xi32>, vector<16xi32>], vector<16xf32>,
    %swap3A_1969 = arith.constant 63 : i32
    %swap3A_1970 = arith.index_cast %swap3A_1969 : i32 to index
    %swap3A_1971 = arith.constant 0 : index
    %swap3A_1972 = tpu.vector_load %arg10[%swap3A_1970, %swap3A_1971] {strides = array<i32>} : memref<64x16xf32, #tpu.memory_space<vmem>>, vector<16xf32>,
    tpu.vector_store %arg10[%swap3A_1970, %swap3A_1971], %gather3A_1968 {strides = array<i32>} : memref<64x16xf32, #tpu.memory_space<vmem>>, vector<16xf32>,
    %dma_start3A_1973 = arith.constant 0 : i32
    %dma_start3A_1974 = arith.constant 0 : i32
    %dma_start3A_1975 = tpu.memref_slice %arg6[%add3A, %dma_start3A_1973, %dma_start3A_1974] : memref<32x64x16xf32, #tpu.memory_space<hbm>> -> memref<1x64x16xf32, #tpu.memory_space<hbm>>
    %dma_start3A_1976 = tpu.memref_squeeze %dma_start3A_1975 : memref<1x64x16xf32, #tpu.memory_space<hbm>> -> memref<64x16xf32, #tpu.memory_space<hbm>>
    %dma_start3A_1977 = arith.constant 0 : i32
    %dma_start3A_1978 = arith.constant 0 : i32
    %dma_start3A_1979 = tpu.memref_slice %arg6[%add3A, %dma_start3A_1977, %dma_start3A_1978] : memref<32x64x16xf32, #tpu.memory_space<hbm>> -> memref<1x64x16xf32, #tpu.memory_space<hbm>>
    %dma_start3A_1980 = tpu.memref_squeeze %dma_start3A_1979 : memref<1x64x16xf32, #tpu.memory_space<hbm>> -> memref<64x16xf32, #tpu.memory_space<hbm>>
    tpu.enqueue_dma source(%arg10 : memref<64x16xf32, #tpu.memory_space<vmem>>) target(%dma_start3A_1980 : memref<64x16xf32, #tpu.memory_space<hbm>>) target_semaphore(%arg14 : memref<!tpu.dma_semaphore, #tpu.memory_space<semaphore_mem>>)
    %dma_wait3A_1981 = arith.constant 0 : i32
    %dma_wait3A_1982 = arith.constant 0 : i32
    %dma_wait3A_1983 = arith.constant 0 : i32
    %dma_wait3A_1984 = arith.constant 0 : i32
    %dma_wait3A_1985 = tpu.memref_slice %arg8[%dma_wait3A_1981, %dma_wait3A_1983, %dma_wait3A_1984] : memref<2x32x1024xf32, #tpu.memory_space<vmem>> -> memref<1x32x1024xf32, #tpu.memory_space<vmem>>
    %dma_wait3A_1986 = tpu.memref_squeeze %dma_wait3A_1985 : memref<1x32x1024xf32, #tpu.memory_space<vmem>> -> memref<32x1024xf32, #tpu.memory_space<vmem>>
    %dma_wait3A_1987 = arith.constant 0 : i32
    %dma_wait3A_1988 = tpu.memref_slice %arg7[%dma_wait3A_1982, %add3A_92, %dma_wait3A_1987] : memref<1x2048x1024xf32, #tpu.memory_space<hbm>> -> memref<1x32x1024xf32, #tpu.memory_space<hbm>>
    %dma_wait3A_1989 = tpu.memref_squeeze %dma_wait3A_1988 : memref<1x32x1024xf32, #tpu.memory_space<hbm>> -> memref<32x1024xf32, #tpu.memory_space<hbm>>
    %dma_wait3A_1990 = arith.constant 0 : i32
    %dma_wait3A_1991 = tpu.memref_slice %arg7[%dma_wait3A_1982, %add3A_92, %dma_wait3A_1990] : memref<1x2048x1024xf32, #tpu.memory_space<hbm>> -> memref<1x32x1024xf32, #tpu.memory_space<hbm>>
    %dma_wait3A_1992 = tpu.memref_squeeze %dma_wait3A_1991 : memref<1x32x1024xf32, #tpu.memory_space<hbm>> -> memref<32x1024xf32, #tpu.memory_space<hbm>>
    %dma_wait3A_1993 = arith.constant 0 : i32
    %dma_wait3A_1994 = arith.constant 0 : i32
    %dma_wait3A_1995 = tpu.memref_slice %arg8[%dma_wait3A_1981, %dma_wait3A_1993, %dma_wait3A_1994] : memref<2x32x1024xf32, #tpu.memory_space<vmem>> -> memref<1x32x1024xf32, #tpu.memory_space<vmem>>
    %dma_wait3A_1996 = tpu.memref_squeeze %dma_wait3A_1995 : memref<1x32x1024xf32, #tpu.memory_space<vmem>> -> memref<32x1024xf32, #tpu.memory_space<vmem>>
    tpu.wait_dma2 semaphore(%arg13 : memref<!tpu.dma_semaphore, #tpu.memory_space<semaphore_mem>>) src(%dma_wait3A_1996 : memref<32x1024xf32, #tpu.memory_space<vmem>>) dst(%dma_wait3A_1992 : memref<32x1024xf32, #tpu.memory_space<hbm>>)
    %dma_wait3A_1997 = arith.constant 1 : i32
    %dma_wait3A_1998 = arith.constant 0 : i32
    %dma_wait3A_1999 = arith.constant 0 : i32
    %dma_wait3A_2000 = arith.constant 0 : i32
    %dma_wait3A_2001 = tpu.memref_slice %arg8[%dma_wait3A_1997, %dma_wait3A_1999, %dma_wait3A_2000] : memref<2x32x1024xf32, #tpu.memory_space<vmem>> -> memref<1x32x1024xf32, #tpu.memory_space<vmem>>
    %dma_wait3A_2002 = tpu.memref_squeeze %dma_wait3A_2001 : memref<1x32x1024xf32, #tpu.memory_space<vmem>> -> memref<32x1024xf32, #tpu.memory_space<vmem>>
    %dma_wait3A_2003 = arith.constant 0 : i32
    %dma_wait3A_2004 = tpu.memref_slice %arg7[%dma_wait3A_1998, %add3A_96, %dma_wait3A_2003] : memref<1x2048x1024xf32, #tpu.memory_space<hbm>> -> memref<1x32x1024xf32, #tpu.memory_space<hbm>>
    %dma_wait3A_2005 = tpu.memref_squeeze %dma_wait3A_2004 : memref<1x32x1024xf32, #tpu.memory_space<hbm>> -> memref<32x1024xf32, #tpu.memory_space<hbm>>
    %dma_wait3A_2006 = arith.constant 0 : i32
    %dma_wait3A_2007 = tpu.memref_slice %arg7[%dma_wait3A_1998, %add3A_96, %dma_wait3A_2006] : memref<1x2048x1024xf32, #tpu.memory_space<hbm>> -> memref<1x32x1024xf32, #tpu.memory_space<hbm>>
    %dma_wait3A_2008 = tpu.memref_squeeze %dma_wait3A_2007 : memref<1x32x1024xf32, #tpu.memory_space<hbm>> -> memref<32x1024xf32, #tpu.memory_space<hbm>>
    %dma_wait3A_2009 = arith.constant 0 : i32
    %dma_wait3A_2010 = arith.constant 0 : i32
    %dma_wait3A_2011 = tpu.memref_slice %arg8[%dma_wait3A_1997, %dma_wait3A_2009, %dma_wait3A_2010] : memref<2x32x1024xf32, #tpu.memory_space<vmem>> -> memref<1x32x1024xf32, #tpu.memory_space<vmem>>
    %dma_wait3A_2012 = tpu.memref_squeeze %dma_wait3A_2011 : memref<1x32x1024xf32, #tpu.memory_space<vmem>> -> memref<32x1024xf32, #tpu.memory_space<vmem>>
    tpu.wait_dma2 semaphore(%arg13 : memref<!tpu.dma_semaphore, #tpu.memory_space<semaphore_mem>>) src(%dma_wait3A_2012 : memref<32x1024xf32, #tpu.memory_space<vmem>>) dst(%dma_wait3A_2008 : memref<32x1024xf32, #tpu.memory_space<hbm>>)
    %dma_wait3A_2013 = arith.constant 0 : i32
    %dma_wait3A_2014 = arith.constant 0 : i32
    %dma_wait3A_2015 = tpu.memref_slice %arg6[%add3A, %dma_wait3A_2013, %dma_wait3A_2014] : memref<32x64x16xf32, #tpu.memory_space<hbm>> -> memref<1x64x16xf32, #tpu.memory_space<hbm>>
    %dma_wait3A_2016 = tpu.memref_squeeze %dma_wait3A_2015 : memref<1x64x16xf32, #tpu.memory_space<hbm>> -> memref<64x16xf32, #tpu.memory_space<hbm>>
    %dma_wait3A_2017 = arith.constant 0 : i32
    %dma_wait3A_2018 = arith.constant 0 : i32
    %dma_wait3A_2019 = tpu.memref_slice %arg6[%add3A, %dma_wait3A_2017, %dma_wait3A_2018] : memref<32x64x16xf32, #tpu.memory_space<hbm>> -> memref<1x64x16xf32, #tpu.memory_space<hbm>>
    %dma_wait3A_2020 = tpu.memref_squeeze %dma_wait3A_2019 : memref<1x64x16xf32, #tpu.memory_space<hbm>> -> memref<64x16xf32, #tpu.memory_space<hbm>>
    tpu.wait_dma2 semaphore(%arg14 : memref<!tpu.dma_semaphore, #tpu.memory_space<semaphore_mem>>) src(%arg10 : memref<64x16xf32, #tpu.memory_space<vmem>>) dst(%dma_wait3A_2020 : memref<64x16xf32, #tpu.memory_space<hbm>>)
    return
  }
}

</mosaic_0001>

<sc_bundles>
// kernel: kernel.3.cloned.1.call-start
scs
__scs_entry_jumppad:
0x0: {  	(pc) =	sbr.rel $0x88, $3  }
0x1: {  	(tag) =	ssettag $0x0;
	lr =	simm.s32 $0x1  }
0x2: {  	[smem:$0x3F9E] =	sst lr;
	_ =	strace $0xD0000000  }
0x3: {  	_ = 	snop  }
0x4: {  	_ = 	snop  }
0x5: {  	_ = 	snop  }
0x6: {  	_ = 	snop  }
0x7: {  	_ = 	snop  }
__scs_overlays_trampoline_lowered:
0x8: {  	[smem:$0x3FAD] =	sst s0  }
0x9: {  	[smem:$0x3FAE] =	sst s1  }
0xa: {  	[smem:$0x3FAF] =	sst s2  }
0xb: {  	[smem:$0x3FB0] =	sst s3  }
0xc: {  	[smem:$0x3FB1] =	sst s4  }
0xd: {  	[smem:$0x3FB2] =	sst s5  }
0xe: {  	[smem:$0x3FB3] =	sst s6  }
0xf: {  	[smem:$0x3FB4] =	sst s7  }
0x10: {  	[smem:$0x3FB5] =	sst s8  }
0x11: {  	[smem:$0x3FB6] =	sst s9;
	s0 =	simm.s32 @!p0 $0x0  }
0x12: {  	s1 =	sld [smem:$0x3F9C];
	s0 =	simm.s32 @p0 $0x1  }
0x13: {  	[smem:$0x3FB7] =	sst s0;
	s0 =	simm.s32 @!p1 $0x0  }
0x14: {  	s2 =	sld [smem:$0x3F9B];
	s0 =	simm.s32 @p1 $0x1  }
0x15: {  	[smem:$0x3FB8] =	sst s0;
	s0 =	simm.s32 @!p2 $0x0  }
0x16: {  	s3 =	sld [smem:$0x3FDB];
	s0 =	simm.s32 @p2 $0x1  }
0x17: {  	s4 =	simm.s32 $0x1BF5;
	[smem:$0x3FBA] =	sst s0  }
0x18: {  	s0 =	sld [smem:$0x3F9D];
	_ =	swait.ge [sflag:s4], $0x0  }
0x19: {  	s7 =	sld [smem:$0x3F9E]  }
0x1a: {  	s8 =	sadd.s32 $0xFFFFE003, lr  }
0x1b: {  	s9 =	sadd.s32 $0xFFFFFEF7, lr;
	s5 =	simm.s32 $0xFFFFFFFF;
	p2 =	slt.u32 s8, $0xFFFFF086  }
0x1c: {  	p1 =	slt.u32 s9, $0xF7A;
	s5 =	simm.s32 @!p2 $0x0  }
0x1d: {  	s5 =	simm.s32 @p1 $0x1;
	p0 =	seq.s32 s7, s2  }
0x1e: {  	s7 =	smul.u32 @!p0 $0xF7A, s2;
	p2 =	seq.s32 @!p0 s5, $0x0  }
0x1f: {  	s9 =	smul.u32 $0xF7A, s1;
	s8 =	simm.s32 @!p0 $0x1BF5;
	p2 =	por !p2, p0  }
0x20: {  	[sflag:s8] =	ssyncset.s32 @!p0 $0xFFFFF086;
	s6 =	sadd.s32 @!p0 s3, s7;
	s7 =	simm.s32 @!p0 $0x108  }
0x21: {  	s3 =	sadd.s32 s3, s9;
	s6 =	sadd.s32 @!p0 $0x88, s6;
	s7 =	simm.s32 @p2 $0x1082  }
0x22: {  	[simem:s7], [sflag:s8] =	dma.local @!p0 [hbm:s6], $0xF7A  }
0x23: {  	s9 =	sor.u32 $0xD0000000, s2;
	s6 =	simm.s32 $0x108;
	_ =	swait.ge @!p0 [sflag:s8], $0x0  }
0x24: {  	s3 =	sadd.s32 $0x88, s3;
	s6 =	simm.s32 @!p1 $0x1082;
	[sflag:s4] =	ssyncset.s32 $0xFFFFF086  }
0x25: {  	[simem:s6], [sflag:s4] =	dma.local [hbm:s3], $0xF7A  }
0x26: {  	[smem:$0x3F9E] =	sst s1;
	(tag) =	ssettag s2;
	_ =	strace s9  }
0x27: {  	s1 =	sld [smem:$0x3FAE]  }
0x28: {  	s2 =	sld [smem:$0x3FAF]  }
0x29: {  	s4 =	sld [smem:$0x3FB1]  }
0x2a: {  	p0 =	seq.s32 s5, $0x0;
	s5 =	sld [smem:$0x3FB2]  }
0x2b: {  	s6 =	sld [smem:$0x3FB3]  }
0x2c: {  	s7 =	sld [smem:$0x3FB4]  }
0x2d: {  	s3 =	simm.s32 $0x108;
	s8 =	sld [smem:$0x3FB5]  }
0x2e: {  	s3 =	simm.s32 @!p0 $0x1082;
	s9 =	sld [smem:$0x3FB6]  }
0x2f: {  	lr =	sadd.s32 s0, s3;
	s0 =	sld [smem:$0x3FAD]  }
0x30: {  	s3 =	sld [smem:$0x3FB0]  }
0x31: {  	[smem:$0x3FB9] =	sst s10  }
0x32: {  	s10 =	sld [smem:$0x3FB7];
	_ =	sdelay $0x3  }
0x33: {  	p0 =	seq.s32 s10, $0x1;
	s10 =	sld [smem:$0x3FB9];
	_ =	sdelay $0x3  }
0x34: {  	[smem:$0x3FB9] =	sst s10  }
0x35: {  	s10 =	sld [smem:$0x3FB8];
	_ =	sdelay $0x3  }
0x36: {  	p1 =	seq.s32 s10, $0x1;
	s10 =	sld [smem:$0x3FB9];
	_ =	sdelay $0x3  }
0x37: {  	[smem:$0x3FB9] =	sst s10  }
0x38: {  	s10 =	sld [smem:$0x3FBA]  }
0x39: {  	_ = 	snop;
	(pc) =	sbr.ind lr, $3  }
0x3a: {  	_ = 	snop  }
0x3b: {  	_ = 	snop  }
0x3c: {  	p2 =	seq.s32 s10, $0x1;
	s10 =	sld [smem:$0x3FB9]  }
0x3d: {  	_ =	shalt  }
0x3e: {  	_ =	shalt  }
0x3f: {  	_ =	shalt  }
0x40: {  	_ =	shalt  }
0x41: {  	_ =	shalt  }
0x42: {  	_ =	shalt  }
0x43: {  	_ =	shalt  }
0x44: {  	_ =	shalt  }
0x45: {  	_ =	shalt  }
0x46: {  	_ =	shalt  }
0x47: {  	_ =	shalt  }
0x48: {  	_ =	shalt  }
0x49: {  	_ =	shalt  }
0x4a: {  	_ =	shalt  }
0x4b: {  	_ =	shalt  }
0x4c: {  	_ =	shalt  }
0x4d: {  	_ =	shalt  }
0x4e: {  	_ =	shalt  }
0x4f: {  	_ =	shalt  }
0x50: {  	_ =	shalt  }
0x51: {  	_ =	shalt  }
0x52: {  	_ =	shalt  }
0x53: {  	_ =	shalt  }
0x54: {  	_ =	shalt  }
0x55: {  	_ =	shalt  }
0x56: {  	_ =	shalt  }
0x57: {  	_ =	shalt  }
0x58: {  	_ =	shalt  }
0x59: {  	_ =	shalt  }
0x5a: {  	_ =	shalt  }
0x5b: {  	_ =	shalt  }
0x5c: {  	_ =	shalt  }
0x5d: {  	_ =	shalt  }
0x5e: {  	_ =	shalt  }
0x5f: {  	_ =	shalt  }
0x60: {  	_ =	shalt  }
0x61: {  	_ =	shalt  }
0x62: {  	_ =	shalt  }
0x63: {  	_ =	shalt  }
0x64: {  	_ =	shalt  }
0x65: {  	_ =	shalt  }
0x66: {  	_ =	shalt  }
0x67: {  	_ =	shalt  }
0x68: {  	_ =	shalt  }
0x69: {  	_ =	shalt  }
0x6a: {  	_ =	shalt  }
0x6b: {  	_ =	shalt  }
0x6c: {  	_ =	shalt  }
0x6d: {  	_ =	shalt  }
0x6e: {  	_ =	shalt  }
0x6f: {  	_ =	shalt  }
0x70: {  	_ =	shalt  }
0x71: {  	_ =	shalt  }
0x72: {  	_ =	shalt  }
0x73: {  	_ =	shalt  }
0x74: {  	_ =	shalt  }
0x75: {  	_ =	shalt  }
0x76: {  	_ =	shalt  }
0x77: {  	_ =	shalt  }
0x78: {  	_ =	shalt  }
0x79: {  	_ =	shalt  }
0x7a: {  	_ =	shalt  }
0x7b: {  	_ =	shalt  }
0x7c: {  	_ =	shalt  }
0x7d: {  	_ =	shalt  }
0x7e: {  	_ =	shalt  }
0x7f: {  	_ =	shalt  }
0x80: {  	_ =	shalt  }
0x81: {  	_ =	shalt  }
0x82: {  	_ =	shalt  }
0x83: {  	_ =	shalt  }
0x84: {  	_ =	shalt  }
0x85: {  	_ =	shalt  }
0x86: {  	_ =	shalt  }
0x87: {  	_ =	shalt  }
.Lfunc_end0:
.L_simem_size_0:
called_computation_lowered:
.L_overlay_start_0:
0x88: {  	s2 =	sld [smem:$0x3FD9]  }
0x89: {  	s3 =	sld [smem:$0x3FFE];
	_ =	sdelay $0x1  }
0x8a: {  	s1 =	srdreg.scid  }
0x8b: {  	s0 =	sand.u32 $0x1, s1  }
0x8c: {  	s14 =	sshll.u32 s0, $0xA;
	s2 =	sadd.s32 s3, s2  }
0x8d: {  	s2 =	sadd.s32 s2, s14  }
0x8e: {  	[smem:$0x3FC5] =	sst s2  }
0x8f: {  	_ = 	snop  }
0x90: {  	s2 =	sld [smem:$0x3FD0]  }
0x91: {  	s15 =	sld [smem:$0x3FC9]  }
0x92: {  	s4 =	sld [smem:$0x3FC8]  }
0x93: {  	s6 =	simm.s32 $0xA;
	s7 =	simm.s32 $0x10;
	s5 =	sld [smem:$0x3FC7]  }
0x94: {  	[smem:s7], [sflag:s6] =	dma.local [hbm:s2], $0x1  }
0x95: {  	_ =	swait.eq [sflag:s6], $0x1  }
0x96: {  	[sflag:s6] =	ssyncset.done $0x0  }
0x97: {  	s16 =	sld [smem:$0x10];
	[sflag:s6] =	ssyncadd.s32 $0xFFFFFFFF  }
0x98: {  	s17 =	sld [smem:$0x12];
	(tm) =	ssettm $0x1  }
0x99: {  	s18 =	sld [smem:$0x3FFB];
	_ =	sdelay $0x3  }
0x9a: {  	_ =	strace s18  }
0x9b: {  	s7 =	sld [smem:$0x3FFC];
	_ =	sdelay $0x3  }
0x9c: {  	_ =	strace s7  }
0x9d: {  	s7 =	sld [smem:$0x3FFD];
	_ =	sdelay $0x3  }
0x9e: {  	_ =	strace s7  }
0x9f: {  	_ =	strace $0x8FFFFFFF  }
0xa0: {  	s19 =	sld [smem:$0x3FDB];
	_ =	sdelay $0x1  }
0xa1: {  	s8 =	simm.s32 $_scs_section_size  }
0xa2: {  	s9 =	simm.s32 $_size__tile_overlayer_lowered;
	s10 =	simm.s32 $_tile_overlayer_lowered  }
0xa3: {  	s22 =	simm.s32 $0x1BFF;
	s21 =	sshll.u32 s10, $0x1;
	s7 =	sadd.s32 s8, s19  }
0xa4: {  	s11 =	simm.s32 $0x0;
	s20 =	sshll.u32 s9, $0x1;
	s9 =	sadd.s32 s21, s7  }
0xa5: {  	[timem:s11], [sflag:s22] =	dma.local [hbm:s9], s20  }
0xa6: {  	_ =	swait.ge [sflag:s22], s20  }
0xa7: {  	s8 =	ssub.s32 $0x0, s20;
	[sflag:s22] =	ssyncset.done $0x0  }
0xa8: {  	[sflag:s22] =	ssyncadd.s32 s8;
	_ =	sdelay $0x1  }
0xa9: {  	s23 =	simm.s32 $0x1B8B  }
0xaa: {  	_ =	swait.ge [sflag:s23], $0x1  }
0xab: {  	[sflag:s23] =	ssyncset.done $0x0  }
0xac: {  	s25 =	simm.s32 $0x1B8E;
	s24 =	sld [smem:$0x3FFE];
	[sflag:s23] =	ssyncadd.s32 $0xFFFFFFFF  }
0xad: {  	s26 =	simm.s32 $execute0_lowered;
	[smem:$0x3FD2] =	sst s25  }
0xae: {  	s9 =	sshll.u32 s26, $0x1;
	_ =	strace $0x80000046;
	[dreg:$0x1] =	wrdreg $0xFFFFFFFF  }
0xaf: {  	s28 =	simm.s32 $_size_execute0_lowered;
	s7 =	sadd.s32 s7, s9;
	[dreg:$0x0] =	wrdreg $0x0  }
0xb0: {  	s9 =	sshll.u32 s28, $0x1;
	[dreg:$0x2] =	wrdreg s7  }
0xb1: {  	[dreg:$0x3] =	wrdreg s9  }
0xb2: {  	[dreg:$0x4] =	wrdreg $0xC0  }
0xb3: {  	_ =	task [dreg:s11], $0x5FFFF  }
0xb4: {  	[dreg:$0x1] =	wrdreg $0xFFFFFFFF  }
0xb5: {  	[dreg:$0x0] =	wrdreg $0x60  }
0xb6: {  	[dreg:$0x2] =	wrdreg s15  }
0xb7: {  	[dreg:$0x3] =	wrdreg s4  }
0xb8: {  	[dreg:$0x4] =	wrdreg s5  }
0xb9: {  	[dreg:$0x5] =	wrdreg s16  }
0xba: {  	[dreg:$0x6] =	wrdreg s24  }
0xbb: {  	[dreg:$0x7] =	wrdreg s17  }
0xbc: {  	[dreg:$0x8] =	wrdreg $0x9  }
0xbd: {  	_ =	task.clear_ibuf [dreg:s11], $0x9FFFF;
	_ =	strace $0x90000046  }
0xbe: {  	s29 =	simm.s32 $0x9;
	_ =	strace $0x80000048  }
0xbf: {  	_ =	swait.ge [sflag:s29], $0x1  }
0xc0: {  	[sflag:s29] =	ssyncadd.s32 $0xFFFFFFFF  }
0xc1: {  	_ =	strace $0x90000048  }
0xc2: {  	_ =	sfence  }
0xc3: {  	s30 =	sld [smem:$0x0];
	_ =	sdelay $0x2  }
0xc4: {  	s31 =	sshll.u32 s1, $0xD;
	s1 =	sshrl.u32 s1, $0x2  }
0xc5: {  	s3 =	sand.u32 $0x4000, s31;
	s1 =	sadd.s32 s1, s30  }
0xc6: {  	s0 =	sor.u32 s3, s0;
	s1 =	sshll.u32 s1, $0x11  }
0xc7: {  	s0 =	sor.u32 s1, s0  }
0xc8: {  	s0 =	sadd.s32 $0x8F2B, s0  }
0xc9: {  	[sflag:s0] =	ssyncadd.remote.s32 $0x1  }
0xca: {  	_ =	sfence.sel $0xFFFF  }
0xcb: {  	[dreg:$0x0] =	wrdreg $0xFFFFFFFF;
	(pc) =	sbr.abs _section_cstart, $3  }
0xcc: {  	[dreg:$0x1] =	wrdreg $0xFFFFFFFF  }
0xcd: {  	_ =	task.clear_ibuf [dreg:s11], $0x2FFFF;
	_ =	strace $0x9FFFFFFF  }
0xce: {  	(tm) =	ssettm $0x7FFFFFFF  }
0xcf: {  	_ =	shalt  }
tec
execute0_lowered:
.L_overlay_start_1:
0x0: {  	(tag) =	ssettag $0x1  }
0x1: {  	v0 =	vimm.s32 $0x80810001  }
0x2: {  	vm0 =	vcmask $0xF00;
	vm10 =	vcmask $0x1310;
	vm9 =	vcmask $0x1714  }
0x3: {  	vm8 =	vcmask $0x1B18;
	vm7 =	vcmask $0x1F1C;
	vm6 =	vcmask $0x2320  }
0x4: {  	vm5 =	vcmask $0x2724;
	vm4 =	vcmask $0x2B28;
	vm3 =	vcmask $0x2F2C  }
0x5: {  	vm2 =	vcmask $0x3330;
	vm1 =	vcmask $0x3734;
	v1 =	vimm.s32 $0x780  }
0x6: {  	vm14 =	vcmask $0x300;
	vm13 =	vcmask $0x704;
	v2 =	vimm.s32 $0xB80  }
0x7: {  	v3 =	vimm.s32 $0xF80;
	vm11 =	vcmask $0xB08;
	vm12 =	vcmask $0xF0C  }
0x8: {  	v4 =	vimm.s32 $0x1380;
	v5 =	vimm.s32 $0x1780;
	v6 =	vimm.s32 $0x1B80  }
0x9: {  	v7 =	vimm.s32 $0x1F80;
	v8 =	vimm.s32 $0x2380;
	v9 =	vimm.s32 $0x2780  }
0xa: {  	v10 =	vimm.s32 $0x2B80;
	v11 =	vimm.s32 $0x2F80;
	v12 =	vimm.s32 $0x3380  }
0xb: {  	v13 =	vimm.s32 $0x3780;
	v14 =	vimm.s32 $0x3B80;
	v15 =	vimm.s32 $0x3F80  }
0xc: {  	v0 =	vunpack.c.0.s8.s32 v0;
	v1 =	vsel vm14, $0x401, v1;
	v2 =	vsel vm14, $0x801, v2  }
0xd: {  	v3 =	vsel vm14, $0xC01, v3;
	v4 =	vsel vm14, $0x1001, v4;
	v5 =	vsel vm14, $0x1401, v5  }
0xe: {  	v6 =	vsel vm14, $0x1801, v6;
	v7 =	vsel vm14, $0x1C01, v7;
	v8 =	vsel vm14, $0x2001, v8  }
0xf: {  	v9 =	vsel vm14, $0x2401, v9;
	v10 =	vsel vm14, $0x2801, v10;
	v11 =	vsel vm14, $0x2C01, v11  }
0x10: {  	v12 =	vsel vm14, $0x3001, v12;
	v13 =	vsel vm14, $0x3401, v13;
	v14 =	vsel vm14, $0x3801, v14  }
0x11: {  	v15 =	vsel vm14, $0x3C01, v15;
	v1 =	vsel vm13, $0x400, v1;
	v2 =	vsel vm13, $0x800, v2  }
0x12: {  	v3 =	vsel vm13, $0xC00, v3;
	v4 =	vsel vm13, $0x1000, v4;
	v5 =	vsel vm13, $0x1400, v5  }
0x13: {  	v6 =	vsel vm13, $0x1800, v6;
	v7 =	vsel vm13, $0x1C00, v7;
	v8 =	vsel vm13, $0x2000, v8  }
0x14: {  	v9 =	vsel vm13, $0x2400, v9;
	v10 =	vsel vm13, $0x2800, v10;
	v11 =	vsel vm13, $0x2C00, v11  }
0x15: {  	v12 =	vsel vm13, $0x3000, v12;
	v13 =	vsel vm13, $0x3400, v13;
	v14 =	vsel vm13, $0x3800, v14  }
0x16: {  	v15 =	vsel vm13, $0x3C00, v15;
	v0 =	vand.u32 $0xFF, v0;
	v1 =	vsel vm11, $0x481, v1  }
0x17: {  	v2 =	vsel vm11, $0x881, v2;
	v3 =	vsel vm11, $0xC81, v3;
	v4 =	vsel vm11, $0x1081, v4  }
0x18: {  	v5 =	vsel vm11, $0x1481, v5;
	v6 =	vsel vm11, $0x1881, v6;
	v7 =	vsel vm11, $0x1C81, v7  }
0x19: {  	v8 =	vsel vm11, $0x2081, v8;
	v9 =	vsel vm11, $0x2481, v9;
	v10 =	vsel vm11, $0x2881, v10  }
0x1a: {  	v11 =	vsel vm11, $0x2C81, v11;
	v12 =	vsel vm11, $0x3081, v12;
	v13 =	vsel vm11, $0x3481, v13  }
0x1b: {  	v14 =	vsel vm11, $0x3881, v14;
	v15 =	vsel vm11, $0x3C81, v15;
	v0 =	vnsel vm0, $0x380, v0  }
0x1c: {  	vm0 =	vcmask $0x3B38;
	v1 =	vsel vm12, $0x480, v1;
	v2 =	vsel vm12, $0x880, v2  }
0x1d: {  	v3 =	vsel vm12, $0xC80, v3;
	v4 =	vsel vm12, $0x1080, v4;
	v5 =	vsel vm12, $0x1480, v5  }
0x1e: {  	v6 =	vsel vm12, $0x1880, v6;
	v7 =	vsel vm12, $0x1C80, v7;
	v8 =	vsel vm12, $0x2080, v8  }
0x1f: {  	v9 =	vsel vm12, $0x2480, v9;
	v10 =	vsel vm12, $0x2880, v10;
	v11 =	vsel vm12, $0x2C80, v11  }
0x20: {  	v12 =	vsel vm12, $0x3080, v12;
	v13 =	vsel vm12, $0x3480, v13;
	v14 =	vsel vm12, $0x3880, v14  }
0x21: {  	v15 =	vsel vm12, $0x3C80, v15;
	v0 =	vsel vm10, $0x101, v0;
	v1 =	vsel vm10, $0x501, v1  }
0x22: {  	v2 =	vsel vm10, $0x901, v2;
	v3 =	vsel vm10, $0xD01, v3;
	v4 =	vsel vm10, $0x1101, v4  }
0x23: {  	v5 =	vsel vm10, $0x1501, v5;
	v6 =	vsel vm10, $0x1901, v6;
	v7 =	vsel vm10, $0x1D01, v7  }
0x24: {  	v8 =	vsel vm10, $0x2101, v8;
	v9 =	vsel vm10, $0x2501, v9;
	v10 =	vsel vm10, $0x2901, v10  }
0x25: {  	v11 =	vsel vm10, $0x2D01, v11;
	v12 =	vsel vm10, $0x3101, v12;
	v13 =	vsel vm10, $0x3501, v13  }
0x26: {  	v14 =	vsel vm10, $0x3901, v14;
	v15 =	vsel vm10, $0x3D01, v15;
	v0 =	vsel vm9, $0x100, v0  }
0x27: {  	v1 =	vsel vm9, $0x500, v1;
	v2 =	vsel vm9, $0x900, v2;
	v3 =	vsel vm9, $0xD00, v3  }
0x28: {  	v4 =	vsel vm9, $0x1100, v4;
	v5 =	vsel vm9, $0x1500, v5;
	v6 =	vsel vm9, $0x1900, v6  }
0x29: {  	v7 =	vsel vm9, $0x1D00, v7;
	v8 =	vsel vm9, $0x2100, v8;
	v9 =	vsel vm9, $0x2500, v9  }
0x2a: {  	v10 =	vsel vm9, $0x2900, v10;
	v11 =	vsel vm9, $0x2D00, v11;
	v12 =	vsel vm9, $0x3100, v12  }
0x2b: {  	v13 =	vsel vm9, $0x3500, v13;
	v14 =	vsel vm9, $0x3900, v14;
	v15 =	vsel vm9, $0x3D00, v15  }
0x2c: {  	v0 =	vsel vm8, $0x181, v0;
	v1 =	vsel vm8, $0x581, v1;
	v2 =	vsel vm8, $0x981, v2  }
0x2d: {  	v3 =	vsel vm8, $0xD81, v3;
	v4 =	vsel vm8, $0x1181, v4;
	v5 =	vsel vm8, $0x1581, v5  }
0x2e: {  	v6 =	vsel vm8, $0x1981, v6;
	v7 =	vsel vm8, $0x1D81, v7;
	v8 =	vsel vm8, $0x2181, v8  }
0x2f: {  	v9 =	vsel vm8, $0x2581, v9;
	v10 =	vsel vm8, $0x2981, v10;
	v11 =	vsel vm8, $0x2D81, v11  }
0x30: {  	v12 =	vsel vm8, $0x3181, v12;
	v13 =	vsel vm8, $0x3581, v13;
	v14 =	vsel vm8, $0x3981, v14  }
0x31: {  	v15 =	vsel vm8, $0x3D81, v15;
	v0 =	vsel vm7, $0x180, v0;
	v1 =	vsel vm7, $0x580, v1  }
0x32: {  	v2 =	vsel vm7, $0x980, v2;
	v3 =	vsel vm7, $0xD80, v3;
	v4 =	vsel vm7, $0x1180, v4  }
0x33: {  	v5 =	vsel vm7, $0x1580, v5;
	v6 =	vsel vm7, $0x1980, v6;
	v7 =	vsel vm7, $0x1D80, v7  }
0x34: {  	v8 =	vsel vm7, $0x2180, v8;
	v9 =	vsel vm7, $0x2580, v9;
	v10 =	vsel vm7, $0x2980, v10  }
0x35: {  	v11 =	vsel vm7, $0x2D80, v11;
	v12 =	vsel vm7, $0x3180, v12;
	v13 =	vsel vm7, $0x3580, v13  }
0x36: {  	v14 =	vsel vm7, $0x3980, v14;
	v15 =	vsel vm7, $0x3D80, v15;
	v0 =	vsel vm6, $0x201, v0  }
0x37: {  	v1 =	vsel vm6, $0x601, v1;
	v2 =	vsel vm6, $0xA01, v2;
	v3 =	vsel vm6, $0xE01, v3  }
0x38: {  	v4 =	vsel vm6, $0x1201, v4;
	v5 =	vsel vm6, $0x1601, v5;
	v6 =	vsel vm6, $0x1A01, v6  }
0x39: {  	v7 =	vsel vm6, $0x1E01, v7;
	v8 =	vsel vm6, $0x2201, v8;
	v9 =	vsel vm6, $0x2601, v9  }
0x3a: {  	v10 =	vsel vm6, $0x2A01, v10;
	v11 =	vsel vm6, $0x2E01, v11;
	v12 =	vsel vm6, $0x3201, v12  }
0x3b: {  	v13 =	vsel vm6, $0x3601, v13;
	v14 =	vsel vm6, $0x3A01, v14;
	v15 =	vsel vm6, $0x3E01, v15  }
0x3c: {  	v0 =	vsel vm5, $0x200, v0;
	v1 =	vsel vm5, $0x600, v1;
	v2 =	vsel vm5, $0xA00, v2  }
0x3d: {  	v3 =	vsel vm5, $0xE00, v3;
	v4 =	vsel vm5, $0x1200, v4;
	v5 =	vsel vm5, $0x1600, v5  }
0x3e: {  	v6 =	vsel vm5, $0x1A00, v6;
	v7 =	vsel vm5, $0x1E00, v7;
	v8 =	vsel vm5, $0x2200, v8  }
0x3f: {  	s9 =	rddreg [dreg:$0x0];
	v9 =	vsel vm5, $0x2600, v9;
	v10 =	vsel vm5, $0x2A00, v10;
	v11 =	vsel vm5, $0x2E00, v11  }
0x40: {  	s3 =	rddreg [dreg:$0x1];
	v12 =	vsel vm5, $0x3200, v12;
	v13 =	vsel vm5, $0x3600, v13;
	v14 =	vsel vm5, $0x3A00, v14  }
0x41: {  	s11 =	rddreg [dreg:$0x2];
	v15 =	vsel vm5, $0x3E00, v15;
	v0 =	vsel vm4, $0x281, v0;
	v1 =	vsel vm4, $0x681, v1  }
0x42: {  	s1 =	rddreg [dreg:$0x3];
	v2 =	vsel vm4, $0xA81, v2;
	v3 =	vsel vm4, $0xE81, v3;
	v4 =	vsel vm4, $0x1281, v4  }
0x43: {  	s4 =	rddreg [dreg:$0x4];
	s2 =	srdreg.scid;
	v5 =	vsel vm4, $0x1681, v5;
	v6 =	vsel vm4, $0x1A81, v6;
	v7 =	vsel vm4, $0x1E81, v7  }
0x44: {  	s0 =	stileid.u32;
	s13 =	rddreg [dreg:$0x5];
	s7 =	simm.s32 $0x1000000;
	v8 =	vsel vm4, $0x2281, v8;
	v9 =	vsel vm4, $0x2681, v9;
	v10 =	vsel vm4, $0x2A81, v10  }
0x45: {  	s28 =	simm.s32 $0x2;
	s29 =	simm.s32 $0x3;
	s30 =	simm.s32 $0x4;
	v11 =	vsel vm4, $0x2E81, v11;
	v12 =	vsel vm4, $0x3281, v12;
	v13 =	vsel vm4, $0x3681, v13  }
0x46: {  	s31 =	simm.s32 $0x18000;
	s5 =	sand.u32 $0x1, s2;
	s6 =	sshll.u32 s0, $0x1;
	v14 =	vsel vm4, $0x3A81, v14;
	v15 =	vsel vm4, $0x3E81, v15;
	v0 =	vsel vm3, $0x280, v0  }
0x47: {  	s2 =	simm.s32 $0x0;
	s25 =	sshrl.u32 s0, $0x3;
	s10 =	sor.u32 s5, s6;
	v1 =	vsel vm3, $0x680, v1;
	v2 =	vsel vm3, $0xA80, v2;
	v3 =	vsel vm3, $0xE80, v3  }
0x48: {  	[smem:$0x7FF] =	sst s2;
	s5 =	ssub.s32 $0x2, s5;
	s14 =	sshll.u32 s25, $0x15;
	v4 =	vsel vm3, $0x1280, v4;
	v5 =	vsel vm3, $0x1680, v5;
	v6 =	vsel vm3, $0x1A80, v6  }
0x49: {  	p0 =	seq.s32 s25, $0x0;
	s6 =	sshll.u32 s10, $0xA;
	_ =	strace $0x80000047;
	v7 =	vsel vm3, $0x1E80, v7;
	v8 =	vsel vm3, $0x2280, v8;
	v9 =	vsel vm3, $0x2680, v9  }
0x4a: {  	s23 =	sshrl.u32 s5, $0x1;
	s24 =	sshll.u32 s10, $0x11;
	s7 =	simm.s32 @!p0 $0xA00000;
	v10 =	vsel vm3, $0x2A80, v10;
	v11 =	vsel vm3, $0x2E80, v11;
	v12 =	vsel vm3, $0x3280, v12  }
0x4b: {  	s18 =	sadd.s32 s6, s4;
	s19 =	ssub.s32 s5, s23;
	s3 =	sadd.s32 s3, s24;
	v13 =	vsel vm3, $0x3680, v13;
	v14 =	vsel vm3, $0x3A80, v14;
	v15 =	vsel vm3, $0x3E80, v15  }
0x4c: {  	s8 =	sand.u32 $0x1E0000, s24;
	s24 =	sshll.u32 s10, $0xD;
	s26 =	sadd.s32 $0x8000, s3;
	v0 =	vsel vm2, $0x301, v0;
	v1 =	vsel vm2, $0x701, v1;
	v2 =	vsel vm2, $0xB01, v2  }
0x4d: {  	s4 =	sor.u32 s7, s8;
	s12 =	sor.u32 $0x8000, s8;
	s15 =	sor.u32 s14, s8;
	v3 =	vsel vm2, $0xF01, v3;
	v4 =	vsel vm2, $0x1301, v4;
	v5 =	vsel vm2, $0x1701, v5  }
0x4e: {  	s17 =	sor.u32 $0x18000, s8;
	s25 =	sadd.s32 s24, s11;
	s13 =	sadd.s32 s13, s24;
	v6 =	vsel vm2, $0x1B01, v6;
	v7 =	vsel vm2, $0x1F01, v7;
	v8 =	vsel vm2, $0x2301, v8  }
0x4f: {  	s18 =	sadd.s32 $0x800, s18;
	s19 =	smax.u32 s19, $0x1;
	s24 =	simm.s32 $0x8000;
	v9 =	vsel vm2, $0x2701, v9;
	v10 =	vsel vm2, $0x2B01, v10;
	v11 =	vsel vm2, $0x2F01, v11  }
0x50: {  	[dreg:$0x7] =	wrdreg s26;
	s4 =	sshrl.u32 s4, $0x3;
	s0 =	sor.u32 s7, s12;
	v12 =	vsel vm2, $0x3301, v12;
	v13 =	vsel vm2, $0x3701, v13;
	v14 =	vsel vm2, $0x3B01, v14  }
0x51: {  	s12 =	sor.u32 s14, s12;
	s20 =	sor.u32 s7, s17;
	s11 =	sadd.s32 $0x80000, s25;
	v15 =	vsel vm2, $0x3F01, v15;
	v0 =	vsel vm1, $0x300, v0;
	v1 =	vsel vm1, $0x700, v1  }
0x52: {  	s4 =	sadd.s32 s9, s4;
	s6 =	sshrl.u32 s0, $0x3;
	s21 =	sshrl.u32 s12, $0x3;
	v2 =	vsel vm1, $0xB00, v2;
	v3 =	vsel vm1, $0xF00, v3;
	v4 =	vsel vm1, $0x1300, v4  }
0x53: {  	s22 =	sshrl.u32 s20, $0x3;
	s20 =	simm.s32 $0x400;
	s5 =	sadd.s32 s9, s6;
	v5 =	vsel vm1, $0x1700, v5;
	v6 =	vsel vm1, $0x1B00, v6;
	v7 =	vsel vm1, $0x1F00, v7  }
0x54: {  	s6 =	sshrl.u32 s15, $0x3;
	s15 =	sor.u32 $0x10000, s8;
	s8 =	sadd.s32 s1, s21;
	v8 =	vsel vm1, $0x2300, v8;
	v9 =	vsel vm1, $0x2700, v9;
	v10 =	vsel vm1, $0x2B00, v10  }
0x55: {  	s21 =	simm.s32 $0x4000;
	s6 =	sadd.s32 s1, s6;
	s16 =	sor.u32 s7, s15;
	v11 =	vsel vm1, $0x2F00, v11;
	v12 =	vsel vm1, $0x3300, v12;
	v13 =	vsel vm1, $0x3700, v13  }
0x56: {  	s23 =	sor.u32 s14, s15;
	s14 =	sor.u32 s14, s17;
	s15 =	sadd.s32 $0x1000, s13;
	v14 =	vsel vm1, $0x3B00, v14;
	v15 =	vsel vm1, $0x3F00, v15;
	v0 =	vsel vm0, $0x381, v0  }
0x57: {  	s17 =	sadd.s32 $0x18000, s3;
	s16 =	sshrl.u32 s16, $0x3;
	s12 =	sshrl.u32 s23, $0x3;
	v1 =	vsel vm0, $0x781, v1;
	v2 =	vsel vm0, $0xB81, v2;
	v3 =	vsel vm0, $0xF81, v3  }
0x58: {  	s26 =	sshrl.u32 s14, $0x3;
	s14 =	sadd.s32 $0x81000, s25;
	s23 =	simm.s32 $0x14000;
	v4 =	vsel vm0, $0x1381, v4;
	v5 =	vsel vm0, $0x1781, v5;
	v6 =	vsel vm0, $0x1B81, v6  }
0x59: {  	s25 =	simm.s32 $0x1;
	s7 =	sadd.s32 s9, s16;
	s9 =	sadd.s32 s9, s22;
	v7 =	vsel vm0, $0x1F81, v7;
	v8 =	vsel vm0, $0x2381, v8;
	v9 =	vsel vm0, $0x2781, v9  }
0x5a: {  	s10 =	sadd.s32 s1, s12;
	s12 =	sadd.s32 s1, s26;
	s16 =	sadd.s32 $0x10000, s3;
	v10 =	vsel vm0, $0x2B81, v10;
	v11 =	vsel vm0, $0x2F81, v11;
	v12 =	vsel vm0, $0x3381, v12  }
0x5b: {  	s22 =	simm.s32 $0x10000;
	s26 =	simm.s32 $0x5;
	s1 =	simm.s32 $0x6;
	v13 =	vsel vm0, $0x3781, v13;
	v14 =	vsel vm0, $0x3B81, v14;
	v15 =	vsel vm0, $0x3F81, v15  }
.LBB2_1:
0x5c: {  	[tilespmem:s22], [sflag:$0x3] =	stream.strided.gather [hbm4b:s3+s20], $0x4000, s21, s20, $0x38;
	[tilespmem:$0x1A000] =	vst v63  }
0x5d: {  	s0 =	rddreg [dreg:$0x7]  }
0x5e: {  	[tilespmem:s23], [sflag:$0x4] =	stream.strided.gather [hbm4b:s0+s20], $0x4000, s21, s20, $0x38;
	[tilespmem:$0x1A000] =	vst v63  }
0x5f: {  	_ = 	snop  }
0x60: {  	[tilespmem:s2], [sflag:$0x1] =	stream.linear.gather [hbm4b:s4+s2], $0x8000, $0x38;
	[tilespmem:$0x1A000] =	vst v63  }
0x61: {  	_ = 	snop  }
0x62: {  	[tilespmem:s24], [sflag:$0x2] =	stream.linear.gather [hbm4b:s5+s2], $0x8000, $0x38;
	[tilespmem:$0x1A000] =	vst v63  }
0x63: {  	_ =	swait.ge [sflag:s25], $0x8000  }
0x64: {  	[sflag:s25] =	ssyncset.done $0x0  }
0x65: {  	[sflag:s25] =	ssyncadd.s32 $0xFFFF8000  }
0x66: {  	[hbm4b:s6+s2] =	stream.linear.scatter [tilespmem:s2], [sflag:$0x5], $0x8000, $0x38;
	[tilespmem:$0x1A000] =	vst v63  }
0x67: {  	_ =	swait.ge [sflag:s26], $0x8000  }
0x68: {  	[sflag:s26] =	ssyncset.done $0x0  }
0x69: {  	[sflag:s26] =	ssyncadd.s32 $0xFFFF8000  }
0x6a: {  	[tilespmem:s2], [sflag:$0x1] =	stream.linear.gather [hbm4b:s7+s2], $0x8000, $0x38;
	[tilespmem:$0x1A000] =	vst v63  }
0x6b: {  	_ =	swait.ge [sflag:s28], $0x8000  }
0x6c: {  	[sflag:s28] =	ssyncset.done $0x0  }
0x6d: {  	[sflag:s28] =	ssyncadd.s32 $0xFFFF8000  }
0x6e: {  	[hbm4b:s8+s2] =	stream.linear.scatter [tilespmem:s24], [sflag:$0x5], $0x8000, $0x38;
	[tilespmem:$0x1A000] =	vst v63  }
0x6f: {  	_ =	swait.ge [sflag:s26], $0x8000  }
0x70: {  	[sflag:s26] =	ssyncset.done $0x0  }
0x71: {  	[sflag:s26] =	ssyncadd.s32 $0xFFFF8000  }
0x72: {  	[tilespmem:s24], [sflag:$0x2] =	stream.linear.gather [hbm4b:s9+s2], $0x8000, $0x38;
	[tilespmem:$0x1A000] =	vst v63  }
0x73: {  	_ =	swait.ge [sflag:s25], $0x8000  }
0x74: {  	[sflag:s25] =	ssyncset.done $0x0  }
0x75: {  	[sflag:s25] =	ssyncadd.s32 $0xFFFF8000  }
0x76: {  	[hbm4b:s10+s2] =	stream.linear.scatter [tilespmem:s2], [sflag:$0x5], $0x8000, $0x38;
	[tilespmem:$0x1A000] =	vst v63  }
0x77: {  	_ =	swait.ge [sflag:s26], $0x8000  }
0x78: {  	[sflag:s26] =	ssyncset.done $0x0  }
0x79: {  	[sflag:s26] =	ssyncadd.s32 $0xFFFF8000  }
0x7a: {  	[tilespmem:s2], [sflag:$0x1] =	stream.linear.gather [hbm4b:s11+s2], $0x8000, $0x38;
	[tilespmem:$0x1A000] =	vst v63  }
0x7b: {  	_ =	swait.ge [sflag:s28], $0x8000  }
0x7c: {  	[sflag:s28] =	ssyncset.done $0x0  }
0x7d: {  	[sflag:s28] =	ssyncadd.s32 $0xFFFF8000  }
0x7e: {  	[hbm4b:s12+s2] =	stream.linear.scatter [tilespmem:s24], [sflag:$0x5], $0x8000, $0x38;
	[tilespmem:$0x1A000] =	vst v63  }
0x7f: {  	_ =	swait.ge [sflag:s26], $0x8000  }
0x80: {  	[sflag:s26] =	ssyncset.done $0x0  }
0x81: {  	[sflag:s26] =	ssyncadd.s32 $0xFFFF8000  }
0x82: {  	[tilespmem:s24], [sflag:$0x2] =	stream.linear.gather [hbm4b:s14+s2], $0x8000, $0x38;
	[tilespmem:$0x1A000] =	vst v63  }
0x83: {  	_ =	swait.ge [sflag:s25], $0x8000  }
0x84: {  	[sflag:s25] =	ssyncset.done $0x0  }
0x85: {  	[sflag:s25] =	ssyncadd.s32 $0xFFFF8000  }
0x86: {  	[hbm4b:s13+s2] =	stream.linear.scatter [tilespmem:s2], [sflag:$0x5], $0x8000, $0x38;
	[tilespmem:$0x1A000] =	vst v63  }
0x87: {  	_ =	swait.ge [sflag:s28], $0x8000  }
0x88: {  	[sflag:s28] =	ssyncset.done $0x0  }
0x89: {  	[sflag:s28] =	ssyncadd.s32 $0xFFFF8000  }
0x8a: {  	[hbm4b:s15+s2] =	stream.linear.scatter [tilespmem:s24], [sflag:$0x5], $0x8000, $0x38;
	[tilespmem:$0x1A000] =	vst v63  }
0x8b: {  	_ =	swait.ge [sflag:s29], $0x4000  }
0x8c: {  	[sflag:s29] =	ssyncset.done $0x0  }
0x8d: {  	[sflag:s29] =	ssyncadd.s32 $0xFFFFC000  }
0x8e: {  	v16 =	vld.idx.msk [tilespmem:v0+s22+$0x0], $0xffff;
	_ =	sdelay $0x4  }
0x8f: {  	[tilespmem:$0x18000] =	vst v16  }
0x90: {  	v16 =	vld.idx.msk [tilespmem:v1+s22+$0x0], $0xffff;
	_ =	sdelay $0x4  }
0x91: {  	[tilespmem:$0x18080] =	vst v16  }
0x92: {  	v16 =	vld.idx.msk [tilespmem:v2+s22+$0x0], $0xffff;
	_ =	sdelay $0x4  }
0x93: {  	[tilespmem:$0x18100] =	vst v16  }
0x94: {  	v16 =	vld.idx.msk [tilespmem:v3+s22+$0x0], $0xffff;
	_ =	sdelay $0x4  }
0x95: {  	[tilespmem:$0x18180] =	vst v16  }
0x96: {  	v16 =	vld.idx.msk [tilespmem:v4+s22+$0x0], $0xffff;
	_ =	sdelay $0x4  }
0x97: {  	[tilespmem:$0x18200] =	vst v16  }
0x98: {  	v16 =	vld.idx.msk [tilespmem:v5+s22+$0x0], $0xffff;
	_ =	sdelay $0x4  }
0x99: {  	[tilespmem:$0x18280] =	vst v16  }
0x9a: {  	v16 =	vld.idx.msk [tilespmem:v6+s22+$0x0], $0xffff;
	_ =	sdelay $0x4  }
0x9b: {  	[tilespmem:$0x18300] =	vst v16  }
0x9c: {  	v16 =	vld.idx.msk [tilespmem:v7+s22+$0x0], $0xffff;
	_ =	sdelay $0x4  }
0x9d: {  	[tilespmem:$0x18380] =	vst v16  }
0x9e: {  	v16 =	vld.idx.msk [tilespmem:v8+s22+$0x0], $0xffff;
	_ =	sdelay $0x4  }
0x9f: {  	[tilespmem:$0x18400] =	vst v16  }
0xa0: {  	v16 =	vld.idx.msk [tilespmem:v9+s22+$0x0], $0xffff;
	_ =	sdelay $0x4  }
0xa1: {  	[tilespmem:$0x18480] =	vst v16  }
0xa2: {  	v16 =	vld.idx.msk [tilespmem:v10+s22+$0x0], $0xffff;
	_ =	sdelay $0x4  }
0xa3: {  	[tilespmem:$0x18500] =	vst v16  }
0xa4: {  	v16 =	vld.idx.msk [tilespmem:v11+s22+$0x0], $0xffff;
	_ =	sdelay $0x4  }
0xa5: {  	[tilespmem:$0x18580] =	vst v16  }
0xa6: {  	v16 =	vld.idx.msk [tilespmem:v12+s22+$0x0], $0xffff;
	_ =	sdelay $0x4  }
0xa7: {  	[tilespmem:$0x18600] =	vst v16  }
0xa8: {  	v16 =	vld.idx.msk [tilespmem:v13+s22+$0x0], $0xffff;
	_ =	sdelay $0x4  }
0xa9: {  	[tilespmem:$0x18680] =	vst v16  }
0xaa: {  	v16 =	vld.idx.msk [tilespmem:v14+s22+$0x0], $0xffff;
	_ =	sdelay $0x4  }
0xab: {  	[tilespmem:$0x18700] =	vst v16  }
0xac: {  	v16 =	vld.idx.msk [tilespmem:v15+s22+$0x0], $0xffff;
	_ =	sdelay $0x4  }
0xad: {  	[tilespmem:$0x18780] =	vst v16  }
0xae: {  	[tilespmem:s22], [sflag:$0x3] =	stream.strided.gather [hbm4b:s16+s20], $0x4000, s21, s20, $0x38;
	[tilespmem:$0x1A000] =	vst v63  }
0xaf: {  	_ =	swait.ge [sflag:s30], $0x4000  }
0xb0: {  	[sflag:s30] =	ssyncset.done $0x0  }
0xb1: {  	[sflag:s30] =	ssyncadd.s32 $0xFFFFC000  }
0xb2: {  	v16 =	vld.idx.msk [tilespmem:v0+s23+$0x0], $0xffff;
	_ =	sdelay $0x4  }
0xb3: {  	[tilespmem:$0x18800] =	vst v16  }
0xb4: {  	v16 =	vld.idx.msk [tilespmem:v1+s23+$0x0], $0xffff;
	_ =	sdelay $0x4  }
0xb5: {  	[tilespmem:$0x18880] =	vst v16  }
0xb6: {  	v16 =	vld.idx.msk [tilespmem:v2+s23+$0x0], $0xffff;
	_ =	sdelay $0x4  }
0xb7: {  	[tilespmem:$0x18900] =	vst v16  }
0xb8: {  	v16 =	vld.idx.msk [tilespmem:v3+s23+$0x0], $0xffff;
	_ =	sdelay $0x4  }
0xb9: {  	[tilespmem:$0x18980] =	vst v16  }
0xba: {  	v16 =	vld.idx.msk [tilespmem:v4+s23+$0x0], $0xffff;
	_ =	sdelay $0x4  }
0xbb: {  	[tilespmem:$0x18A00] =	vst v16  }
0xbc: {  	v16 =	vld.idx.msk [tilespmem:v5+s23+$0x0], $0xffff;
	_ =	sdelay $0x4  }
0xbd: {  	[tilespmem:$0x18A80] =	vst v16  }
0xbe: {  	v16 =	vld.idx.msk [tilespmem:v6+s23+$0x0], $0xffff;
	_ =	sdelay $0x4  }
0xbf: {  	[tilespmem:$0x18B00] =	vst v16  }
0xc0: {  	v16 =	vld.idx.msk [tilespmem:v7+s23+$0x0], $0xffff;
	_ =	sdelay $0x4  }
0xc1: {  	[tilespmem:$0x18B80] =	vst v16  }
0xc2: {  	v16 =	vld.idx.msk [tilespmem:v8+s23+$0x0], $0xffff;
	_ =	sdelay $0x4  }
0xc3: {  	[tilespmem:$0x18C00] =	vst v16  }
0xc4: {  	v16 =	vld.idx.msk [tilespmem:v9+s23+$0x0], $0xffff;
	_ =	sdelay $0x4  }
0xc5: {  	[tilespmem:$0x18C80] =	vst v16  }
0xc6: {  	v16 =	vld.idx.msk [tilespmem:v10+s23+$0x0], $0xffff;
	_ =	sdelay $0x4  }
0xc7: {  	[tilespmem:$0x18D00] =	vst v16  }
0xc8: {  	v16 =	vld.idx.msk [tilespmem:v11+s23+$0x0], $0xffff;
	_ =	sdelay $0x4  }
0xc9: {  	[tilespmem:$0x18D80] =	vst v16  }
0xca: {  	v16 =	vld.idx.msk [tilespmem:v12+s23+$0x0], $0xffff;
	_ =	sdelay $0x4  }
0xcb: {  	[tilespmem:$0x18E00] =	vst v16  }
0xcc: {  	v16 =	vld.idx.msk [tilespmem:v13+s23+$0x0], $0xffff;
	_ =	sdelay $0x4  }
0xcd: {  	[tilespmem:$0x18E80] =	vst v16  }
0xce: {  	v16 =	vld.idx.msk [tilespmem:v14+s23+$0x0], $0xffff;
	_ =	sdelay $0x4  }
0xcf: {  	[tilespmem:$0x18F00] =	vst v16  }
0xd0: {  	v16 =	vld.idx.msk [tilespmem:v15+s23+$0x0], $0xffff;
	_ =	sdelay $0x4  }
0xd1: {  	[tilespmem:$0x18F80] =	vst v16  }
0xd2: {  	[tilespmem:s23], [sflag:$0x4] =	stream.strided.gather [hbm4b:s17+s20], $0x4000, s21, s20, $0x38;
	[tilespmem:$0x1A000] =	vst v63  }
0xd3: {  	_ =	swait.ge [sflag:s29], $0x4000  }
0xd4: {  	[sflag:s29] =	ssyncset.done $0x0  }
0xd5: {  	[sflag:s29] =	ssyncadd.s32 $0xFFFFC000  }
0xd6: {  	v16 =	vld.idx.msk [tilespmem:v0+s22+$0x0], $0xffff;
	_ =	sdelay $0x4  }
0xd7: {  	[tilespmem:$0x19000] =	vst v16  }
0xd8: {  	v16 =	vld.idx.msk [tilespmem:v1+s22+$0x0], $0xffff;
	_ =	sdelay $0x4  }
0xd9: {  	[tilespmem:$0x19080] =	vst v16  }
0xda: {  	v16 =	vld.idx.msk [tilespmem:v2+s22+$0x0], $0xffff;
	_ =	sdelay $0x4  }
0xdb: {  	[tilespmem:$0x19100] =	vst v16  }
0xdc: {  	v16 =	vld.idx.msk [tilespmem:v3+s22+$0x0], $0xffff;
	_ =	sdelay $0x4  }
0xdd: {  	[tilespmem:$0x19180] =	vst v16  }
0xde: {  	v16 =	vld.idx.msk [tilespmem:v4+s22+$0x0], $0xffff;
	_ =	sdelay $0x4  }
0xdf: {  	[tilespmem:$0x19200] =	vst v16  }
0xe0: {  	v16 =	vld.idx.msk [tilespmem:v5+s22+$0x0], $0xffff;
	_ =	sdelay $0x4  }
0xe1: {  	[tilespmem:$0x19280] =	vst v16  }
0xe2: {  	v16 =	vld.idx.msk [tilespmem:v6+s22+$0x0], $0xffff;
	_ =	sdelay $0x4  }
0xe3: {  	[tilespmem:$0x19300] =	vst v16  }
0xe4: {  	v16 =	vld.idx.msk [tilespmem:v7+s22+$0x0], $0xffff;
	_ =	sdelay $0x4  }
0xe5: {  	[tilespmem:$0x19380] =	vst v16  }
0xe6: {  	v16 =	vld.idx.msk [tilespmem:v8+s22+$0x0], $0xffff;
	_ =	sdelay $0x4  }
0xe7: {  	[tilespmem:$0x19400] =	vst v16  }
0xe8: {  	v16 =	vld.idx.msk [tilespmem:v9+s22+$0x0], $0xffff;
	_ =	sdelay $0x4  }
0xe9: {  	[tilespmem:$0x19480] =	vst v16  }
0xea: {  	v16 =	vld.idx.msk [tilespmem:v10+s22+$0x0], $0xffff;
	_ =	sdelay $0x4  }
0xeb: {  	[tilespmem:$0x19500] =	vst v16  }
0xec: {  	v16 =	vld.idx.msk [tilespmem:v11+s22+$0x0], $0xffff;
	_ =	sdelay $0x4  }
0xed: {  	[tilespmem:$0x19580] =	vst v16  }
0xee: {  	v16 =	vld.idx.msk [tilespmem:v12+s22+$0x0], $0xffff;
	_ =	sdelay $0x4  }
0xef: {  	[tilespmem:$0x19600] =	vst v16  }
0xf0: {  	v16 =	vld.idx.msk [tilespmem:v13+s22+$0x0], $0xffff;
	_ =	sdelay $0x4  }
0xf1: {  	[tilespmem:$0x19680] =	vst v16  }
0xf2: {  	v16 =	vld.idx.msk [tilespmem:v14+s22+$0x0], $0xffff;
	_ =	sdelay $0x4  }
0xf3: {  	[tilespmem:$0x19700] =	vst v16  }
0xf4: {  	v16 =	vld.idx.msk [tilespmem:v15+s22+$0x0], $0xffff;
	_ =	sdelay $0x4  }
0xf5: {  	[tilespmem:$0x19780] =	vst v16  }
0xf6: {  	_ =	swait.ge [sflag:s30], $0x4000  }
0xf7: {  	[sflag:s30] =	ssyncset.done $0x0  }
0xf8: {  	[sflag:s30] =	ssyncadd.s32 $0xFFFFC000  }
0xf9: {  	v16 =	vld.idx.msk [tilespmem:v0+s23+$0x0], $0xffff;
	_ =	sdelay $0x4  }
0xfa: {  	[tilespmem:$0x19800] =	vst v16  }
0xfb: {  	v16 =	vld.idx.msk [tilespmem:v1+s23+$0x0], $0xffff;
	_ =	sdelay $0x4  }
0xfc: {  	[tilespmem:$0x19880] =	vst v16  }
0xfd: {  	v16 =	vld.idx.msk [tilespmem:v2+s23+$0x0], $0xffff;
	_ =	sdelay $0x4  }
0xfe: {  	[tilespmem:$0x19900] =	vst v16  }
0xff: {  	v16 =	vld.idx.msk [tilespmem:v3+s23+$0x0], $0xffff;
	_ =	sdelay $0x4  }
0x100: {  	[tilespmem:$0x19980] =	vst v16  }
0x101: {  	v16 =	vld.idx.msk [tilespmem:v4+s23+$0x0], $0xffff;
	_ =	sdelay $0x4  }
0x102: {  	[tilespmem:$0x19A00] =	vst v16  }
0x103: {  	v16 =	vld.idx.msk [tilespmem:v5+s23+$0x0], $0xffff;
	_ =	sdelay $0x4  }
0x104: {  	[tilespmem:$0x19A80] =	vst v16  }
0x105: {  	v16 =	vld.idx.msk [tilespmem:v6+s23+$0x0], $0xffff;
	_ =	sdelay $0x4  }
0x106: {  	[tilespmem:$0x19B00] =	vst v16  }
0x107: {  	v16 =	vld.idx.msk [tilespmem:v7+s23+$0x0], $0xffff;
	_ =	sdelay $0x4  }
0x108: {  	[tilespmem:$0x19B80] =	vst v16  }
0x109: {  	v16 =	vld.idx.msk [tilespmem:v8+s23+$0x0], $0xffff;
	_ =	sdelay $0x4  }
0x10a: {  	[tilespmem:$0x19C00] =	vst v16  }
0x10b: {  	v16 =	vld.idx.msk [tilespmem:v9+s23+$0x0], $0xffff;
	_ =	sdelay $0x4  }
0x10c: {  	[tilespmem:$0x19C80] =	vst v16  }
0x10d: {  	v16 =	vld.idx.msk [tilespmem:v10+s23+$0x0], $0xffff;
	_ =	sdelay $0x4  }
0x10e: {  	[tilespmem:$0x19D00] =	vst v16  }
0x10f: {  	v16 =	vld.idx.msk [tilespmem:v11+s23+$0x0], $0xffff;
	_ =	sdelay $0x4  }
0x110: {  	[tilespmem:$0x19D80] =	vst v16  }
0x111: {  	v16 =	vld.idx.msk [tilespmem:v12+s23+$0x0], $0xffff;
	_ =	sdelay $0x4  }
0x112: {  	[tilespmem:$0x19E00] =	vst v16  }
0x113: {  	v16 =	vld.idx.msk [tilespmem:v13+s23+$0x0], $0xffff;
	_ =	sdelay $0x4  }
0x114: {  	[tilespmem:$0x19E80] =	vst v16  }
0x115: {  	v16 =	vld.idx.msk [tilespmem:v14+s23+$0x0], $0xffff;
	_ =	sdelay $0x4  }
0x116: {  	[tilespmem:$0x19F00] =	vst v16  }
0x117: {  	v16 =	vld.idx.msk [tilespmem:v15+s23+$0x0], $0xffff;
	_ =	sdelay $0x4  }
0x118: {  	[tilespmem:$0x19F80] =	vst v16  }
0x119: {  	[hbm4b:s18+s2] =	stream.linear.scatter [tilespmem:s31], [sflag:$0x6], $0x2000, $0x38;
	[tilespmem:$0x1A000] =	vst v63  }
0x11a: {  	_ =	swait.ge [sflag:s26], $0x8000  }
0x11b: {  	[sflag:s26] =	ssyncset.done $0x0  }
0x11c: {  	[sflag:s26] =	ssyncadd.s32 $0xFFFF8000  }
0x11d: {  	p0 =	sne.s32 s19, $0x1;
	_ =	swait.ge [sflag:s26], $0x8000  }
.Ltmp0:
0x11e: {  	[sflag:s26] =	ssyncset.done $0x0;
	(pc) =	sbr.rel @p0 .LBB2_1-.Ltmp0, $4  }
0x11f: {  	[sflag:s26] =	ssyncadd.s32 $0xFFFF8000  }
0x120: {  	_ =	swait.ge [sflag:s1], $0x2000  }
0x121: {  	[sflag:s1] =	ssyncset.done $0x0  }
0x122: {  	s19 =	sadd.s32 $0xFFFFFFFF, s19;
	[sflag:s1] =	ssyncadd.s32 $0xFFFFE000  }
0x123: {  	_ =	sfence.sel $0x180000  }
0x124: {  	[bflag:$0x0] =	sbarrier.arrive $0xFFFF  }
0x125: {  	_ =	strace $0x90000047  }
0x126: {  	s0 =	stileid.u32;
	[bflag:$0x2] =	sbarrier.arrive $0xFFFF  }
0x127: {  	p0 =	sne.s32 s0, $0x0;
	s0 =	rddreg [dreg:$0x6]  }
0x128: {  	s0 =	sadd.s32 @!p0 $0x100000, s0  }
0x129: {  	[sflag:s0] =	ssyncadd.tile.s32 @!p0 $0x1;
	_ =	shalt  }
.Lfunc_end2:
_tile_overlayer_lowered:
.L_overlay_start_2:
0x12a: {  	(tag) =	ssettag $0x2  }
0x12b: {  	s0 =	rddreg [dreg:$0x0];
	s2 =	stileid.u32  }
0x12c: {  	s1 =	rddreg [dreg:$0x1];
	p0 =	sne.s32 s2, $0x0  }
0x12d: {  	s3 =	rddreg [dreg:$0x2];
	[bflag:$0x3] =	sbarrier.arrive $0xFFFF;
	s2 =	simm.s32 @!p0 $0x1C07  }
0x12e: {  	[timem:s3], [sflag:s2] =	dma.local @!p0 [hbm:s0], s1  }
0x12f: {  	s0 =	simm.s32 @!p0 $0x7  }
0x130: {  	_ =	swait.ge @!p0 [sflag:s0], s1  }
0x131: {  	s1 =	ssub.s32 @!p0 $0x0, s1;
	[sflag:s0] =	ssyncset.done @!p0 $0x0  }
0x132: {  	[sflag:s0] =	ssyncadd.s32 @!p0 s1  }
0x133: {  	[bflag:$0x3] =	sbarrier.arrive $0xFFFF  }
0x134: {  	_ =	shalt  }

</sc_bundles>
